<compile_context>
chip_gen: v7x
topology: tpu7x:2x2x1
jax: 0.10.2.dev20260603
libtpu: 0.0.44.dev20260713+nightly
codegen_flags: <defaults>
</compile_context>

<pallas_src>
import functools

import jax
import jax.numpy as jnp
from jax import lax
from jax.experimental import pallas as pl
from jax.experimental.pallas import tpu as pltpu
from jax.experimental.pallas import tpu_sc as plsc

NUM_NODES = 100000
HIDDEN_DIM = 128

CHUNK = 128
NBUF = 4
NS = 16

N_C0 = 3856
N_C1 = 2392
N_LAST = NUM_NODES - NS * N_C0 - (NS - 1) * N_C1
assert N_LAST % 8 == 0 and N_LAST > 0

_mesh = plsc.VectorSubcoreMesh(core_axis_name="c", subcore_axis_name="s")


def _pipeline(idx_hbm, table_hbm, out_hbm, idx_v, rows_v, gsem, osem,
              base, count):
    nfull = count // CHUNK
    tail = count % CHUNK
    ngr = nfull // NBUF
    rem = nfull - ngr * NBUF
    assert ngr >= 1

    pltpu.sync_copy(idx_hbm.at[pl.ds(base, count)],
                    idx_v.at[pl.ds(0, count)])

    def g_desc(j, b, size=CHUNK):
        dst = rows_v.at[b] if size == CHUNK else rows_v.at[b, pl.ds(0, size)]
        return pltpu.make_async_copy(
            table_hbm.at[idx_v.at[pl.ds(j * CHUNK, size)]], dst, gsem)

    def w_desc(j, b, size=CHUNK):
        src = rows_v.at[b] if size == CHUNK else rows_v.at[b, pl.ds(0, size)]
        return pltpu.make_async_copy(
            src, out_hbm.at[pl.ds(base + j * CHUNK, size)], osem)

    for b in range(NBUF):
        g_desc(b, b).start()

    def grp_body(g, _):
        cb = g * NBUF
        for b in range(NBUF):
            g_desc(cb + b, b).wait()
            w_desc(cb + b, b).start()
        for b in range(NBUF):
            w_desc(cb + b, b).wait()
            g_desc(cb + NBUF + b, b).start()
        return 0

    lax.fori_loop(0, ngr - 1, grp_body, 0)

    extras = [(ngr * NBUF + k, CHUNK) for k in range(rem)]
    if tail:
        extras.append((nfull, tail))
    cb = (ngr - 1) * NBUF
    for b in range(NBUF):
        g_desc(cb + b, b).wait()
        w_desc(cb + b, b).start()
    for k, (j, size) in enumerate(extras):
        w_desc(cb + k, k).wait()
        g_desc(j, k, size).start()
    for b in range(len(extras), NBUF):
        w_desc(cb + b, b).wait()
    for k, (j, size) in enumerate(extras):
        g_desc(j, k, size).wait()
        w_desc(j, k, size).start()
    for k, (j, size) in enumerate(extras):
        w_desc(j, k, size).wait()


@functools.partial(
    pl.kernel,
    mesh=_mesh,
    out_type=jax.ShapeDtypeStruct((NUM_NODES, HIDDEN_DIM), jnp.float32),
    scratch_types=[
        pltpu.VMEM((N_C0,), jnp.int32),
        pltpu.VMEM((NBUF, CHUNK, HIDDEN_DIM), jnp.float32),
        pltpu.SemaphoreType.DMA,
        pltpu.SemaphoreType.DMA,
    ],
)
def _gather_kernel(idx_hbm, table_hbm, out_hbm, idx_v, rows_v, gsem, osem):
    c = lax.axis_index("c")
    s = lax.axis_index("s")
    args = (idx_hbm, table_hbm, out_hbm, idx_v, rows_v, gsem, osem)

    @pl.when(c == 0)
    def _():
        _pipeline(*args, base=s * N_C0, count=N_C0)

    @pl.when((c == 1) & (s < NS - 1))
    def _():
        _pipeline(*args, base=NS * N_C0 + s * N_C1, count=N_C1)

    @pl.when((c == 1) & (s == NS - 1))
    def _():
        _pipeline(*args, base=NS * N_C0 + (NS - 1) * N_C1, count=N_LAST)


def kernel(node_ids, table):
    node_ids = node_ids.reshape(-1).astype(jnp.int32)
    return _gather_kernel(node_ids, table)

# --- scband reference (transcript-rebuilt; emitter-appended) ---
"""Pipeline reference for scband-rgcnembedding-79104707658104 (READ-ONLY COPY).

The authoritative reference and input builder live on the scoring server;
editing this copy changes nothing except your own understanding.
"""

import jax, jax.numpy as jnp
import numpy as np

NUM_NODES = 100000
HIDDEN_DIM = 128

def setup_inputs(seed: int = 0) -> dict:
    key = jax.random.key(seed)
    k_idx, k_tab = jax.random.split(key)
    node_ids = jax.random.randint(k_idx, (NUM_NODES,), 0, NUM_NODES, dtype=jnp.int64 if jax.config.jax_enable_x64 else jnp.int32)
    table = jax.random.normal(k_tab, (NUM_NODES, HIDDEN_DIM), dtype=jnp.float32)
    return {"node_ids": node_ids, "table": table}

def reference(node_ids, table):
    # RGCNEmbedding.forward: node_embedding = self.embedding(node_ids)
    # Embedding lookup == row gather from the table.
    node_ids = node_ids.reshape(-1)  # mirrors .squeeze()
    node_embedding = jnp.take(table, node_ids, axis=0)
    return node_embedding

if __name__ == "__main__":
    import jax
    _d = setup_inputs()
    print(jax.jit(kernel)(*tuple(_d.values())))

</pallas_src>

<mosaic_0001>
#map = affine_map<(d0, d1) -> (0)>
#map1 = affine_map<(d0, d1) -> (0, 0)>
module attributes {stable_mosaic.version = 14 : i64} {
  func.func @_gather_kernel(%arg0: i32, %arg1: i32, %arg2: memref<100000xi32, #tpu.memory_space<hbm>>, %arg3: memref<100000x128xf32, #tpu.memory_space<hbm>>, %arg4: memref<100000x128xf32, #tpu.memory_space<hbm>>, %arg5: memref<3856xi32, #tpu.memory_space<vmem>>, %arg6: memref<4x128x128xf32, #tpu.memory_space<vmem>>, %arg7: memref<!tpu.dma_semaphore, #tpu.memory_space<semaphore_mem>>, %arg8: memref<!tpu.dma_semaphore, #tpu.memory_space<semaphore_mem>>) attributes {dimension_semantics = [#tpu.dimension_semantics<core_parallel>, #tpu.dimension_semantics<subcore_parallel>], iteration_bounds = array<i64: 2, 16>, scalar_prefetch = 0 : i64, scratch_operands = 4 : i64, tpu.core_type = #tpu.core_type<sc_vector_subcore>, window_params = [{transform_indices = #map}, {transform_indices = #map1}, {transform_indices = #map1}]} {
    %eq3A = arith.constant 0 : i32
    %eq3A_0 = arith.cmpi eq, %arg0, %eq3A : i32
    %convert_element_type3A = arith.extui %eq3A_0 : i1 to i32
    %cond3A = arith.constant 0 : i32
    %cond3A_1 = arith.cmpi ne, %convert_element_type3A, %cond3A : i32
    scf.if %cond3A_1 {
      %mul3A = arith.constant 3856 : i32
      %mul3A_16 = arith.muli %arg1, %mul3A : i32
      "tpu.region"() ({
        %run_scoped3A = tpu.sem_alloc : memref<!tpu.dma_semaphore, #tpu.memory_space<semaphore_mem>>
        %dma_start3A_370 = arith.constant 0 : i32
        %dma_start3A_371 = tpu.memref_slice %arg5[%dma_start3A_370] : memref<3856xi32, #tpu.memory_space<vmem>> -> memref<3856xi32, #tpu.memory_space<vmem>>
        %dma_start3A_372 = tpu.memref_slice %arg2[%mul3A_16] : memref<100000xi32, #tpu.memory_space<hbm>> -> memref<3856xi32, #tpu.memory_space<hbm>>
        %dma_start3A_373 = arith.constant 0 : i32
        %dma_start3A_374 = tpu.memref_slice %arg5[%dma_start3A_373] : memref<3856xi32, #tpu.memory_space<vmem>> -> memref<3856xi32, #tpu.memory_space<vmem>>
        %dma_start3A_375 = tpu.memref_slice %arg2[%mul3A_16] : memref<100000xi32, #tpu.memory_space<hbm>> -> memref<3856xi32, #tpu.memory_space<hbm>>
        tpu.enqueue_dma source(%dma_start3A_375 : memref<3856xi32, #tpu.memory_space<hbm>>) target(%dma_start3A_374 : memref<3856xi32, #tpu.memory_space<vmem>>) target_semaphore(%run_scoped3A : memref<!tpu.dma_semaphore, #tpu.memory_space<semaphore_mem>>)
        %dma_wait3A_376 = arith.constant 0 : i32
        %dma_wait3A_377 = tpu.memref_slice %arg5[%dma_wait3A_376] : memref<3856xi32, #tpu.memory_space<vmem>> -> memref<3856xi32, #tpu.memory_space<vmem>>
        %dma_wait3A_378 = tpu.memref_slice %arg2[%mul3A_16] : memref<100000xi32, #tpu.memory_space<hbm>> -> memref<3856xi32, #tpu.memory_space<hbm>>
        %dma_wait3A_379 = arith.constant 0 : i32
        %dma_wait3A_380 = tpu.memref_slice %arg5[%dma_wait3A_379] : memref<3856xi32, #tpu.memory_space<vmem>> -> memref<3856xi32, #tpu.memory_space<vmem>>
        %dma_wait3A_381 = tpu.memref_slice %arg2[%mul3A_16] : memref<100000xi32, #tpu.memory_space<hbm>> -> memref<3856xi32, #tpu.memory_space<hbm>>
        tpu.wait_dma2 semaphore(%run_scoped3A : memref<!tpu.dma_semaphore, #tpu.memory_space<semaphore_mem>>) src(%dma_wait3A_381 : memref<3856xi32, #tpu.memory_space<hbm>>) dst(%dma_wait3A_380 : memref<3856xi32, #tpu.memory_space<vmem>>)
        tpu.yield
      }) : () -> ()
      %dma_start3A = arith.constant 0 : i32
      %dma_start3A_17 = arith.constant 0 : i32
      %dma_start3A_18 = arith.constant 0 : i32
      %dma_start3A_19 = tpu.memref_slice %arg6[%dma_start3A, %dma_start3A_17, %dma_start3A_18] : memref<4x128x128xf32, #tpu.memory_space<vmem>> -> memref<1x128x128xf32, #tpu.memory_space<vmem>>
      %dma_start3A_20 = tpu.memref_squeeze %dma_start3A_19 : memref<1x128x128xf32, #tpu.memory_space<vmem>> -> memref<128x128xf32, #tpu.memory_space<vmem>>
      %dma_start3A_21 = arith.constant 0 : i32
      %dma_start3A_22 = tpu.memref_slice %arg5[%dma_start3A_21] : memref<3856xi32, #tpu.memory_space<vmem>> -> memref<128xi32, #tpu.memory_space<vmem>>
      %dma_start3A_23 = arith.constant 0 : i32
      %dma_start3A_24 = arith.constant 0 : i32
      %dma_start3A_25 = tpu.memref_slice %arg3[%dma_start3A_23, %dma_start3A_24] : memref<100000x128xf32, #tpu.memory_space<hbm>> -> memref<100000x128xf32, #tpu.memory_space<hbm>>
      tpu.enqueue_indirect_dma source(%dma_start3A_25 : memref<100000x128xf32, #tpu.memory_space<hbm>>) target(%dma_start3A_20 : memref<128x128xf32, #tpu.memory_space<vmem>>) offsets(%dma_start3A_22 : memref<128xi32, #tpu.memory_space<vmem>>) semaphore(%arg7 : memref<!tpu.dma_semaphore, #tpu.memory_space<semaphore_mem>>)
      %dma_start3A_26 = arith.constant 1 : i32
      %dma_start3A_27 = arith.constant 0 : i32
      %dma_start3A_28 = arith.constant 0 : i32
      %dma_start3A_29 = tpu.memref_slice %arg6[%dma_start3A_26, %dma_start3A_27, %dma_start3A_28] : memref<4x128x128xf32, #tpu.memory_space<vmem>> -> memref<1x128x128xf32, #tpu.memory_space<vmem>>
      %dma_start3A_30 = tpu.memref_squeeze %dma_start3A_29 : memref<1x128x128xf32, #tpu.memory_space<vmem>> -> memref<128x128xf32, #tpu.memory_space<vmem>>
      %dma_start3A_31 = arith.constant 128 : i32
      %dma_start3A_32 = tpu.memref_slice %arg5[%dma_start3A_31] : memref<3856xi32, #tpu.memory_space<vmem>> -> memref<128xi32, #tpu.memory_space<vmem>>
      %dma_start3A_33 = arith.constant 0 : i32
      %dma_start3A_34 = arith.constant 0 : i32
      %dma_start3A_35 = tpu.memref_slice %arg3[%dma_start3A_33, %dma_start3A_34] : memref<100000x128xf32, #tpu.memory_space<hbm>> -> memref<100000x128xf32, #tpu.memory_space<hbm>>
      tpu.enqueue_indirect_dma source(%dma_start3A_35 : memref<100000x128xf32, #tpu.memory_space<hbm>>) target(%dma_start3A_30 : memref<128x128xf32, #tpu.memory_space<vmem>>) offsets(%dma_start3A_32 : memref<128xi32, #tpu.memory_space<vmem>>) semaphore(%arg7 : memref<!tpu.dma_semaphore, #tpu.memory_space<semaphore_mem>>)
      %dma_start3A_36 = arith.constant 2 : i32
      %dma_start3A_37 = arith.constant 0 : i32
      %dma_start3A_38 = arith.constant 0 : i32
      %dma_start3A_39 = tpu.memref_slice %arg6[%dma_start3A_36, %dma_start3A_37, %dma_start3A_38] : memref<4x128x128xf32, #tpu.memory_space<vmem>> -> memref<1x128x128xf32, #tpu.memory_space<vmem>>
      %dma_start3A_40 = tpu.memref_squeeze %dma_start3A_39 : memref<1x128x128xf32, #tpu.memory_space<vmem>> -> memref<128x128xf32, #tpu.memory_space<vmem>>
      %dma_start3A_41 = arith.constant 256 : i32
      %dma_start3A_42 = tpu.memref_slice %arg5[%dma_start3A_41] : memref<3856xi32, #tpu.memory_space<vmem>> -> memref<128xi32, #tpu.memory_space<vmem>>
      %dma_start3A_43 = arith.constant 0 : i32
      %dma_start3A_44 = arith.constant 0 : i32
      %dma_start3A_45 = tpu.memref_slice %arg3[%dma_start3A_43, %dma_start3A_44] : memref<100000x128xf32, #tpu.memory_space<hbm>> -> memref<100000x128xf32, #tpu.memory_space<hbm>>
      tpu.enqueue_indirect_dma source(%dma_start3A_45 : memref<100000x128xf32, #tpu.memory_space<hbm>>) target(%dma_start3A_40 : memref<128x128xf32, #tpu.memory_space<vmem>>) offsets(%dma_start3A_42 : memref<128xi32, #tpu.memory_space<vmem>>) semaphore(%arg7 : memref<!tpu.dma_semaphore, #tpu.memory_space<semaphore_mem>>)
      %dma_start3A_46 = arith.constant 3 : i32
      %dma_start3A_47 = arith.constant 0 : i32
      %dma_start3A_48 = arith.constant 0 : i32
      %dma_start3A_49 = tpu.memref_slice %arg6[%dma_start3A_46, %dma_start3A_47, %dma_start3A_48] : memref<4x128x128xf32, #tpu.memory_space<vmem>> -> memref<1x128x128xf32, #tpu.memory_space<vmem>>
      %dma_start3A_50 = tpu.memref_squeeze %dma_start3A_49 : memref<1x128x128xf32, #tpu.memory_space<vmem>> -> memref<128x128xf32, #tpu.memory_space<vmem>>
      %dma_start3A_51 = arith.constant 384 : i32
      %dma_start3A_52 = tpu.memref_slice %arg5[%dma_start3A_51] : memref<3856xi32, #tpu.memory_space<vmem>> -> memref<128xi32, #tpu.memory_space<vmem>>
      %dma_start3A_53 = arith.constant 0 : i32
      %dma_start3A_54 = arith.constant 0 : i32
      %dma_start3A_55 = tpu.memref_slice %arg3[%dma_start3A_53, %dma_start3A_54] : memref<100000x128xf32, #tpu.memory_space<hbm>> -> memref<100000x128xf32, #tpu.memory_space<hbm>>
      tpu.enqueue_indirect_dma source(%dma_start3A_55 : memref<100000x128xf32, #tpu.memory_space<hbm>>) target(%dma_start3A_50 : memref<128x128xf32, #tpu.memory_space<vmem>>) offsets(%dma_start3A_52 : memref<128xi32, #tpu.memory_space<vmem>>) semaphore(%arg7 : memref<!tpu.dma_semaphore, #tpu.memory_space<semaphore_mem>>)
      %scan3A = arith.constant 0 : i32
      %scan3A_56 = arith.constant 0 : i32
      %scan3A_57 = arith.constant 6 : i32
      %scan3A_58 = arith.addi %scan3A_56, %scan3A_57 : i32
      %scan3A_59 = arith.constant 1 : i32
      %scan3A_60 = scf.for %scan3A_370 = %scan3A_56 to %scan3A_58 step %scan3A_59 iter_args(%scan3A_371 = %scan3A) -> (i32)  : i32 {
        %mul3A_372 = arith.constant 4 : i32
        %mul3A_373 = arith.muli %scan3A_370, %mul3A_372 : i32
        %add3A_374 = arith.constant 0 : i32
        %add3A_375 = arith.addi %mul3A_373, %add3A_374 : i32
        %mul3A_376 = arith.constant 128 : i32
        %mul3A_377 = arith.muli %add3A_375, %mul3A_376 : i32
        %dma_wait3A_378 = arith.constant 0 : i32
        %dma_wait3A_379 = arith.constant 0 : i32
        %dma_wait3A_380 = arith.constant 0 : i32
        %dma_wait3A_381 = tpu.memref_slice %arg6[%dma_wait3A_378, %dma_wait3A_379, %dma_wait3A_380] : memref<4x128x128xf32, #tpu.memory_space<vmem>> -> memref<1x128x128xf32, #tpu.memory_space<vmem>>
        %dma_wait3A_382 = tpu.memref_squeeze %dma_wait3A_381 : memref<1x128x128xf32, #tpu.memory_space<vmem>> -> memref<128x128xf32, #tpu.memory_space<vmem>>
        %dma_wait3A_383 = tpu.memref_slice %arg5[%mul3A_377] : memref<3856xi32, #tpu.memory_space<vmem>> -> memref<128xi32, #tpu.memory_space<vmem>>
        %dma_wait3A_384 = arith.constant 0 : i32
        %dma_wait3A_385 = arith.constant 0 : i32
        %dma_wait3A_386 = tpu.memref_slice %arg3[%dma_wait3A_384, %dma_wait3A_385] : memref<100000x128xf32, #tpu.memory_space<hbm>> -> memref<100000x128xf32, #tpu.memory_space<hbm>>
        tpu.wait_indirect_dma semaphore(%arg7 : memref<!tpu.dma_semaphore, #tpu.memory_space<semaphore_mem>>) src(%dma_wait3A_386 : memref<100000x128xf32, #tpu.memory_space<hbm>>) dst(%dma_wait3A_382 : memref<128x128xf32, #tpu.memory_space<vmem>>)
        %add3A_387 = arith.constant 0 : i32
        %add3A_388 = arith.addi %mul3A_373, %add3A_387 : i32
        %mul3A_389 = arith.constant 128 : i32
        %mul3A_390 = arith.muli %add3A_388, %mul3A_389 : i32
        %add3A_391 = arith.addi %mul3A_16, %mul3A_390 : i32
        %dma_start3A_392 = arith.constant 0 : i32
        %dma_start3A_393 = arith.constant 0 : i32
        %dma_start3A_394 = arith.constant 0 : i32
        %dma_start3A_395 = tpu.memref_slice %arg6[%dma_start3A_392, %dma_start3A_393, %dma_start3A_394] : memref<4x128x128xf32, #tpu.memory_space<vmem>> -> memref<1x128x128xf32, #tpu.memory_space<vmem>>
        %dma_start3A_396 = tpu.memref_squeeze %dma_start3A_395 : memref<1x128x128xf32, #tpu.memory_space<vmem>> -> memref<128x128xf32, #tpu.memory_space<vmem>>
        %dma_start3A_397 = arith.constant 0 : i32
        %dma_start3A_398 = tpu.memref_slice %arg4[%add3A_391, %dma_start3A_397] : memref<100000x128xf32, #tpu.memory_space<hbm>> -> memref<128x128xf32, #tpu.memory_space<hbm>>
        %dma_start3A_399 = arith.constant 0 : i32
        %dma_start3A_400 = tpu.memref_slice %arg4[%add3A_391, %dma_start3A_399] : memref<100000x128xf32, #tpu.memory_space<hbm>> -> memref<128x128xf32, #tpu.memory_space<hbm>>
        %dma_start3A_401 = arith.constant 0 : i32
        %dma_start3A_402 = arith.constant 0 : i32
        %dma_start3A_403 = tpu.memref_slice %arg6[%dma_start3A_392, %dma_start3A_401, %dma_start3A_402] : memref<4x128x128xf32, #tpu.memory_space<vmem>> -> memref<1x128x128xf32, #tpu.memory_space<vmem>>
        %dma_start3A_404 = tpu.memref_squeeze %dma_start3A_403 : memref<1x128x128xf32, #tpu.memory_space<vmem>> -> memref<128x128xf32, #tpu.memory_space<vmem>>
        tpu.enqueue_dma source(%dma_start3A_404 : memref<128x128xf32, #tpu.memory_space<vmem>>) target(%dma_start3A_400 : memref<128x128xf32, #tpu.memory_space<hbm>>) target_semaphore(%arg8 : memref<!tpu.dma_semaphore, #tpu.memory_space<semaphore_mem>>)
        %add3A_405 = arith.constant 1 : i32
        %add3A_406 = arith.addi %mul3A_373, %add3A_405 : i32
        %mul3A_407 = arith.constant 128 : i32
        %mul3A_408 = arith.muli %add3A_406, %mul3A_407 : i32
        %dma_wait3A_409 = arith.constant 1 : i32
        %dma_wait3A_410 = arith.constant 0 : i32
        %dma_wait3A_411 = arith.constant 0 : i32
        %dma_wait3A_412 = tpu.memref_slice %arg6[%dma_wait3A_409, %dma_wait3A_410, %dma_wait3A_411] : memref<4x128x128xf32, #tpu.memory_space<vmem>> -> memref<1x128x128xf32, #tpu.memory_space<vmem>>
        %dma_wait3A_413 = tpu.memref_squeeze %dma_wait3A_412 : memref<1x128x128xf32, #tpu.memory_space<vmem>> -> memref<128x128xf32, #tpu.memory_space<vmem>>
        %dma_wait3A_414 = tpu.memref_slice %arg5[%mul3A_408] : memref<3856xi32, #tpu.memory_space<vmem>> -> memref<128xi32, #tpu.memory_space<vmem>>
        %dma_wait3A_415 = arith.constant 0 : i32
        %dma_wait3A_416 = arith.constant 0 : i32
        %dma_wait3A_417 = tpu.memref_slice %arg3[%dma_wait3A_415, %dma_wait3A_416] : memref<100000x128xf32, #tpu.memory_space<hbm>> -> memref<100000x128xf32, #tpu.memory_space<hbm>>
        tpu.wait_indirect_dma semaphore(%arg7 : memref<!tpu.dma_semaphore, #tpu.memory_space<semaphore_mem>>) src(%dma_wait3A_417 : memref<100000x128xf32, #tpu.memory_space<hbm>>) dst(%dma_wait3A_413 : memref<128x128xf32, #tpu.memory_space<vmem>>)
        %add3A_418 = arith.constant 1 : i32
        %add3A_419 = arith.addi %mul3A_373, %add3A_418 : i32
        %mul3A_420 = arith.constant 128 : i32
        %mul3A_421 = arith.muli %add3A_419, %mul3A_420 : i32
        %add3A_422 = arith.addi %mul3A_16, %mul3A_421 : i32
        %dma_start3A_423 = arith.constant 1 : i32
        %dma_start3A_424 = arith.constant 0 : i32
        %dma_start3A_425 = arith.constant 0 : i32
        %dma_start3A_426 = tpu.memref_slice %arg6[%dma_start3A_423, %dma_start3A_424, %dma_start3A_425] : memref<4x128x128xf32, #tpu.memory_space<vmem>> -> memref<1x128x128xf32, #tpu.memory_space<vmem>>
        %dma_start3A_427 = tpu.memref_squeeze %dma_start3A_426 : memref<1x128x128xf32, #tpu.memory_space<vmem>> -> memref<128x128xf32, #tpu.memory_space<vmem>>
        %dma_start3A_428 = arith.constant 0 : i32
        %dma_start3A_429 = tpu.memref_slice %arg4[%add3A_422, %dma_start3A_428] : memref<100000x128xf32, #tpu.memory_space<hbm>> -> memref<128x128xf32, #tpu.memory_space<hbm>>
        %dma_start3A_430 = arith.constant 0 : i32
        %dma_start3A_431 = tpu.memref_slice %arg4[%add3A_422, %dma_start3A_430] : memref<100000x128xf32, #tpu.memory_space<hbm>> -> memref<128x128xf32, #tpu.memory_space<hbm>>
        %dma_start3A_432 = arith.constant 0 : i32
        %dma_start3A_433 = arith.constant 0 : i32
        %dma_start3A_434 = tpu.memref_slice %arg6[%dma_start3A_423, %dma_start3A_432, %dma_start3A_433] : memref<4x128x128xf32, #tpu.memory_space<vmem>> -> memref<1x128x128xf32, #tpu.memory_space<vmem>>
        %dma_start3A_435 = tpu.memref_squeeze %dma_start3A_434 : memref<1x128x128xf32, #tpu.memory_space<vmem>> -> memref<128x128xf32, #tpu.memory_space<vmem>>
        tpu.enqueue_dma source(%dma_start3A_435 : memref<128x128xf32, #tpu.memory_space<vmem>>) target(%dma_start3A_431 : memref<128x128xf32, #tpu.memory_space<hbm>>) target_semaphore(%arg8 : memref<!tpu.dma_semaphore, #tpu.memory_space<semaphore_mem>>)
        %add3A_436 = arith.constant 2 : i32
        %add3A_437 = arith.addi %mul3A_373, %add3A_436 : i32
        %mul3A_438 = arith.constant 128 : i32
        %mul3A_439 = arith.muli %add3A_437, %mul3A_438 : i32
        %dma_wait3A_440 = arith.constant 2 : i32
        %dma_wait3A_441 = arith.constant 0 : i32
        %dma_wait3A_442 = arith.constant 0 : i32
        %dma_wait3A_443 = tpu.memref_slice %arg6[%dma_wait3A_440, %dma_wait3A_441, %dma_wait3A_442] : memref<4x128x128xf32, #tpu.memory_space<vmem>> -> memref<1x128x128xf32, #tpu.memory_space<vmem>>
        %dma_wait3A_444 = tpu.memref_squeeze %dma_wait3A_443 : memref<1x128x128xf32, #tpu.memory_space<vmem>> -> memref<128x128xf32, #tpu.memory_space<vmem>>
        %dma_wait3A_445 = tpu.memref_slice %arg5[%mul3A_439] : memref<3856xi32, #tpu.memory_space<vmem>> -> memref<128xi32, #tpu.memory_space<vmem>>
        %dma_wait3A_446 = arith.constant 0 : i32
        %dma_wait3A_447 = arith.constant 0 : i32
        %dma_wait3A_448 = tpu.memref_slice %arg3[%dma_wait3A_446, %dma_wait3A_447] : memref<100000x128xf32, #tpu.memory_space<hbm>> -> memref<100000x128xf32, #tpu.memory_space<hbm>>
        tpu.wait_indirect_dma semaphore(%arg7 : memref<!tpu.dma_semaphore, #tpu.memory_space<semaphore_mem>>) src(%dma_wait3A_448 : memref<100000x128xf32, #tpu.memory_space<hbm>>) dst(%dma_wait3A_444 : memref<128x128xf32, #tpu.memory_space<vmem>>)
        %add3A_449 = arith.constant 2 : i32
        %add3A_450 = arith.addi %mul3A_373, %add3A_449 : i32
        %mul3A_451 = arith.constant 128 : i32
        %mul3A_452 = arith.muli %add3A_450, %mul3A_451 : i32
        %add3A_453 = arith.addi %mul3A_16, %mul3A_452 : i32
        %dma_start3A_454 = arith.constant 2 : i32
        %dma_start3A_455 = arith.constant 0 : i32
        %dma_start3A_456 = arith.constant 0 : i32
        %dma_start3A_457 = tpu.memref_slice %arg6[%dma_start3A_454, %dma_start3A_455, %dma_start3A_456] : memref<4x128x128xf32, #tpu.memory_space<vmem>> -> memref<1x128x128xf32, #tpu.memory_space<vmem>>
        %dma_start3A_458 = tpu.memref_squeeze %dma_start3A_457 : memref<1x128x128xf32, #tpu.memory_space<vmem>> -> memref<128x128xf32, #tpu.memory_space<vmem>>
        %dma_start3A_459 = arith.constant 0 : i32
        %dma_start3A_460 = tpu.memref_slice %arg4[%add3A_453, %dma_start3A_459] : memref<100000x128xf32, #tpu.memory_space<hbm>> -> memref<128x128xf32, #tpu.memory_space<hbm>>
        %dma_start3A_461 = arith.constant 0 : i32
        %dma_start3A_462 = tpu.memref_slice %arg4[%add3A_453, %dma_start3A_461] : memref<100000x128xf32, #tpu.memory_space<hbm>> -> memref<128x128xf32, #tpu.memory_space<hbm>>
        %dma_start3A_463 = arith.constant 0 : i32
        %dma_start3A_464 = arith.constant 0 : i32
        %dma_start3A_465 = tpu.memref_slice %arg6[%dma_start3A_454, %dma_start3A_463, %dma_start3A_464] : memref<4x128x128xf32, #tpu.memory_space<vmem>> -> memref<1x128x128xf32, #tpu.memory_space<vmem>>
        %dma_start3A_466 = tpu.memref_squeeze %dma_start3A_465 : memref<1x128x128xf32, #tpu.memory_space<vmem>> -> memref<128x128xf32, #tpu.memory_space<vmem>>
        tpu.enqueue_dma source(%dma_start3A_466 : memref<128x128xf32, #tpu.memory_space<vmem>>) target(%dma_start3A_462 : memref<128x128xf32, #tpu.memory_space<hbm>>) target_semaphore(%arg8 : memref<!tpu.dma_semaphore, #tpu.memory_space<semaphore_mem>>)
        %add3A_467 = arith.constant 3 : i32
        %add3A_468 = arith.addi %mul3A_373, %add3A_467 : i32
        %mul3A_469 = arith.constant 128 : i32
        %mul3A_470 = arith.muli %add3A_468, %mul3A_469 : i32
        %dma_wait3A_471 = arith.constant 3 : i32
        %dma_wait3A_472 = arith.constant 0 : i32
        %dma_wait3A_473 = arith.constant 0 : i32
        %dma_wait3A_474 = tpu.memref_slice %arg6[%dma_wait3A_471, %dma_wait3A_472, %dma_wait3A_473] : memref<4x128x128xf32, #tpu.memory_space<vmem>> -> memref<1x128x128xf32, #tpu.memory_space<vmem>>
        %dma_wait3A_475 = tpu.memref_squeeze %dma_wait3A_474 : memref<1x128x128xf32, #tpu.memory_space<vmem>> -> memref<128x128xf32, #tpu.memory_space<vmem>>
        %dma_wait3A_476 = tpu.memref_slice %arg5[%mul3A_470] : memref<3856xi32, #tpu.memory_space<vmem>> -> memref<128xi32, #tpu.memory_space<vmem>>
        %dma_wait3A_477 = arith.constant 0 : i32
        %dma_wait3A_478 = arith.constant 0 : i32
        %dma_wait3A_479 = tpu.memref_slice %arg3[%dma_wait3A_477, %dma_wait3A_478] : memref<100000x128xf32, #tpu.memory_space<hbm>> -> memref<100000x128xf32, #tpu.memory_space<hbm>>
        tpu.wait_indirect_dma semaphore(%arg7 : memref<!tpu.dma_semaphore, #tpu.memory_space<semaphore_mem>>) src(%dma_wait3A_479 : memref<100000x128xf32, #tpu.memory_space<hbm>>) dst(%dma_wait3A_475 : memref<128x128xf32, #tpu.memory_space<vmem>>)
        %add3A_480 = arith.constant 3 : i32
        %add3A_481 = arith.addi %mul3A_373, %add3A_480 : i32
        %mul3A_482 = arith.constant 128 : i32
        %mul3A_483 = arith.muli %add3A_481, %mul3A_482 : i32
        %add3A_484 = arith.addi %mul3A_16, %mul3A_483 : i32
        %dma_start3A_485 = arith.constant 3 : i32
        %dma_start3A_486 = arith.constant 0 : i32
        %dma_start3A_487 = arith.constant 0 : i32
        %dma_start3A_488 = tpu.memref_slice %arg6[%dma_start3A_485, %dma_start3A_486, %dma_start3A_487] : memref<4x128x128xf32, #tpu.memory_space<vmem>> -> memref<1x128x128xf32, #tpu.memory_space<vmem>>
        %dma_start3A_489 = tpu.memref_squeeze %dma_start3A_488 : memref<1x128x128xf32, #tpu.memory_space<vmem>> -> memref<128x128xf32, #tpu.memory_space<vmem>>
        %dma_start3A_490 = arith.constant 0 : i32
        %dma_start3A_491 = tpu.memref_slice %arg4[%add3A_484, %dma_start3A_490] : memref<100000x128xf32, #tpu.memory_space<hbm>> -> memref<128x128xf32, #tpu.memory_space<hbm>>
        %dma_start3A_492 = arith.constant 0 : i32
        %dma_start3A_493 = tpu.memref_slice %arg4[%add3A_484, %dma_start3A_492] : memref<100000x128xf32, #tpu.memory_space<hbm>> -> memref<128x128xf32, #tpu.memory_space<hbm>>
        %dma_start3A_494 = arith.constant 0 : i32
        %dma_start3A_495 = arith.constant 0 : i32
        %dma_start3A_496 = tpu.memref_slice %arg6[%dma_start3A_485, %dma_start3A_494, %dma_start3A_495] : memref<4x128x128xf32, #tpu.memory_space<vmem>> -> memref<1x128x128xf32, #tpu.memory_space<vmem>>
        %dma_start3A_497 = tpu.memref_squeeze %dma_start3A_496 : memref<1x128x128xf32, #tpu.memory_space<vmem>> -> memref<128x128xf32, #tpu.memory_space<vmem>>
        tpu.enqueue_dma source(%dma_start3A_497 : memref<128x128xf32, #tpu.memory_space<vmem>>) target(%dma_start3A_493 : memref<128x128xf32, #tpu.memory_space<hbm>>) target_semaphore(%arg8 : memref<!tpu.dma_semaphore, #tpu.memory_space<semaphore_mem>>)
        %add3A_498 = arith.constant 0 : i32
        %add3A_499 = arith.addi %mul3A_373, %add3A_498 : i32
        %mul3A_500 = arith.constant 128 : i32
        %mul3A_501 = arith.muli %add3A_499, %mul3A_500 : i32
        %add3A_502 = arith.addi %mul3A_16, %mul3A_501 : i32
        %dma_wait3A_503 = arith.constant 0 : i32
        %dma_wait3A_504 = arith.constant 0 : i32
        %dma_wait3A_505 = arith.constant 0 : i32
        %dma_wait3A_506 = tpu.memref_slice %arg6[%dma_wait3A_503, %dma_wait3A_504, %dma_wait3A_505] : memref<4x128x128xf32, #tpu.memory_space<vmem>> -> memref<1x128x128xf32, #tpu.memory_space<vmem>>
        %dma_wait3A_507 = tpu.memref_squeeze %dma_wait3A_506 : memref<1x128x128xf32, #tpu.memory_space<vmem>> -> memref<128x128xf32, #tpu.memory_space<vmem>>
        %dma_wait3A_508 = arith.constant 0 : i32
        %dma_wait3A_509 = tpu.memref_slice %arg4[%add3A_502, %dma_wait3A_508] : memref<100000x128xf32, #tpu.memory_space<hbm>> -> memref<128x128xf32, #tpu.memory_space<hbm>>
        %dma_wait3A_510 = arith.constant 0 : i32
        %dma_wait3A_511 = tpu.memref_slice %arg4[%add3A_502, %dma_wait3A_510] : memref<100000x128xf32, #tpu.memory_space<hbm>> -> memref<128x128xf32, #tpu.memory_space<hbm>>
        %dma_wait3A_512 = arith.constant 0 : i32
        %dma_wait3A_513 = arith.constant 0 : i32
        %dma_wait3A_514 = tpu.memref_slice %arg6[%dma_wait3A_503, %dma_wait3A_512, %dma_wait3A_513] : memref<4x128x128xf32, #tpu.memory_space<vmem>> -> memref<1x128x128xf32, #tpu.memory_space<vmem>>
        %dma_wait3A_515 = tpu.memref_squeeze %dma_wait3A_514 : memref<1x128x128xf32, #tpu.memory_space<vmem>> -> memref<128x128xf32, #tpu.memory_space<vmem>>
        tpu.wait_dma2 semaphore(%arg8 : memref<!tpu.dma_semaphore, #tpu.memory_space<semaphore_mem>>) src(%dma_wait3A_515 : memref<128x128xf32, #tpu.memory_space<vmem>>) dst(%dma_wait3A_511 : memref<128x128xf32, #tpu.memory_space<hbm>>)
        %add3A_516 = arith.constant 4 : i32
        %add3A_517 = arith.addi %mul3A_373, %add3A_516 : i32
        %add3A_518 = arith.constant 0 : i32
        %add3A_519 = arith.addi %add3A_517, %add3A_518 : i32
        %mul3A_520 = arith.constant 128 : i32
        %mul3A_521 = arith.muli %add3A_519, %mul3A_520 : i32
        %dma_start3A_522 = arith.constant 0 : i32
        %dma_start3A_523 = arith.constant 0 : i32
        %dma_start3A_524 = arith.constant 0 : i32
        %dma_start3A_525 = tpu.memref_slice %arg6[%dma_start3A_522, %dma_start3A_523, %dma_start3A_524] : memref<4x128x128xf32, #tpu.memory_space<vmem>> -> memref<1x128x128xf32, #tpu.memory_space<vmem>>
        %dma_start3A_526 = tpu.memref_squeeze %dma_start3A_525 : memref<1x128x128xf32, #tpu.memory_space<vmem>> -> memref<128x128xf32, #tpu.memory_space<vmem>>
        %dma_start3A_527 = tpu.memref_slice %arg5[%mul3A_521] : memref<3856xi32, #tpu.memory_space<vmem>> -> memref<128xi32, #tpu.memory_space<vmem>>
        %dma_start3A_528 = arith.constant 0 : i32
        %dma_start3A_529 = arith.constant 0 : i32
        %dma_start3A_530 = tpu.memref_slice %arg3[%dma_start3A_528, %dma_start3A_529] : memref<100000x128xf32, #tpu.memory_space<hbm>> -> memref<100000x128xf32, #tpu.memory_space<hbm>>
        tpu.enqueue_indirect_dma source(%dma_start3A_530 : memref<100000x128xf32, #tpu.memory_space<hbm>>) target(%dma_start3A_526 : memref<128x128xf32, #tpu.memory_space<vmem>>) offsets(%dma_start3A_527 : memref<128xi32, #tpu.memory_space<vmem>>) semaphore(%arg7 : memref<!tpu.dma_semaphore, #tpu.memory_space<semaphore_mem>>)
        %add3A_531 = arith.constant 1 : i32
        %add3A_532 = arith.addi %mul3A_373, %add3A_531 : i32
        %mul3A_533 = arith.constant 128 : i32
        %mul3A_534 = arith.muli %add3A_532, %mul3A_533 : i32
        %add3A_535 = arith.addi %mul3A_16, %mul3A_534 : i32
        %dma_wait3A_536 = arith.constant 1 : i32
        %dma_wait3A_537 = arith.constant 0 : i32
        %dma_wait3A_538 = arith.constant 0 : i32
        %dma_wait3A_539 = tpu.memref_slice %arg6[%dma_wait3A_536, %dma_wait3A_537, %dma_wait3A_538] : memref<4x128x128xf32, #tpu.memory_space<vmem>> -> memref<1x128x128xf32, #tpu.memory_space<vmem>>
        %dma_wait3A_540 = tpu.memref_squeeze %dma_wait3A_539 : memref<1x128x128xf32, #tpu.memory_space<vmem>> -> memref<128x128xf32, #tpu.memory_space<vmem>>
        %dma_wait3A_541 = arith.constant 0 : i32
        %dma_wait3A_542 = tpu.memref_slice %arg4[%add3A_535, %dma_wait3A_541] : memref<100000x128xf32, #tpu.memory_space<hbm>> -> memref<128x128xf32, #tpu.memory_space<hbm>>
        %dma_wait3A_543 = arith.constant 0 : i32
        %dma_wait3A_544 = tpu.memref_slice %arg4[%add3A_535, %dma_wait3A_543] : memref<100000x128xf32, #tpu.memory_space<hbm>> -> memref<128x128xf32, #tpu.memory_space<hbm>>
        %dma_wait3A_545 = arith.constant 0 : i32
        %dma_wait3A_546 = arith.constant 0 : i32
        %dma_wait3A_547 = tpu.memref_slice %arg6[%dma_wait3A_536, %dma_wait3A_545, %dma_wait3A_546] : memref<4x128x128xf32, #tpu.memory_space<vmem>> -> memref<1x128x128xf32, #tpu.memory_space<vmem>>
        %dma_wait3A_548 = tpu.memref_squeeze %dma_wait3A_547 : memref<1x128x128xf32, #tpu.memory_space<vmem>> -> memref<128x128xf32, #tpu.memory_space<vmem>>
        tpu.wait_dma2 semaphore(%arg8 : memref<!tpu.dma_semaphore, #tpu.memory_space<semaphore_mem>>) src(%dma_wait3A_548 : memref<128x128xf32, #tpu.memory_space<vmem>>) dst(%dma_wait3A_544 : memref<128x128xf32, #tpu.memory_space<hbm>>)
        %add3A_549 = arith.constant 4 : i32
        %add3A_550 = arith.addi %mul3A_373, %add3A_549 : i32
        %add3A_551 = arith.constant 1 : i32
        %add3A_552 = arith.addi %add3A_550, %add3A_551 : i32
        %mul3A_553 = arith.constant 128 : i32
        %mul3A_554 = arith.muli %add3A_552, %mul3A_553 : i32
        %dma_start3A_555 = arith.constant 1 : i32
        %dma_start3A_556 = arith.constant 0 : i32
        %dma_start3A_557 = arith.constant 0 : i32
        %dma_start3A_558 = tpu.memref_slice %arg6[%dma_start3A_555, %dma_start3A_556, %dma_start3A_557] : memref<4x128x128xf32, #tpu.memory_space<vmem>> -> memref<1x128x128xf32, #tpu.memory_space<vmem>>
        %dma_start3A_559 = tpu.memref_squeeze %dma_start3A_558 : memref<1x128x128xf32, #tpu.memory_space<vmem>> -> memref<128x128xf32, #tpu.memory_space<vmem>>
        %dma_start3A_560 = tpu.memref_slice %arg5[%mul3A_554] : memref<3856xi32, #tpu.memory_space<vmem>> -> memref<128xi32, #tpu.memory_space<vmem>>
        %dma_start3A_561 = arith.constant 0 : i32
        %dma_start3A_562 = arith.constant 0 : i32
        %dma_start3A_563 = tpu.memref_slice %arg3[%dma_start3A_561, %dma_start3A_562] : memref<100000x128xf32, #tpu.memory_space<hbm>> -> memref<100000x128xf32, #tpu.memory_space<hbm>>
        tpu.enqueue_indirect_dma source(%dma_start3A_563 : memref<100000x128xf32, #tpu.memory_space<hbm>>) target(%dma_start3A_559 : memref<128x128xf32, #tpu.memory_space<vmem>>) offsets(%dma_start3A_560 : memref<128xi32, #tpu.memory_space<vmem>>) semaphore(%arg7 : memref<!tpu.dma_semaphore, #tpu.memory_space<semaphore_mem>>)
        %add3A_564 = arith.constant 2 : i32
        %add3A_565 = arith.addi %mul3A_373, %add3A_564 : i32
        %mul3A_566 = arith.constant 128 : i32
        %mul3A_567 = arith.muli %add3A_565, %mul3A_566 : i32
        %add3A_568 = arith.addi %mul3A_16, %mul3A_567 : i32
        %dma_wait3A_569 = arith.constant 2 : i32
        %dma_wait3A_570 = arith.constant 0 : i32
        %dma_wait3A_571 = arith.constant 0 : i32
        %dma_wait3A_572 = tpu.memref_slice %arg6[%dma_wait3A_569, %dma_wait3A_570, %dma_wait3A_571] : memref<4x128x128xf32, #tpu.memory_space<vmem>> -> memref<1x128x128xf32, #tpu.memory_space<vmem>>
        %dma_wait3A_573 = tpu.memref_squeeze %dma_wait3A_572 : memref<1x128x128xf32, #tpu.memory_space<vmem>> -> memref<128x128xf32, #tpu.memory_space<vmem>>
        %dma_wait3A_574 = arith.constant 0 : i32
        %dma_wait3A_575 = tpu.memref_slice %arg4[%add3A_568, %dma_wait3A_574] : memref<100000x128xf32, #tpu.memory_space<hbm>> -> memref<128x128xf32, #tpu.memory_space<hbm>>
        %dma_wait3A_576 = arith.constant 0 : i32
        %dma_wait3A_577 = tpu.memref_slice %arg4[%add3A_568, %dma_wait3A_576] : memref<100000x128xf32, #tpu.memory_space<hbm>> -> memref<128x128xf32, #tpu.memory_space<hbm>>
        %dma_wait3A_578 = arith.constant 0 : i32
        %dma_wait3A_579 = arith.constant 0 : i32
        %dma_wait3A_580 = tpu.memref_slice %arg6[%dma_wait3A_569, %dma_wait3A_578, %dma_wait3A_579] : memref<4x128x128xf32, #tpu.memory_space<vmem>> -> memref<1x128x128xf32, #tpu.memory_space<vmem>>
        %dma_wait3A_581 = tpu.memref_squeeze %dma_wait3A_580 : memref<1x128x128xf32, #tpu.memory_space<vmem>> -> memref<128x128xf32, #tpu.memory_space<vmem>>
        tpu.wait_dma2 semaphore(%arg8 : memref<!tpu.dma_semaphore, #tpu.memory_space<semaphore_mem>>) src(%dma_wait3A_581 : memref<128x128xf32, #tpu.memory_space<vmem>>) dst(%dma_wait3A_577 : memref<128x128xf32, #tpu.memory_space<hbm>>)
        %add3A_582 = arith.constant 4 : i32
        %add3A_583 = arith.addi %mul3A_373, %add3A_582 : i32
        %add3A_584 = arith.constant 2 : i32
        %add3A_585 = arith.addi %add3A_583, %add3A_584 : i32
        %mul3A_586 = arith.constant 128 : i32
        %mul3A_587 = arith.muli %add3A_585, %mul3A_586 : i32
        %dma_start3A_588 = arith.constant 2 : i32
        %dma_start3A_589 = arith.constant 0 : i32
        %dma_start3A_590 = arith.constant 0 : i32
        %dma_start3A_591 = tpu.memref_slice %arg6[%dma_start3A_588, %dma_start3A_589, %dma_start3A_590] : memref<4x128x128xf32, #tpu.memory_space<vmem>> -> memref<1x128x128xf32, #tpu.memory_space<vmem>>
        %dma_start3A_592 = tpu.memref_squeeze %dma_start3A_591 : memref<1x128x128xf32, #tpu.memory_space<vmem>> -> memref<128x128xf32, #tpu.memory_space<vmem>>
        %dma_start3A_593 = tpu.memref_slice %arg5[%mul3A_587] : memref<3856xi32, #tpu.memory_space<vmem>> -> memref<128xi32, #tpu.memory_space<vmem>>
        %dma_start3A_594 = arith.constant 0 : i32
        %dma_start3A_595 = arith.constant 0 : i32
        %dma_start3A_596 = tpu.memref_slice %arg3[%dma_start3A_594, %dma_start3A_595] : memref<100000x128xf32, #tpu.memory_space<hbm>> -> memref<100000x128xf32, #tpu.memory_space<hbm>>
        tpu.enqueue_indirect_dma source(%dma_start3A_596 : memref<100000x128xf32, #tpu.memory_space<hbm>>) target(%dma_start3A_592 : memref<128x128xf32, #tpu.memory_space<vmem>>) offsets(%dma_start3A_593 : memref<128xi32, #tpu.memory_space<vmem>>) semaphore(%arg7 : memref<!tpu.dma_semaphore, #tpu.memory_space<semaphore_mem>>)
        %add3A_597 = arith.constant 3 : i32
        %add3A_598 = arith.addi %mul3A_373, %add3A_597 : i32
        %mul3A_599 = arith.constant 128 : i32
        %mul3A_600 = arith.muli %add3A_598, %mul3A_599 : i32
        %add3A_601 = arith.addi %mul3A_16, %mul3A_600 : i32
        %dma_wait3A_602 = arith.constant 3 : i32
        %dma_wait3A_603 = arith.constant 0 : i32
        %dma_wait3A_604 = arith.constant 0 : i32
        %dma_wait3A_605 = tpu.memref_slice %arg6[%dma_wait3A_602, %dma_wait3A_603, %dma_wait3A_604] : memref<4x128x128xf32, #tpu.memory_space<vmem>> -> memref<1x128x128xf32, #tpu.memory_space<vmem>>
        %dma_wait3A_606 = tpu.memref_squeeze %dma_wait3A_605 : memref<1x128x128xf32, #tpu.memory_space<vmem>> -> memref<128x128xf32, #tpu.memory_space<vmem>>
        %dma_wait3A_607 = arith.constant 0 : i32
        %dma_wait3A_608 = tpu.memref_slice %arg4[%add3A_601, %dma_wait3A_607] : memref<100000x128xf32, #tpu.memory_space<hbm>> -> memref<128x128xf32, #tpu.memory_space<hbm>>
        %dma_wait3A_609 = arith.constant 0 : i32
        %dma_wait3A_610 = tpu.memref_slice %arg4[%add3A_601, %dma_wait3A_609] : memref<100000x128xf32, #tpu.memory_space<hbm>> -> memref<128x128xf32, #tpu.memory_space<hbm>>
        %dma_wait3A_611 = arith.constant 0 : i32
        %dma_wait3A_612 = arith.constant 0 : i32
        %dma_wait3A_613 = tpu.memref_slice %arg6[%dma_wait3A_602, %dma_wait3A_611, %dma_wait3A_612] : memref<4x128x128xf32, #tpu.memory_space<vmem>> -> memref<1x128x128xf32, #tpu.memory_space<vmem>>
        %dma_wait3A_614 = tpu.memref_squeeze %dma_wait3A_613 : memref<1x128x128xf32, #tpu.memory_space<vmem>> -> memref<128x128xf32, #tpu.memory_space<vmem>>
        tpu.wait_dma2 semaphore(%arg8 : memref<!tpu.dma_semaphore, #tpu.memory_space<semaphore_mem>>) src(%dma_wait3A_614 : memref<128x128xf32, #tpu.memory_space<vmem>>) dst(%dma_wait3A_610 : memref<128x128xf32, #tpu.memory_space<hbm>>)
        %add3A_615 = arith.constant 4 : i32
        %add3A_616 = arith.addi %mul3A_373, %add3A_615 : i32
        %add3A_617 = arith.constant 3 : i32
        %add3A_618 = arith.addi %add3A_616, %add3A_617 : i32
        %mul3A_619 = arith.constant 128 : i32
        %mul3A_620 = arith.muli %add3A_618, %mul3A_619 : i32
        %dma_start3A_621 = arith.constant 3 : i32
        %dma_start3A_622 = arith.constant 0 : i32
        %dma_start3A_623 = arith.constant 0 : i32
        %dma_start3A_624 = tpu.memref_slice %arg6[%dma_start3A_621, %dma_start3A_622, %dma_start3A_623] : memref<4x128x128xf32, #tpu.memory_space<vmem>> -> memref<1x128x128xf32, #tpu.memory_space<vmem>>
        %dma_start3A_625 = tpu.memref_squeeze %dma_start3A_624 : memref<1x128x128xf32, #tpu.memory_space<vmem>> -> memref<128x128xf32, #tpu.memory_space<vmem>>
        %dma_start3A_626 = tpu.memref_slice %arg5[%mul3A_620] : memref<3856xi32, #tpu.memory_space<vmem>> -> memref<128xi32, #tpu.memory_space<vmem>>
        %dma_start3A_627 = arith.constant 0 : i32
        %dma_start3A_628 = arith.constant 0 : i32
        %dma_start3A_629 = tpu.memref_slice %arg3[%dma_start3A_627, %dma_start3A_628] : memref<100000x128xf32, #tpu.memory_space<hbm>> -> memref<100000x128xf32, #tpu.memory_space<hbm>>
        tpu.enqueue_indirect_dma source(%dma_start3A_629 : memref<100000x128xf32, #tpu.memory_space<hbm>>) target(%dma_start3A_625 : memref<128x128xf32, #tpu.memory_space<vmem>>) offsets(%dma_start3A_626 : memref<128xi32, #tpu.memory_space<vmem>>) semaphore(%arg7 : memref<!tpu.dma_semaphore, #tpu.memory_space<semaphore_mem>>)
        %scan3A_630 = arith.constant 0 : i32
        scf.yield %scan3A_630 : i32
      }
      %scan3A_61 = arith.constant 6 : i32
      %dma_wait3A = arith.constant 0 : i32
      %dma_wait3A_62 = arith.constant 0 : i32
      %dma_wait3A_63 = arith.constant 0 : i32
      %dma_wait3A_64 = tpu.memref_slice %arg6[%dma_wait3A, %dma_wait3A_62, %dma_wait3A_63] : memref<4x128x128xf32, #tpu.memory_space<vmem>> -> memref<1x128x128xf32, #tpu.memory_space<vmem>>
      %dma_wait3A_65 = tpu.memref_squeeze %dma_wait3A_64 : memref<1x128x128xf32, #tpu.memory_space<vmem>> -> memref<128x128xf32, #tpu.memory_space<vmem>>
      %dma_wait3A_66 = arith.constant 3072 : i32
      %dma_wait3A_67 = tpu.memref_slice %arg5[%dma_wait3A_66] : memref<3856xi32, #tpu.memory_space<vmem>> -> memref<128xi32, #tpu.memory_space<vmem>>
      %dma_wait3A_68 = arith.constant 0 : i32
      %dma_wait3A_69 = arith.constant 0 : i32
      %dma_wait3A_70 = tpu.memref_slice %arg3[%dma_wait3A_68, %dma_wait3A_69] : memref<100000x128xf32, #tpu.memory_space<hbm>> -> memref<100000x128xf32, #tpu.memory_space<hbm>>
      tpu.wait_indirect_dma semaphore(%arg7 : memref<!tpu.dma_semaphore, #tpu.memory_space<semaphore_mem>>) src(%dma_wait3A_70 : memref<100000x128xf32, #tpu.memory_space<hbm>>) dst(%dma_wait3A_65 : memref<128x128xf32, #tpu.memory_space<vmem>>)
      %add3A = arith.constant 3072 : i32
      %add3A_71 = arith.addi %mul3A_16, %add3A : i32
      %dma_start3A_72 = arith.constant 0 : i32
      %dma_start3A_73 = arith.constant 0 : i32
      %dma_start3A_74 = arith.constant 0 : i32
      %dma_start3A_75 = tpu.memref_slice %arg6[%dma_start3A_72, %dma_start3A_73, %dma_start3A_74] : memref<4x128x128xf32, #tpu.memory_space<vmem>> -> memref<1x128x128xf32, #tpu.memory_space<vmem>>
      %dma_start3A_76 = tpu.memref_squeeze %dma_start3A_75 : memref<1x128x128xf32, #tpu.memory_space<vmem>> -> memref<128x128xf32, #tpu.memory_space<vmem>>
      %dma_start3A_77 = arith.constant 0 : i32
      %dma_start3A_78 = tpu.memref_slice %arg4[%add3A_71, %dma_start3A_77] : memref<100000x128xf32, #tpu.memory_space<hbm>> -> memref<128x128xf32, #tpu.memory_space<hbm>>
      %dma_start3A_79 = arith.constant 0 : i32
      %dma_start3A_80 = tpu.memref_slice %arg4[%add3A_71, %dma_start3A_79] : memref<100000x128xf32, #tpu.memory_space<hbm>> -> memref<128x128xf32, #tpu.memory_space<hbm>>
      %dma_start3A_81 = arith.constant 0 : i32
      %dma_start3A_82 = arith.constant 0 : i32
      %dma_start3A_83 = tpu.memref_slice %arg6[%dma_start3A_72, %dma_start3A_81, %dma_start3A_82] : memref<4x128x128xf32, #tpu.memory_space<vmem>> -> memref<1x128x128xf32, #tpu.memory_space<vmem>>
      %dma_start3A_84 = tpu.memref_squeeze %dma_start3A_83 : memref<1x128x128xf32, #tpu.memory_space<vmem>> -> memref<128x128xf32, #tpu.memory_space<vmem>>
      tpu.enqueue_dma source(%dma_start3A_84 : memref<128x128xf32, #tpu.memory_space<vmem>>) target(%dma_start3A_80 : memref<128x128xf32, #tpu.memory_space<hbm>>) target_semaphore(%arg8 : memref<!tpu.dma_semaphore, #tpu.memory_space<semaphore_mem>>)
      %dma_wait3A_85 = arith.constant 1 : i32
      %dma_wait3A_86 = arith.constant 0 : i32
      %dma_wait3A_87 = arith.constant 0 : i32
      %dma_wait3A_88 = tpu.memref_slice %arg6[%dma_wait3A_85, %dma_wait3A_86, %dma_wait3A_87] : memref<4x128x128xf32, #tpu.memory_space<vmem>> -> memref<1x128x128xf32, #tpu.memory_space<vmem>>
      %dma_wait3A_89 = tpu.memref_squeeze %dma_wait3A_88 : memref<1x128x128xf32, #tpu.memory_space<vmem>> -> memref<128x128xf32, #tpu.memory_space<vmem>>
      %dma_wait3A_90 = arith.constant 3200 : i32
      %dma_wait3A_91 = tpu.memref_slice %arg5[%dma_wait3A_90] : memref<3856xi32, #tpu.memory_space<vmem>> -> memref<128xi32, #tpu.memory_space<vmem>>
      %dma_wait3A_92 = arith.constant 0 : i32
      %dma_wait3A_93 = arith.constant 0 : i32
      %dma_wait3A_94 = tpu.memref_slice %arg3[%dma_wait3A_92, %dma_wait3A_93] : memref<100000x128xf32, #tpu.memory_space<hbm>> -> memref<100000x128xf32, #tpu.memory_space<hbm>>
      tpu.wait_indirect_dma semaphore(%arg7 : memref<!tpu.dma_semaphore, #tpu.memory_space<semaphore_mem>>) src(%dma_wait3A_94 : memref<100000x128xf32, #tpu.memory_space<hbm>>) dst(%dma_wait3A_89 : memref<128x128xf32, #tpu.memory_space<vmem>>)
      %add3A_95 = arith.constant 3200 : i32
      %add3A_96 = arith.addi %mul3A_16, %add3A_95 : i32
      %dma_start3A_97 = arith.constant 1 : i32
      %dma_start3A_98 = arith.constant 0 : i32
      %dma_start3A_99 = arith.constant 0 : i32
      %dma_start3A_100 = tpu.memref_slice %arg6[%dma_start3A_97, %dma_start3A_98, %dma_start3A_99] : memref<4x128x128xf32, #tpu.memory_space<vmem>> -> memref<1x128x128xf32, #tpu.memory_space<vmem>>
      %dma_start3A_101 = tpu.memref_squeeze %dma_start3A_100 : memref<1x128x128xf32, #tpu.memory_space<vmem>> -> memref<128x128xf32, #tpu.memory_space<vmem>>
      %dma_start3A_102 = arith.constant 0 : i32
      %dma_start3A_103 = tpu.memref_slice %arg4[%add3A_96, %dma_start3A_102] : memref<100000x128xf32, #tpu.memory_space<hbm>> -> memref<128x128xf32, #tpu.memory_space<hbm>>
      %dma_start3A_104 = arith.constant 0 : i32
      %dma_start3A_105 = tpu.memref_slice %arg4[%add3A_96, %dma_start3A_104] : memref<100000x128xf32, #tpu.memory_space<hbm>> -> memref<128x128xf32, #tpu.memory_space<hbm>>
      %dma_start3A_106 = arith.constant 0 : i32
      %dma_start3A_107 = arith.constant 0 : i32
      %dma_start3A_108 = tpu.memref_slice %arg6[%dma_start3A_97, %dma_start3A_106, %dma_start3A_107] : memref<4x128x128xf32, #tpu.memory_space<vmem>> -> memref<1x128x128xf32, #tpu.memory_space<vmem>>
      %dma_start3A_109 = tpu.memref_squeeze %dma_start3A_108 : memref<1x128x128xf32, #tpu.memory_space<vmem>> -> memref<128x128xf32, #tpu.memory_space<vmem>>
      tpu.enqueue_dma source(%dma_start3A_109 : memref<128x128xf32, #tpu.memory_space<vmem>>) target(%dma_start3A_105 : memref<128x128xf32, #tpu.memory_space<hbm>>) target_semaphore(%arg8 : memref<!tpu.dma_semaphore, #tpu.memory_space<semaphore_mem>>)
      %dma_wait3A_110 = arith.constant 2 : i32
      %dma_wait3A_111 = arith.constant 0 : i32
      %dma_wait3A_112 = arith.constant 0 : i32
      %dma_wait3A_113 = tpu.memref_slice %arg6[%dma_wait3A_110, %dma_wait3A_111, %dma_wait3A_112] : memref<4x128x128xf32, #tpu.memory_space<vmem>> -> memref<1x128x128xf32, #tpu.memory_space<vmem>>
      %dma_wait3A_114 = tpu.memref_squeeze %dma_wait3A_113 : memref<1x128x128xf32, #tpu.memory_space<vmem>> -> memref<128x128xf32, #tpu.memory_space<vmem>>
      %dma_wait3A_115 = arith.constant 3328 : i32
      %dma_wait3A_116 = tpu.memref_slice %arg5[%dma_wait3A_115] : memref<3856xi32, #tpu.memory_space<vmem>> -> memref<128xi32, #tpu.memory_space<vmem>>
      %dma_wait3A_117 = arith.constant 0 : i32
      %dma_wait3A_118 = arith.constant 0 : i32
      %dma_wait3A_119 = tpu.memref_slice %arg3[%dma_wait3A_117, %dma_wait3A_118] : memref<100000x128xf32, #tpu.memory_space<hbm>> -> memref<100000x128xf32, #tpu.memory_space<hbm>>
      tpu.wait_indirect_dma semaphore(%arg7 : memref<!tpu.dma_semaphore, #tpu.memory_space<semaphore_mem>>) src(%dma_wait3A_119 : memref<100000x128xf32, #tpu.memory_space<hbm>>) dst(%dma_wait3A_114 : memref<128x128xf32, #tpu.memory_space<vmem>>)
      %add3A_120 = arith.constant 3328 : i32
      %add3A_121 = arith.addi %mul3A_16, %add3A_120 : i32
      %dma_start3A_122 = arith.constant 2 : i32
      %dma_start3A_123 = arith.constant 0 : i32
      %dma_start3A_124 = arith.constant 0 : i32
      %dma_start3A_125 = tpu.memref_slice %arg6[%dma_start3A_122, %dma_start3A_123, %dma_start3A_124] : memref<4x128x128xf32, #tpu.memory_space<vmem>> -> memref<1x128x128xf32, #tpu.memory_space<vmem>>
      %dma_start3A_126 = tpu.memref_squeeze %dma_start3A_125 : memref<1x128x128xf32, #tpu.memory_space<vmem>> -> memref<128x128xf32, #tpu.memory_space<vmem>>
      %dma_start3A_127 = arith.constant 0 : i32
      %dma_start3A_128 = tpu.memref_slice %arg4[%add3A_121, %dma_start3A_127] : memref<100000x128xf32, #tpu.memory_space<hbm>> -> memref<128x128xf32, #tpu.memory_space<hbm>>
      %dma_start3A_129 = arith.constant 0 : i32
      %dma_start3A_130 = tpu.memref_slice %arg4[%add3A_121, %dma_start3A_129] : memref<100000x128xf32, #tpu.memory_space<hbm>> -> memref<128x128xf32, #tpu.memory_space<hbm>>
      %dma_start3A_131 = arith.constant 0 : i32
      %dma_start3A_132 = arith.constant 0 : i32
      %dma_start3A_133 = tpu.memref_slice %arg6[%dma_start3A_122, %dma_start3A_131, %dma_start3A_132] : memref<4x128x128xf32, #tpu.memory_space<vmem>> -> memref<1x128x128xf32, #tpu.memory_space<vmem>>
      %dma_start3A_134 = tpu.memref_squeeze %dma_start3A_133 : memref<1x128x128xf32, #tpu.memory_space<vmem>> -> memref<128x128xf32, #tpu.memory_space<vmem>>
      tpu.enqueue_dma source(%dma_start3A_134 : memref<128x128xf32, #tpu.memory_space<vmem>>) target(%dma_start3A_130 : memref<128x128xf32, #tpu.memory_space<hbm>>) target_semaphore(%arg8 : memref<!tpu.dma_semaphore, #tpu.memory_space<semaphore_mem>>)
      %dma_wait3A_135 = arith.constant 3 : i32
      %dma_wait3A_136 = arith.constant 0 : i32
      %dma_wait3A_137 = arith.constant 0 : i32
      %dma_wait3A_138 = tpu.memref_slice %arg6[%dma_wait3A_135, %dma_wait3A_136, %dma_wait3A_137] : memref<4x128x128xf32, #tpu.memory_space<vmem>> -> memref<1x128x128xf32, #tpu.memory_space<vmem>>
      %dma_wait3A_139 = tpu.memref_squeeze %dma_wait3A_138 : memref<1x128x128xf32, #tpu.memory_space<vmem>> -> memref<128x128xf32, #tpu.memory_space<vmem>>
      %dma_wait3A_140 = arith.constant 3456 : i32
      %dma_wait3A_141 = tpu.memref_slice %arg5[%dma_wait3A_140] : memref<3856xi32, #tpu.memory_space<vmem>> -> memref<128xi32, #tpu.memory_space<vmem>>
      %dma_wait3A_142 = arith.constant 0 : i32
      %dma_wait3A_143 = arith.constant 0 : i32
      %dma_wait3A_144 = tpu.memref_slice %arg3[%dma_wait3A_142, %dma_wait3A_143] : memref<100000x128xf32, #tpu.memory_space<hbm>> -> memref<100000x128xf32, #tpu.memory_space<hbm>>
      tpu.wait_indirect_dma semaphore(%arg7 : memref<!tpu.dma_semaphore, #tpu.memory_space<semaphore_mem>>) src(%dma_wait3A_144 : memref<100000x128xf32, #tpu.memory_space<hbm>>) dst(%dma_wait3A_139 : memref<128x128xf32, #tpu.memory_space<vmem>>)
      %add3A_145 = arith.constant 3456 : i32
      %add3A_146 = arith.addi %mul3A_16, %add3A_145 : i32
      %dma_start3A_147 = arith.constant 3 : i32
      %dma_start3A_148 = arith.constant 0 : i32
      %dma_start3A_149 = arith.constant 0 : i32
      %dma_start3A_150 = tpu.memref_slice %arg6[%dma_start3A_147, %dma_start3A_148, %dma_start3A_149] : memref<4x128x128xf32, #tpu.memory_space<vmem>> -> memref<1x128x128xf32, #tpu.memory_space<vmem>>
      %dma_start3A_151 = tpu.memref_squeeze %dma_start3A_150 : memref<1x128x128xf32, #tpu.memory_space<vmem>> -> memref<128x128xf32, #tpu.memory_space<vmem>>
      %dma_start3A_152 = arith.constant 0 : i32
      %dma_start3A_153 = tpu.memref_slice %arg4[%add3A_146, %dma_start3A_152] : memref<100000x128xf32, #tpu.memory_space<hbm>> -> memref<128x128xf32, #tpu.memory_space<hbm>>
      %dma_start3A_154 = arith.constant 0 : i32
      %dma_start3A_155 = tpu.memref_slice %arg4[%add3A_146, %dma_start3A_154] : memref<100000x128xf32, #tpu.memory_space<hbm>> -> memref<128x128xf32, #tpu.memory_space<hbm>>
      %dma_start3A_156 = arith.constant 0 : i32
      %dma_start3A_157 = arith.constant 0 : i32
      %dma_start3A_158 = tpu.memref_slice %arg6[%dma_start3A_147, %dma_start3A_156, %dma_start3A_157] : memref<4x128x128xf32, #tpu.memory_space<vmem>> -> memref<1x128x128xf32, #tpu.memory_space<vmem>>
      %dma_start3A_159 = tpu.memref_squeeze %dma_start3A_158 : memref<1x128x128xf32, #tpu.memory_space<vmem>> -> memref<128x128xf32, #tpu.memory_space<vmem>>
      tpu.enqueue_dma source(%dma_start3A_159 : memref<128x128xf32, #tpu.memory_space<vmem>>) target(%dma_start3A_155 : memref<128x128xf32, #tpu.memory_space<hbm>>) target_semaphore(%arg8 : memref<!tpu.dma_semaphore, #tpu.memory_space<semaphore_mem>>)
      %add3A_160 = arith.constant 3072 : i32
      %add3A_161 = arith.addi %mul3A_16, %add3A_160 : i32
      %dma_wait3A_162 = arith.constant 0 : i32
      %dma_wait3A_163 = arith.constant 0 : i32
      %dma_wait3A_164 = arith.constant 0 : i32
      %dma_wait3A_165 = tpu.memref_slice %arg6[%dma_wait3A_162, %dma_wait3A_163, %dma_wait3A_164] : memref<4x128x128xf32, #tpu.memory_space<vmem>> -> memref<1x128x128xf32, #tpu.memory_space<vmem>>
      %dma_wait3A_166 = tpu.memref_squeeze %dma_wait3A_165 : memref<1x128x128xf32, #tpu.memory_space<vmem>> -> memref<128x128xf32, #tpu.memory_space<vmem>>
      %dma_wait3A_167 = arith.constant 0 : i32
      %dma_wait3A_168 = tpu.memref_slice %arg4[%add3A_161, %dma_wait3A_167] : memref<100000x128xf32, #tpu.memory_space<hbm>> -> memref<128x128xf32, #tpu.memory_space<hbm>>
      %dma_wait3A_169 = arith.constant 0 : i32
      %dma_wait3A_170 = tpu.memref_slice %arg4[%add3A_161, %dma_wait3A_169] : memref<100000x128xf32, #tpu.memory_space<hbm>> -> memref<128x128xf32, #tpu.memory_space<hbm>>
      %dma_wait3A_171 = arith.constant 0 : i32
      %dma_wait3A_172 = arith.constant 0 : i32
      %dma_wait3A_173 = tpu.memref_slice %arg6[%dma_wait3A_162, %dma_wait3A_171, %dma_wait3A_172] : memref<4x128x128xf32, #tpu.memory_space<vmem>> -> memref<1x128x128xf32, #tpu.memory_space<vmem>>
      %dma_wait3A_174 = tpu.memref_squeeze %dma_wait3A_173 : memref<1x128x128xf32, #tpu.memory_space<vmem>> -> memref<128x128xf32, #tpu.memory_space<vmem>>
      tpu.wait_dma2 semaphore(%arg8 : memref<!tpu.dma_semaphore, #tpu.memory_space<semaphore_mem>>) src(%dma_wait3A_174 : memref<128x128xf32, #tpu.memory_space<vmem>>) dst(%dma_wait3A_170 : memref<128x128xf32, #tpu.memory_space<hbm>>)
      %dma_start3A_175 = arith.constant 0 : i32
      %dma_start3A_176 = arith.constant 0 : i32
      %dma_start3A_177 = arith.constant 0 : i32
      %dma_start3A_178 = tpu.memref_slice %arg6[%dma_start3A_175, %dma_start3A_176, %dma_start3A_177] : memref<4x128x128xf32, #tpu.memory_space<vmem>> -> memref<1x128x128xf32, #tpu.memory_space<vmem>>
      %dma_start3A_179 = tpu.memref_squeeze %dma_start3A_178 : memref<1x128x128xf32, #tpu.memory_space<vmem>> -> memref<128x128xf32, #tpu.memory_space<vmem>>
      %dma_start3A_180 = arith.constant 3584 : i32
      %dma_start3A_181 = tpu.memref_slice %arg5[%dma_start3A_180] : memref<3856xi32, #tpu.memory_space<vmem>> -> memref<128xi32, #tpu.memory_space<vmem>>
      %dma_start3A_182 = arith.constant 0 : i32
      %dma_start3A_183 = arith.constant 0 : i32
      %dma_start3A_184 = tpu.memref_slice %arg3[%dma_start3A_182, %dma_start3A_183] : memref<100000x128xf32, #tpu.memory_space<hbm>> -> memref<100000x128xf32, #tpu.memory_space<hbm>>
      tpu.enqueue_indirect_dma source(%dma_start3A_184 : memref<100000x128xf32, #tpu.memory_space<hbm>>) target(%dma_start3A_179 : memref<128x128xf32, #tpu.memory_space<vmem>>) offsets(%dma_start3A_181 : memref<128xi32, #tpu.memory_space<vmem>>) semaphore(%arg7 : memref<!tpu.dma_semaphore, #tpu.memory_space<semaphore_mem>>)
      %add3A_185 = arith.constant 3200 : i32
      %add3A_186 = arith.addi %mul3A_16, %add3A_185 : i32
      %dma_wait3A_187 = arith.constant 1 : i32
      %dma_wait3A_188 = arith.constant 0 : i32
      %dma_wait3A_189 = arith.constant 0 : i32
      %dma_wait3A_190 = tpu.memref_slice %arg6[%dma_wait3A_187, %dma_wait3A_188, %dma_wait3A_189] : memref<4x128x128xf32, #tpu.memory_space<vmem>> -> memref<1x128x128xf32, #tpu.memory_space<vmem>>
      %dma_wait3A_191 = tpu.memref_squeeze %dma_wait3A_190 : memref<1x128x128xf32, #tpu.memory_space<vmem>> -> memref<128x128xf32, #tpu.memory_space<vmem>>
      %dma_wait3A_192 = arith.constant 0 : i32
      %dma_wait3A_193 = tpu.memref_slice %arg4[%add3A_186, %dma_wait3A_192] : memref<100000x128xf32, #tpu.memory_space<hbm>> -> memref<128x128xf32, #tpu.memory_space<hbm>>
      %dma_wait3A_194 = arith.constant 0 : i32
      %dma_wait3A_195 = tpu.memref_slice %arg4[%add3A_186, %dma_wait3A_194] : memref<100000x128xf32, #tpu.memory_space<hbm>> -> memref<128x128xf32, #tpu.memory_space<hbm>>
      %dma_wait3A_196 = arith.constant 0 : i32
      %dma_wait3A_197 = arith.constant 0 : i32
      %dma_wait3A_198 = tpu.memref_slice %arg6[%dma_wait3A_187, %dma_wait3A_196, %dma_wait3A_197] : memref<4x128x128xf32, #tpu.memory_space<vmem>> -> memref<1x128x128xf32, #tpu.memory_space<vmem>>
      %dma_wait3A_199 = tpu.memref_squeeze %dma_wait3A_198 : memref<1x128x128xf32, #tpu.memory_space<vmem>> -> memref<128x128xf32, #tpu.memory_space<vmem>>
      tpu.wait_dma2 semaphore(%arg8 : memref<!tpu.dma_semaphore, #tpu.memory_space<semaphore_mem>>) src(%dma_wait3A_199 : memref<128x128xf32, #tpu.memory_space<vmem>>) dst(%dma_wait3A_195 : memref<128x128xf32, #tpu.memory_space<hbm>>)
      %dma_start3A_200 = arith.constant 1 : i32
      %dma_start3A_201 = arith.constant 0 : i32
      %dma_start3A_202 = arith.constant 0 : i32
      %dma_start3A_203 = tpu.memref_slice %arg6[%dma_start3A_200, %dma_start3A_201, %dma_start3A_202] : memref<4x128x128xf32, #tpu.memory_space<vmem>> -> memref<1x128x128xf32, #tpu.memory_space<vmem>>
      %dma_start3A_204 = tpu.memref_squeeze %dma_start3A_203 : memref<1x128x128xf32, #tpu.memory_space<vmem>> -> memref<128x128xf32, #tpu.memory_space<vmem>>
      %dma_start3A_205 = arith.constant 3712 : i32
      %dma_start3A_206 = tpu.memref_slice %arg5[%dma_start3A_205] : memref<3856xi32, #tpu.memory_space<vmem>> -> memref<128xi32, #tpu.memory_space<vmem>>
      %dma_start3A_207 = arith.constant 0 : i32
      %dma_start3A_208 = arith.constant 0 : i32
      %dma_start3A_209 = tpu.memref_slice %arg3[%dma_start3A_207, %dma_start3A_208] : memref<100000x128xf32, #tpu.memory_space<hbm>> -> memref<100000x128xf32, #tpu.memory_space<hbm>>
      tpu.enqueue_indirect_dma source(%dma_start3A_209 : memref<100000x128xf32, #tpu.memory_space<hbm>>) target(%dma_start3A_204 : memref<128x128xf32, #tpu.memory_space<vmem>>) offsets(%dma_start3A_206 : memref<128xi32, #tpu.memory_space<vmem>>) semaphore(%arg7 : memref<!tpu.dma_semaphore, #tpu.memory_space<semaphore_mem>>)
      %add3A_210 = arith.constant 3328 : i32
      %add3A_211 = arith.addi %mul3A_16, %add3A_210 : i32
      %dma_wait3A_212 = arith.constant 2 : i32
      %dma_wait3A_213 = arith.constant 0 : i32
      %dma_wait3A_214 = arith.constant 0 : i32
      %dma_wait3A_215 = tpu.memref_slice %arg6[%dma_wait3A_212, %dma_wait3A_213, %dma_wait3A_214] : memref<4x128x128xf32, #tpu.memory_space<vmem>> -> memref<1x128x128xf32, #tpu.memory_space<vmem>>
      %dma_wait3A_216 = tpu.memref_squeeze %dma_wait3A_215 : memref<1x128x128xf32, #tpu.memory_space<vmem>> -> memref<128x128xf32, #tpu.memory_space<vmem>>
      %dma_wait3A_217 = arith.constant 0 : i32
      %dma_wait3A_218 = tpu.memref_slice %arg4[%add3A_211, %dma_wait3A_217] : memref<100000x128xf32, #tpu.memory_space<hbm>> -> memref<128x128xf32, #tpu.memory_space<hbm>>
      %dma_wait3A_219 = arith.constant 0 : i32
      %dma_wait3A_220 = tpu.memref_slice %arg4[%add3A_211, %dma_wait3A_219] : memref<100000x128xf32, #tpu.memory_space<hbm>> -> memref<128x128xf32, #tpu.memory_space<hbm>>
      %dma_wait3A_221 = arith.constant 0 : i32
      %dma_wait3A_222 = arith.constant 0 : i32
      %dma_wait3A_223 = tpu.memref_slice %arg6[%dma_wait3A_212, %dma_wait3A_221, %dma_wait3A_222] : memref<4x128x128xf32, #tpu.memory_space<vmem>> -> memref<1x128x128xf32, #tpu.memory_space<vmem>>
      %dma_wait3A_224 = tpu.memref_squeeze %dma_wait3A_223 : memref<1x128x128xf32, #tpu.memory_space<vmem>> -> memref<128x128xf32, #tpu.memory_space<vmem>>
      tpu.wait_dma2 semaphore(%arg8 : memref<!tpu.dma_semaphore, #tpu.memory_space<semaphore_mem>>) src(%dma_wait3A_224 : memref<128x128xf32, #tpu.memory_space<vmem>>) dst(%dma_wait3A_220 : memref<128x128xf32, #tpu.memory_space<hbm>>)
      %dma_start3A_225 = arith.constant 2 : i32
      %dma_start3A_226 = arith.constant 0 : i32
      %dma_start3A_227 = arith.constant 0 : i32
      %dma_start3A_228 = tpu.memref_slice %arg6[%dma_start3A_225, %dma_start3A_226, %dma_start3A_227] : memref<4x128x128xf32, #tpu.memory_space<vmem>> -> memref<1x16x128xf32, #tpu.memory_space<vmem>>
      %dma_start3A_229 = tpu.memref_squeeze %dma_start3A_228 : memref<1x16x128xf32, #tpu.memory_space<vmem>> -> memref<16x128xf32, #tpu.memory_space<vmem>>
      %dma_start3A_230 = arith.constant 3840 : i32
      %dma_start3A_231 = tpu.memref_slice %arg5[%dma_start3A_230] : memref<3856xi32, #tpu.memory_space<vmem>> -> memref<16xi32, #tpu.memory_space<vmem>>
      %dma_start3A_232 = arith.constant 0 : i32
      %dma_start3A_233 = arith.constant 0 : i32
      %dma_start3A_234 = tpu.memref_slice %arg3[%dma_start3A_232, %dma_start3A_233] : memref<100000x128xf32, #tpu.memory_space<hbm>> -> memref<100000x128xf32, #tpu.memory_space<hbm>>
      tpu.enqueue_indirect_dma source(%dma_start3A_234 : memref<100000x128xf32, #tpu.memory_space<hbm>>) target(%dma_start3A_229 : memref<16x128xf32, #tpu.memory_space<vmem>>) offsets(%dma_start3A_231 : memref<16xi32, #tpu.memory_space<vmem>>) semaphore(%arg7 : memref<!tpu.dma_semaphore, #tpu.memory_space<semaphore_mem>>)
      %add3A_235 = arith.constant 3456 : i32
      %add3A_236 = arith.addi %mul3A_16, %add3A_235 : i32
      %dma_wait3A_237 = arith.constant 3 : i32
      %dma_wait3A_238 = arith.constant 0 : i32
      %dma_wait3A_239 = arith.constant 0 : i32
      %dma_wait3A_240 = tpu.memref_slice %arg6[%dma_wait3A_237, %dma_wait3A_238, %dma_wait3A_239] : memref<4x128x128xf32, #tpu.memory_space<vmem>> -> memref<1x128x128xf32, #tpu.memory_space<vmem>>
      %dma_wait3A_241 = tpu.memref_squeeze %dma_wait3A_240 : memref<1x128x128xf32, #tpu.memory_space<vmem>> -> memref<128x128xf32, #tpu.memory_space<vmem>>
      %dma_wait3A_242 = arith.constant 0 : i32
      %dma_wait3A_243 = tpu.memref_slice %arg4[%add3A_236, %dma_wait3A_242] : memref<100000x128xf32, #tpu.memory_space<hbm>> -> memref<128x128xf32, #tpu.memory_space<hbm>>
      %dma_wait3A_244 = arith.constant 0 : i32
      %dma_wait3A_245 = tpu.memref_slice %arg4[%add3A_236, %dma_wait3A_244] : memref<100000x128xf32, #tpu.memory_space<hbm>> -> memref<128x128xf32, #tpu.memory_space<hbm>>
      %dma_wait3A_246 = arith.constant 0 : i32
      %dma_wait3A_247 = arith.constant 0 : i32
      %dma_wait3A_248 = tpu.memref_slice %arg6[%dma_wait3A_237, %dma_wait3A_246, %dma_wait3A_247] : memref<4x128x128xf32, #tpu.memory_space<vmem>> -> memref<1x128x128xf32, #tpu.memory_space<vmem>>
      %dma_wait3A_249 = tpu.memref_squeeze %dma_wait3A_248 : memref<1x128x128xf32, #tpu.memory_space<vmem>> -> memref<128x128xf32, #tpu.memory_space<vmem>>
      tpu.wait_dma2 semaphore(%arg8 : memref<!tpu.dma_semaphore, #tpu.memory_space<semaphore_mem>>) src(%dma_wait3A_249 : memref<128x128xf32, #tpu.memory_space<vmem>>) dst(%dma_wait3A_245 : memref<128x128xf32, #tpu.memory_space<hbm>>)
      %dma_wait3A_250 = arith.constant 0 : i32
      %dma_wait3A_251 = arith.constant 0 : i32
      %dma_wait3A_252 = arith.constant 0 : i32
      %dma_wait3A_253 = tpu.memref_slice %arg6[%dma_wait3A_250, %dma_wait3A_251, %dma_wait3A_252] : memref<4x128x128xf32, #tpu.memory_space<vmem>> -> memref<1x128x128xf32, #tpu.memory_space<vmem>>
      %dma_wait3A_254 = tpu.memref_squeeze %dma_wait3A_253 : memref<1x128x128xf32, #tpu.memory_space<vmem>> -> memref<128x128xf32, #tpu.memory_space<vmem>>
      %dma_wait3A_255 = arith.constant 3584 : i32
      %dma_wait3A_256 = tpu.memref_slice %arg5[%dma_wait3A_255] : memref<3856xi32, #tpu.memory_space<vmem>> -> memref<128xi32, #tpu.memory_space<vmem>>
      %dma_wait3A_257 = arith.constant 0 : i32
      %dma_wait3A_258 = arith.constant 0 : i32
      %dma_wait3A_259 = tpu.memref_slice %arg3[%dma_wait3A_257, %dma_wait3A_258] : memref<100000x128xf32, #tpu.memory_space<hbm>> -> memref<100000x128xf32, #tpu.memory_space<hbm>>
      tpu.wait_indirect_dma semaphore(%arg7 : memref<!tpu.dma_semaphore, #tpu.memory_space<semaphore_mem>>) src(%dma_wait3A_259 : memref<100000x128xf32, #tpu.memory_space<hbm>>) dst(%dma_wait3A_254 : memref<128x128xf32, #tpu.memory_space<vmem>>)
      %add3A_260 = arith.constant 3584 : i32
      %add3A_261 = arith.addi %mul3A_16, %add3A_260 : i32
      %dma_start3A_262 = arith.constant 0 : i32
      %dma_start3A_263 = arith.constant 0 : i32
      %dma_start3A_264 = arith.constant 0 : i32
      %dma_start3A_265 = tpu.memref_slice %arg6[%dma_start3A_262, %dma_start3A_263, %dma_start3A_264] : memref<4x128x128xf32, #tpu.memory_space<vmem>> -> memref<1x128x128xf32, #tpu.memory_space<vmem>>
      %dma_start3A_266 = tpu.memref_squeeze %dma_start3A_265 : memref<1x128x128xf32, #tpu.memory_space<vmem>> -> memref<128x128xf32, #tpu.memory_space<vmem>>
      %dma_start3A_267 = arith.constant 0 : i32
      %dma_start3A_268 = tpu.memref_slice %arg4[%add3A_261, %dma_start3A_267] : memref<100000x128xf32, #tpu.memory_space<hbm>> -> memref<128x128xf32, #tpu.memory_space<hbm>>
      %dma_start3A_269 = arith.constant 0 : i32
      %dma_start3A_270 = tpu.memref_slice %arg4[%add3A_261, %dma_start3A_269] : memref<100000x128xf32, #tpu.memory_space<hbm>> -> memref<128x128xf32, #tpu.memory_space<hbm>>
      %dma_start3A_271 = arith.constant 0 : i32
      %dma_start3A_272 = arith.constant 0 : i32
      %dma_start3A_273 = tpu.memref_slice %arg6[%dma_start3A_262, %dma_start3A_271, %dma_start3A_272] : memref<4x128x128xf32, #tpu.memory_space<vmem>> -> memref<1x128x128xf32, #tpu.memory_space<vmem>>
      %dma_start3A_274 = tpu.memref_squeeze %dma_start3A_273 : memref<1x128x128xf32, #tpu.memory_space<vmem>> -> memref<128x128xf32, #tpu.memory_space<vmem>>
      tpu.enqueue_dma source(%dma_start3A_274 : memref<128x128xf32, #tpu.memory_space<vmem>>) target(%dma_start3A_270 : memref<128x128xf32, #tpu.memory_space<hbm>>) target_semaphore(%arg8 : memref<!tpu.dma_semaphore, #tpu.memory_space<semaphore_mem>>)
      %dma_wait3A_275 = arith.constant 1 : i32
      %dma_wait3A_276 = arith.constant 0 : i32
      %dma_wait3A_277 = arith.constant 0 : i32
      %dma_wait3A_278 = tpu.memref_slice %arg6[%dma_wait3A_275, %dma_wait3A_276, %dma_wait3A_277] : memref<4x128x128xf32, #tpu.memory_space<vmem>> -> memref<1x128x128xf32, #tpu.memory_space<vmem>>
      %dma_wait3A_279 = tpu.memref_squeeze %dma_wait3A_278 : memref<1x128x128xf32, #tpu.memory_space<vmem>> -> memref<128x128xf32, #tpu.memory_space<vmem>>
      %dma_wait3A_280 = arith.constant 3712 : i32
      %dma_wait3A_281 = tpu.memref_slice %arg5[%dma_wait3A_280] : memref<3856xi32, #tpu.memory_space<vmem>> -> memref<128xi32, #tpu.memory_space<vmem>>
      %dma_wait3A_282 = arith.constant 0 : i32
      %dma_wait3A_283 = arith.constant 0 : i32
      %dma_wait3A_284 = tpu.memref_slice %arg3[%dma_wait3A_282, %dma_wait3A_283] : memref<100000x128xf32, #tpu.memory_space<hbm>> -> memref<100000x128xf32, #tpu.memory_space<hbm>>
      tpu.wait_indirect_dma semaphore(%arg7 : memref<!tpu.dma_semaphore, #tpu.memory_space<semaphore_mem>>) src(%dma_wait3A_284 : memref<100000x128xf32, #tpu.memory_space<hbm>>) dst(%dma_wait3A_279 : memref<128x128xf32, #tpu.memory_space<vmem>>)
      %add3A_285 = arith.constant 3712 : i32
      %add3A_286 = arith.addi %mul3A_16, %add3A_285 : i32
      %dma_start3A_287 = arith.constant 1 : i32
      %dma_start3A_288 = arith.constant 0 : i32
      %dma_start3A_289 = arith.constant 0 : i32
      %dma_start3A_290 = tpu.memref_slice %arg6[%dma_start3A_287, %dma_start3A_288, %dma_start3A_289] : memref<4x128x128xf32, #tpu.memory_space<vmem>> -> memref<1x128x128xf32, #tpu.memory_space<vmem>>
      %dma_start3A_291 = tpu.memref_squeeze %dma_start3A_290 : memref<1x128x128xf32, #tpu.memory_space<vmem>> -> memref<128x128xf32, #tpu.memory_space<vmem>>
      %dma_start3A_292 = arith.constant 0 : i32
      %dma_start3A_293 = tpu.memref_slice %arg4[%add3A_286, %dma_start3A_292] : memref<100000x128xf32, #tpu.memory_space<hbm>> -> memref<128x128xf32, #tpu.memory_space<hbm>>
      %dma_start3A_294 = arith.constant 0 : i32
      %dma_start3A_295 = tpu.memref_slice %arg4[%add3A_286, %dma_start3A_294] : memref<100000x128xf32, #tpu.memory_space<hbm>> -> memref<128x128xf32, #tpu.memory_space<hbm>>
      %dma_start3A_296 = arith.constant 0 : i32
      %dma_start3A_297 = arith.constant 0 : i32
      %dma_start3A_298 = tpu.memref_slice %arg6[%dma_start3A_287, %dma_start3A_296, %dma_start3A_297] : memref<4x128x128xf32, #tpu.memory_space<vmem>> -> memref<1x128x128xf32, #tpu.memory_space<vmem>>
      %dma_start3A_299 = tpu.memref_squeeze %dma_start3A_298 : memref<1x128x128xf32, #tpu.memory_space<vmem>> -> memref<128x128xf32, #tpu.memory_space<vmem>>
      tpu.enqueue_dma source(%dma_start3A_299 : memref<128x128xf32, #tpu.memory_space<vmem>>) target(%dma_start3A_295 : memref<128x128xf32, #tpu.memory_space<hbm>>) target_semaphore(%arg8 : memref<!tpu.dma_semaphore, #tpu.memory_space<semaphore_mem>>)
      %dma_wait3A_300 = arith.constant 2 : i32
      %dma_wait3A_301 = arith.constant 0 : i32
      %dma_wait3A_302 = arith.constant 0 : i32
      %dma_wait3A_303 = tpu.memref_slice %arg6[%dma_wait3A_300, %dma_wait3A_301, %dma_wait3A_302] : memref<4x128x128xf32, #tpu.memory_space<vmem>> -> memref<1x16x128xf32, #tpu.memory_space<vmem>>
      %dma_wait3A_304 = tpu.memref_squeeze %dma_wait3A_303 : memref<1x16x128xf32, #tpu.memory_space<vmem>> -> memref<16x128xf32, #tpu.memory_space<vmem>>
      %dma_wait3A_305 = arith.constant 3840 : i32
      %dma_wait3A_306 = tpu.memref_slice %arg5[%dma_wait3A_305] : memref<3856xi32, #tpu.memory_space<vmem>> -> memref<16xi32, #tpu.memory_space<vmem>>
      %dma_wait3A_307 = arith.constant 0 : i32
      %dma_wait3A_308 = arith.constant 0 : i32
      %dma_wait3A_309 = tpu.memref_slice %arg3[%dma_wait3A_307, %dma_wait3A_308] : memref<100000x128xf32, #tpu.memory_space<hbm>> -> memref<100000x128xf32, #tpu.memory_space<hbm>>
      tpu.wait_indirect_dma semaphore(%arg7 : memref<!tpu.dma_semaphore, #tpu.memory_space<semaphore_mem>>) src(%dma_wait3A_309 : memref<100000x128xf32, #tpu.memory_space<hbm>>) dst(%dma_wait3A_304 : memref<16x128xf32, #tpu.memory_space<vmem>>)
      %add3A_310 = arith.constant 3840 : i32
      %add3A_311 = arith.addi %mul3A_16, %add3A_310 : i32
      %dma_start3A_312 = arith.constant 2 : i32
      %dma_start3A_313 = arith.constant 0 : i32
      %dma_start3A_314 = arith.constant 0 : i32
      %dma_start3A_315 = tpu.memref_slice %arg6[%dma_start3A_312, %dma_start3A_313, %dma_start3A_314] : memref<4x128x128xf32, #tpu.memory_space<vmem>> -> memref<1x16x128xf32, #tpu.memory_space<vmem>>
      %dma_start3A_316 = tpu.memref_squeeze %dma_start3A_315 : memref<1x16x128xf32, #tpu.memory_space<vmem>> -> memref<16x128xf32, #tpu.memory_space<vmem>>
      %dma_start3A_317 = arith.constant 0 : i32
      %dma_start3A_318 = tpu.memref_slice %arg4[%add3A_311, %dma_start3A_317] : memref<100000x128xf32, #tpu.memory_space<hbm>> -> memref<16x128xf32, #tpu.memory_space<hbm>>
      %dma_start3A_319 = arith.constant 0 : i32
      %dma_start3A_320 = tpu.memref_slice %arg4[%add3A_311, %dma_start3A_319] : memref<100000x128xf32, #tpu.memory_space<hbm>> -> memref<16x128xf32, #tpu.memory_space<hbm>>
      %dma_start3A_321 = arith.constant 0 : i32
      %dma_start3A_322 = arith.constant 0 : i32
      %dma_start3A_323 = tpu.memref_slice %arg6[%dma_start3A_312, %dma_start3A_321, %dma_start3A_322] : memref<4x128x128xf32, #tpu.memory_space<vmem>> -> memref<1x16x128xf32, #tpu.memory_space<vmem>>
      %dma_start3A_324 = tpu.memref_squeeze %dma_start3A_323 : memref<1x16x128xf32, #tpu.memory_space<vmem>> -> memref<16x128xf32, #tpu.memory_space<vmem>>
      tpu.enqueue_dma source(%dma_start3A_324 : memref<16x128xf32, #tpu.memory_space<vmem>>) target(%dma_start3A_320 : memref<16x128xf32, #tpu.memory_space<hbm>>) target_semaphore(%arg8 : memref<!tpu.dma_semaphore, #tpu.memory_space<semaphore_mem>>)
      %add3A_325 = arith.constant 3584 : i32
      %add3A_326 = arith.addi %mul3A_16, %add3A_325 : i32
      %dma_wait3A_327 = arith.constant 0 : i32
      %dma_wait3A_328 = arith.constant 0 : i32
      %dma_wait3A_329 = arith.constant 0 : i32
      %dma_wait3A_330 = tpu.memref_slice %arg6[%dma_wait3A_327, %dma_wait3A_328, %dma_wait3A_329] : memref<4x128x128xf32, #tpu.memory_space<vmem>> -> memref<1x128x128xf32, #tpu.memory_space<vmem>>
      %dma_wait3A_331 = tpu.memref_squeeze %dma_wait3A_330 : memref<1x128x128xf32, #tpu.memory_space<vmem>> -> memref<128x128xf32, #tpu.memory_space<vmem>>
      %dma_wait3A_332 = arith.constant 0 : i32
      %dma_wait3A_333 = tpu.memref_slice %arg4[%add3A_326, %dma_wait3A_332] : memref<100000x128xf32, #tpu.memory_space<hbm>> -> memref<128x128xf32, #tpu.memory_space<hbm>>
      %dma_wait3A_334 = arith.constant 0 : i32
      %dma_wait3A_335 = tpu.memref_slice %arg4[%add3A_326, %dma_wait3A_334] : memref<100000x128xf32, #tpu.memory_space<hbm>> -> memref<128x128xf32, #tpu.memory_space<hbm>>
      %dma_wait3A_336 = arith.constant 0 : i32
      %dma_wait3A_337 = arith.constant 0 : i32
      %dma_wait3A_338 = tpu.memref_slice %arg6[%dma_wait3A_327, %dma_wait3A_336, %dma_wait3A_337] : memref<4x128x128xf32, #tpu.memory_space<vmem>> -> memref<1x128x128xf32, #tpu.memory_space<vmem>>
      %dma_wait3A_339 = tpu.memref_squeeze %dma_wait3A_338 : memref<1x128x128xf32, #tpu.memory_space<vmem>> -> memref<128x128xf32, #tpu.memory_space<vmem>>
      tpu.wait_dma2 semaphore(%arg8 : memref<!tpu.dma_semaphore, #tpu.memory_space<semaphore_mem>>) src(%dma_wait3A_339 : memref<128x128xf32, #tpu.memory_space<vmem>>) dst(%dma_wait3A_335 : memref<128x128xf32, #tpu.memory_space<hbm>>)
      %add3A_340 = arith.constant 3712 : i32
      %add3A_341 = arith.addi %mul3A_16, %add3A_340 : i32
      %dma_wait3A_342 = arith.constant 1 : i32
      %dma_wait3A_343 = arith.constant 0 : i32
      %dma_wait3A_344 = arith.constant 0 : i32
      %dma_wait3A_345 = tpu.memref_slice %arg6[%dma_wait3A_342, %dma_wait3A_343, %dma_wait3A_344] : memref<4x128x128xf32, #tpu.memory_space<vmem>> -> memref<1x128x128xf32, #tpu.memory_space<vmem>>
      %dma_wait3A_346 = tpu.memref_squeeze %dma_wait3A_345 : memref<1x128x128xf32, #tpu.memory_space<vmem>> -> memref<128x128xf32, #tpu.memory_space<vmem>>
      %dma_wait3A_347 = arith.constant 0 : i32
      %dma_wait3A_348 = tpu.memref_slice %arg4[%add3A_341, %dma_wait3A_347] : memref<100000x128xf32, #tpu.memory_space<hbm>> -> memref<128x128xf32, #tpu.memory_space<hbm>>
      %dma_wait3A_349 = arith.constant 0 : i32
      %dma_wait3A_350 = tpu.memref_slice %arg4[%add3A_341, %dma_wait3A_349] : memref<100000x128xf32, #tpu.memory_space<hbm>> -> memref<128x128xf32, #tpu.memory_space<hbm>>
      %dma_wait3A_351 = arith.constant 0 : i32
      %dma_wait3A_352 = arith.constant 0 : i32
      %dma_wait3A_353 = tpu.memref_slice %arg6[%dma_wait3A_342, %dma_wait3A_351, %dma_wait3A_352] : memref<4x128x128xf32, #tpu.memory_space<vmem>> -> memref<1x128x128xf32, #tpu.memory_space<vmem>>
      %dma_wait3A_354 = tpu.memref_squeeze %dma_wait3A_353 : memref<1x128x128xf32, #tpu.memory_space<vmem>> -> memref<128x128xf32, #tpu.memory_space<vmem>>
      tpu.wait_dma2 semaphore(%arg8 : memref<!tpu.dma_semaphore, #tpu.memory_space<semaphore_mem>>) src(%dma_wait3A_354 : memref<128x128xf32, #tpu.memory_space<vmem>>) dst(%dma_wait3A_350 : memref<128x128xf32, #tpu.memory_space<hbm>>)
      %add3A_355 = arith.constant 3840 : i32
      %add3A_356 = arith.addi %mul3A_16, %add3A_355 : i32
      %dma_wait3A_357 = arith.constant 2 : i32
      %dma_wait3A_358 = arith.constant 0 : i32
      %dma_wait3A_359 = arith.constant 0 : i32
      %dma_wait3A_360 = tpu.memref_slice %arg6[%dma_wait3A_357, %dma_wait3A_358, %dma_wait3A_359] : memref<4x128x128xf32, #tpu.memory_space<vmem>> -> memref<1x16x128xf32, #tpu.memory_space<vmem>>
      %dma_wait3A_361 = tpu.memref_squeeze %dma_wait3A_360 : memref<1x16x128xf32, #tpu.memory_space<vmem>> -> memref<16x128xf32, #tpu.memory_space<vmem>>
      %dma_wait3A_362 = arith.constant 0 : i32
      %dma_wait3A_363 = tpu.memref_slice %arg4[%add3A_356, %dma_wait3A_362] : memref<100000x128xf32, #tpu.memory_space<hbm>> -> memref<16x128xf32, #tpu.memory_space<hbm>>
      %dma_wait3A_364 = arith.constant 0 : i32
      %dma_wait3A_365 = tpu.memref_slice %arg4[%add3A_356, %dma_wait3A_364] : memref<100000x128xf32, #tpu.memory_space<hbm>> -> memref<16x128xf32, #tpu.memory_space<hbm>>
      %dma_wait3A_366 = arith.constant 0 : i32
      %dma_wait3A_367 = arith.constant 0 : i32
      %dma_wait3A_368 = tpu.memref_slice %arg6[%dma_wait3A_357, %dma_wait3A_366, %dma_wait3A_367] : memref<4x128x128xf32, #tpu.memory_space<vmem>> -> memref<1x16x128xf32, #tpu.memory_space<vmem>>
      %dma_wait3A_369 = tpu.memref_squeeze %dma_wait3A_368 : memref<1x16x128xf32, #tpu.memory_space<vmem>> -> memref<16x128xf32, #tpu.memory_space<vmem>>
      tpu.wait_dma2 semaphore(%arg8 : memref<!tpu.dma_semaphore, #tpu.memory_space<semaphore_mem>>) src(%dma_wait3A_369 : memref<16x128xf32, #tpu.memory_space<vmem>>) dst(%dma_wait3A_365 : memref<16x128xf32, #tpu.memory_space<hbm>>)
    } else {
    }
    %eq3A_2 = arith.constant 1 : i32
    %eq3A_3 = arith.cmpi eq, %arg0, %eq3A_2 : i32
    %lt3A = arith.constant 15 : i32
    %lt3A_4 = arith.cmpi slt, %arg1, %lt3A : i32
    %and3A = arith.andi %eq3A_3, %lt3A_4 : i1
    %convert_element_type3A_5 = arith.extui %and3A : i1 to i32
    %cond3A_6 = arith.constant 0 : i32
    %cond3A_7 = arith.cmpi ne, %convert_element_type3A_5, %cond3A_6 : i32
    scf.if %cond3A_7 {
      %mul3A = arith.constant 2392 : i32
      %mul3A_16 = arith.muli %arg1, %mul3A : i32
      %add3A = arith.constant 61696 : i32
      %add3A_17 = arith.addi %add3A, %mul3A_16 : i32
      "tpu.region"() ({
        %run_scoped3A = tpu.sem_alloc : memref<!tpu.dma_semaphore, #tpu.memory_space<semaphore_mem>>
        %dma_start3A_372 = arith.constant 0 : i32
        %dma_start3A_373 = tpu.memref_slice %arg5[%dma_start3A_372] : memref<3856xi32, #tpu.memory_space<vmem>> -> memref<2392xi32, #tpu.memory_space<vmem>>
        %dma_start3A_374 = tpu.memref_slice %arg2[%add3A_17] : memref<100000xi32, #tpu.memory_space<hbm>> -> memref<2392xi32, #tpu.memory_space<hbm>>
        %dma_start3A_375 = arith.constant 0 : i32
        %dma_start3A_376 = tpu.memref_slice %arg5[%dma_start3A_375] : memref<3856xi32, #tpu.memory_space<vmem>> -> memref<2392xi32, #tpu.memory_space<vmem>>
        %dma_start3A_377 = tpu.memref_slice %arg2[%add3A_17] : memref<100000xi32, #tpu.memory_space<hbm>> -> memref<2392xi32, #tpu.memory_space<hbm>>
        tpu.enqueue_dma source(%dma_start3A_377 : memref<2392xi32, #tpu.memory_space<hbm>>) target(%dma_start3A_376 : memref<2392xi32, #tpu.memory_space<vmem>>) target_semaphore(%run_scoped3A : memref<!tpu.dma_semaphore, #tpu.memory_space<semaphore_mem>>)
        %dma_wait3A_378 = arith.constant 0 : i32
        %dma_wait3A_379 = tpu.memref_slice %arg5[%dma_wait3A_378] : memref<3856xi32, #tpu.memory_space<vmem>> -> memref<2392xi32, #tpu.memory_space<vmem>>
        %dma_wait3A_380 = tpu.memref_slice %arg2[%add3A_17] : memref<100000xi32, #tpu.memory_space<hbm>> -> memref<2392xi32, #tpu.memory_space<hbm>>
        %dma_wait3A_381 = arith.constant 0 : i32
        %dma_wait3A_382 = tpu.memref_slice %arg5[%dma_wait3A_381] : memref<3856xi32, #tpu.memory_space<vmem>> -> memref<2392xi32, #tpu.memory_space<vmem>>
        %dma_wait3A_383 = tpu.memref_slice %arg2[%add3A_17] : memref<100000xi32, #tpu.memory_space<hbm>> -> memref<2392xi32, #tpu.memory_space<hbm>>
        tpu.wait_dma2 semaphore(%run_scoped3A : memref<!tpu.dma_semaphore, #tpu.memory_space<semaphore_mem>>) src(%dma_wait3A_383 : memref<2392xi32, #tpu.memory_space<hbm>>) dst(%dma_wait3A_382 : memref<2392xi32, #tpu.memory_space<vmem>>)
        tpu.yield
      }) : () -> ()
      %dma_start3A = arith.constant 0 : i32
      %dma_start3A_18 = arith.constant 0 : i32
      %dma_start3A_19 = arith.constant 0 : i32
      %dma_start3A_20 = tpu.memref_slice %arg6[%dma_start3A, %dma_start3A_18, %dma_start3A_19] : memref<4x128x128xf32, #tpu.memory_space<vmem>> -> memref<1x128x128xf32, #tpu.memory_space<vmem>>
      %dma_start3A_21 = tpu.memref_squeeze %dma_start3A_20 : memref<1x128x128xf32, #tpu.memory_space<vmem>> -> memref<128x128xf32, #tpu.memory_space<vmem>>
      %dma_start3A_22 = arith.constant 0 : i32
      %dma_start3A_23 = tpu.memref_slice %arg5[%dma_start3A_22] : memref<3856xi32, #tpu.memory_space<vmem>> -> memref<128xi32, #tpu.memory_space<vmem>>
      %dma_start3A_24 = arith.constant 0 : i32
      %dma_start3A_25 = arith.constant 0 : i32
      %dma_start3A_26 = tpu.memref_slice %arg3[%dma_start3A_24, %dma_start3A_25] : memref<100000x128xf32, #tpu.memory_space<hbm>> -> memref<100000x128xf32, #tpu.memory_space<hbm>>
      tpu.enqueue_indirect_dma source(%dma_start3A_26 : memref<100000x128xf32, #tpu.memory_space<hbm>>) target(%dma_start3A_21 : memref<128x128xf32, #tpu.memory_space<vmem>>) offsets(%dma_start3A_23 : memref<128xi32, #tpu.memory_space<vmem>>) semaphore(%arg7 : memref<!tpu.dma_semaphore, #tpu.memory_space<semaphore_mem>>)
      %dma_start3A_27 = arith.constant 1 : i32
      %dma_start3A_28 = arith.constant 0 : i32
      %dma_start3A_29 = arith.constant 0 : i32
      %dma_start3A_30 = tpu.memref_slice %arg6[%dma_start3A_27, %dma_start3A_28, %dma_start3A_29] : memref<4x128x128xf32, #tpu.memory_space<vmem>> -> memref<1x128x128xf32, #tpu.memory_space<vmem>>
      %dma_start3A_31 = tpu.memref_squeeze %dma_start3A_30 : memref<1x128x128xf32, #tpu.memory_space<vmem>> -> memref<128x128xf32, #tpu.memory_space<vmem>>
      %dma_start3A_32 = arith.constant 128 : i32
      %dma_start3A_33 = tpu.memref_slice %arg5[%dma_start3A_32] : memref<3856xi32, #tpu.memory_space<vmem>> -> memref<128xi32, #tpu.memory_space<vmem>>
      %dma_start3A_34 = arith.constant 0 : i32
      %dma_start3A_35 = arith.constant 0 : i32
      %dma_start3A_36 = tpu.memref_slice %arg3[%dma_start3A_34, %dma_start3A_35] : memref<100000x128xf32, #tpu.memory_space<hbm>> -> memref<100000x128xf32, #tpu.memory_space<hbm>>
      tpu.enqueue_indirect_dma source(%dma_start3A_36 : memref<100000x128xf32, #tpu.memory_space<hbm>>) target(%dma_start3A_31 : memref<128x128xf32, #tpu.memory_space<vmem>>) offsets(%dma_start3A_33 : memref<128xi32, #tpu.memory_space<vmem>>) semaphore(%arg7 : memref<!tpu.dma_semaphore, #tpu.memory_space<semaphore_mem>>)
      %dma_start3A_37 = arith.constant 2 : i32
      %dma_start3A_38 = arith.constant 0 : i32
      %dma_start3A_39 = arith.constant 0 : i32
      %dma_start3A_40 = tpu.memref_slice %arg6[%dma_start3A_37, %dma_start3A_38, %dma_start3A_39] : memref<4x128x128xf32, #tpu.memory_space<vmem>> -> memref<1x128x128xf32, #tpu.memory_space<vmem>>
      %dma_start3A_41 = tpu.memref_squeeze %dma_start3A_40 : memref<1x128x128xf32, #tpu.memory_space<vmem>> -> memref<128x128xf32, #tpu.memory_space<vmem>>
      %dma_start3A_42 = arith.constant 256 : i32
      %dma_start3A_43 = tpu.memref_slice %arg5[%dma_start3A_42] : memref<3856xi32, #tpu.memory_space<vmem>> -> memref<128xi32, #tpu.memory_space<vmem>>
      %dma_start3A_44 = arith.constant 0 : i32
      %dma_start3A_45 = arith.constant 0 : i32
      %dma_start3A_46 = tpu.memref_slice %arg3[%dma_start3A_44, %dma_start3A_45] : memref<100000x128xf32, #tpu.memory_space<hbm>> -> memref<100000x128xf32, #tpu.memory_space<hbm>>
      tpu.enqueue_indirect_dma source(%dma_start3A_46 : memref<100000x128xf32, #tpu.memory_space<hbm>>) target(%dma_start3A_41 : memref<128x128xf32, #tpu.memory_space<vmem>>) offsets(%dma_start3A_43 : memref<128xi32, #tpu.memory_space<vmem>>) semaphore(%arg7 : memref<!tpu.dma_semaphore, #tpu.memory_space<semaphore_mem>>)
      %dma_start3A_47 = arith.constant 3 : i32
      %dma_start3A_48 = arith.constant 0 : i32
      %dma_start3A_49 = arith.constant 0 : i32
      %dma_start3A_50 = tpu.memref_slice %arg6[%dma_start3A_47, %dma_start3A_48, %dma_start3A_49] : memref<4x128x128xf32, #tpu.memory_space<vmem>> -> memref<1x128x128xf32, #tpu.memory_space<vmem>>
      %dma_start3A_51 = tpu.memref_squeeze %dma_start3A_50 : memref<1x128x128xf32, #tpu.memory_space<vmem>> -> memref<128x128xf32, #tpu.memory_space<vmem>>
      %dma_start3A_52 = arith.constant 384 : i32
      %dma_start3A_53 = tpu.memref_slice %arg5[%dma_start3A_52] : memref<3856xi32, #tpu.memory_space<vmem>> -> memref<128xi32, #tpu.memory_space<vmem>>
      %dma_start3A_54 = arith.constant 0 : i32
      %dma_start3A_55 = arith.constant 0 : i32
      %dma_start3A_56 = tpu.memref_slice %arg3[%dma_start3A_54, %dma_start3A_55] : memref<100000x128xf32, #tpu.memory_space<hbm>> -> memref<100000x128xf32, #tpu.memory_space<hbm>>
      tpu.enqueue_indirect_dma source(%dma_start3A_56 : memref<100000x128xf32, #tpu.memory_space<hbm>>) target(%dma_start3A_51 : memref<128x128xf32, #tpu.memory_space<vmem>>) offsets(%dma_start3A_53 : memref<128xi32, #tpu.memory_space<vmem>>) semaphore(%arg7 : memref<!tpu.dma_semaphore, #tpu.memory_space<semaphore_mem>>)
      %scan3A = arith.constant 0 : i32
      %scan3A_57 = arith.constant 0 : i32
      %scan3A_58 = arith.constant 3 : i32
      %scan3A_59 = arith.addi %scan3A_57, %scan3A_58 : i32
      %scan3A_60 = arith.constant 1 : i32
      %scan3A_61 = scf.for %scan3A_372 = %scan3A_57 to %scan3A_59 step %scan3A_60 iter_args(%scan3A_373 = %scan3A) -> (i32)  : i32 {
        %mul3A_374 = arith.constant 4 : i32
        %mul3A_375 = arith.muli %scan3A_372, %mul3A_374 : i32
        %add3A_376 = arith.constant 0 : i32
        %add3A_377 = arith.addi %mul3A_375, %add3A_376 : i32
        %mul3A_378 = arith.constant 128 : i32
        %mul3A_379 = arith.muli %add3A_377, %mul3A_378 : i32
        %dma_wait3A_380 = arith.constant 0 : i32
        %dma_wait3A_381 = arith.constant 0 : i32
        %dma_wait3A_382 = arith.constant 0 : i32
        %dma_wait3A_383 = tpu.memref_slice %arg6[%dma_wait3A_380, %dma_wait3A_381, %dma_wait3A_382] : memref<4x128x128xf32, #tpu.memory_space<vmem>> -> memref<1x128x128xf32, #tpu.memory_space<vmem>>
        %dma_wait3A_384 = tpu.memref_squeeze %dma_wait3A_383 : memref<1x128x128xf32, #tpu.memory_space<vmem>> -> memref<128x128xf32, #tpu.memory_space<vmem>>
        %dma_wait3A_385 = tpu.memref_slice %arg5[%mul3A_379] : memref<3856xi32, #tpu.memory_space<vmem>> -> memref<128xi32, #tpu.memory_space<vmem>>
        %dma_wait3A_386 = arith.constant 0 : i32
        %dma_wait3A_387 = arith.constant 0 : i32
        %dma_wait3A_388 = tpu.memref_slice %arg3[%dma_wait3A_386, %dma_wait3A_387] : memref<100000x128xf32, #tpu.memory_space<hbm>> -> memref<100000x128xf32, #tpu.memory_space<hbm>>
        tpu.wait_indirect_dma semaphore(%arg7 : memref<!tpu.dma_semaphore, #tpu.memory_space<semaphore_mem>>) src(%dma_wait3A_388 : memref<100000x128xf32, #tpu.memory_space<hbm>>) dst(%dma_wait3A_384 : memref<128x128xf32, #tpu.memory_space<vmem>>)
        %add3A_389 = arith.constant 0 : i32
        %add3A_390 = arith.addi %mul3A_375, %add3A_389 : i32
        %mul3A_391 = arith.constant 128 : i32
        %mul3A_392 = arith.muli %add3A_390, %mul3A_391 : i32
        %add3A_393 = arith.addi %add3A_17, %mul3A_392 : i32
        %dma_start3A_394 = arith.constant 0 : i32
        %dma_start3A_395 = arith.constant 0 : i32
        %dma_start3A_396 = arith.constant 0 : i32
        %dma_start3A_397 = tpu.memref_slice %arg6[%dma_start3A_394, %dma_start3A_395, %dma_start3A_396] : memref<4x128x128xf32, #tpu.memory_space<vmem>> -> memref<1x128x128xf32, #tpu.memory_space<vmem>>
        %dma_start3A_398 = tpu.memref_squeeze %dma_start3A_397 : memref<1x128x128xf32, #tpu.memory_space<vmem>> -> memref<128x128xf32, #tpu.memory_space<vmem>>
        %dma_start3A_399 = arith.constant 0 : i32
        %dma_start3A_400 = tpu.memref_slice %arg4[%add3A_393, %dma_start3A_399] : memref<100000x128xf32, #tpu.memory_space<hbm>> -> memref<128x128xf32, #tpu.memory_space<hbm>>
        %dma_start3A_401 = arith.constant 0 : i32
        %dma_start3A_402 = tpu.memref_slice %arg4[%add3A_393, %dma_start3A_401] : memref<100000x128xf32, #tpu.memory_space<hbm>> -> memref<128x128xf32, #tpu.memory_space<hbm>>
        %dma_start3A_403 = arith.constant 0 : i32
        %dma_start3A_404 = arith.constant 0 : i32
        %dma_start3A_405 = tpu.memref_slice %arg6[%dma_start3A_394, %dma_start3A_403, %dma_start3A_404] : memref<4x128x128xf32, #tpu.memory_space<vmem>> -> memref<1x128x128xf32, #tpu.memory_space<vmem>>
        %dma_start3A_406 = tpu.memref_squeeze %dma_start3A_405 : memref<1x128x128xf32, #tpu.memory_space<vmem>> -> memref<128x128xf32, #tpu.memory_space<vmem>>
        tpu.enqueue_dma source(%dma_start3A_406 : memref<128x128xf32, #tpu.memory_space<vmem>>) target(%dma_start3A_402 : memref<128x128xf32, #tpu.memory_space<hbm>>) target_semaphore(%arg8 : memref<!tpu.dma_semaphore, #tpu.memory_space<semaphore_mem>>)
        %add3A_407 = arith.constant 1 : i32
        %add3A_408 = arith.addi %mul3A_375, %add3A_407 : i32
        %mul3A_409 = arith.constant 128 : i32
        %mul3A_410 = arith.muli %add3A_408, %mul3A_409 : i32
        %dma_wait3A_411 = arith.constant 1 : i32
        %dma_wait3A_412 = arith.constant 0 : i32
        %dma_wait3A_413 = arith.constant 0 : i32
        %dma_wait3A_414 = tpu.memref_slice %arg6[%dma_wait3A_411, %dma_wait3A_412, %dma_wait3A_413] : memref<4x128x128xf32, #tpu.memory_space<vmem>> -> memref<1x128x128xf32, #tpu.memory_space<vmem>>
        %dma_wait3A_415 = tpu.memref_squeeze %dma_wait3A_414 : memref<1x128x128xf32, #tpu.memory_space<vmem>> -> memref<128x128xf32, #tpu.memory_space<vmem>>
        %dma_wait3A_416 = tpu.memref_slice %arg5[%mul3A_410] : memref<3856xi32, #tpu.memory_space<vmem>> -> memref<128xi32, #tpu.memory_space<vmem>>
        %dma_wait3A_417 = arith.constant 0 : i32
        %dma_wait3A_418 = arith.constant 0 : i32
        %dma_wait3A_419 = tpu.memref_slice %arg3[%dma_wait3A_417, %dma_wait3A_418] : memref<100000x128xf32, #tpu.memory_space<hbm>> -> memref<100000x128xf32, #tpu.memory_space<hbm>>
        tpu.wait_indirect_dma semaphore(%arg7 : memref<!tpu.dma_semaphore, #tpu.memory_space<semaphore_mem>>) src(%dma_wait3A_419 : memref<100000x128xf32, #tpu.memory_space<hbm>>) dst(%dma_wait3A_415 : memref<128x128xf32, #tpu.memory_space<vmem>>)
        %add3A_420 = arith.constant 1 : i32
        %add3A_421 = arith.addi %mul3A_375, %add3A_420 : i32
        %mul3A_422 = arith.constant 128 : i32
        %mul3A_423 = arith.muli %add3A_421, %mul3A_422 : i32
        %add3A_424 = arith.addi %add3A_17, %mul3A_423 : i32
        %dma_start3A_425 = arith.constant 1 : i32
        %dma_start3A_426 = arith.constant 0 : i32
        %dma_start3A_427 = arith.constant 0 : i32
        %dma_start3A_428 = tpu.memref_slice %arg6[%dma_start3A_425, %dma_start3A_426, %dma_start3A_427] : memref<4x128x128xf32, #tpu.memory_space<vmem>> -> memref<1x128x128xf32, #tpu.memory_space<vmem>>
        %dma_start3A_429 = tpu.memref_squeeze %dma_start3A_428 : memref<1x128x128xf32, #tpu.memory_space<vmem>> -> memref<128x128xf32, #tpu.memory_space<vmem>>
        %dma_start3A_430 = arith.constant 0 : i32
        %dma_start3A_431 = tpu.memref_slice %arg4[%add3A_424, %dma_start3A_430] : memref<100000x128xf32, #tpu.memory_space<hbm>> -> memref<128x128xf32, #tpu.memory_space<hbm>>
        %dma_start3A_432 = arith.constant 0 : i32
        %dma_start3A_433 = tpu.memref_slice %arg4[%add3A_424, %dma_start3A_432] : memref<100000x128xf32, #tpu.memory_space<hbm>> -> memref<128x128xf32, #tpu.memory_space<hbm>>
        %dma_start3A_434 = arith.constant 0 : i32
        %dma_start3A_435 = arith.constant 0 : i32
        %dma_start3A_436 = tpu.memref_slice %arg6[%dma_start3A_425, %dma_start3A_434, %dma_start3A_435] : memref<4x128x128xf32, #tpu.memory_space<vmem>> -> memref<1x128x128xf32, #tpu.memory_space<vmem>>
        %dma_start3A_437 = tpu.memref_squeeze %dma_start3A_436 : memref<1x128x128xf32, #tpu.memory_space<vmem>> -> memref<128x128xf32, #tpu.memory_space<vmem>>
        tpu.enqueue_dma source(%dma_start3A_437 : memref<128x128xf32, #tpu.memory_space<vmem>>) target(%dma_start3A_433 : memref<128x128xf32, #tpu.memory_space<hbm>>) target_semaphore(%arg8 : memref<!tpu.dma_semaphore, #tpu.memory_space<semaphore_mem>>)
        %add3A_438 = arith.constant 2 : i32
        %add3A_439 = arith.addi %mul3A_375, %add3A_438 : i32
        %mul3A_440 = arith.constant 128 : i32
        %mul3A_441 = arith.muli %add3A_439, %mul3A_440 : i32
        %dma_wait3A_442 = arith.constant 2 : i32
        %dma_wait3A_443 = arith.constant 0 : i32
        %dma_wait3A_444 = arith.constant 0 : i32
        %dma_wait3A_445 = tpu.memref_slice %arg6[%dma_wait3A_442, %dma_wait3A_443, %dma_wait3A_444] : memref<4x128x128xf32, #tpu.memory_space<vmem>> -> memref<1x128x128xf32, #tpu.memory_space<vmem>>
        %dma_wait3A_446 = tpu.memref_squeeze %dma_wait3A_445 : memref<1x128x128xf32, #tpu.memory_space<vmem>> -> memref<128x128xf32, #tpu.memory_space<vmem>>
        %dma_wait3A_447 = tpu.memref_slice %arg5[%mul3A_441] : memref<3856xi32, #tpu.memory_space<vmem>> -> memref<128xi32, #tpu.memory_space<vmem>>
        %dma_wait3A_448 = arith.constant 0 : i32
        %dma_wait3A_449 = arith.constant 0 : i32
        %dma_wait3A_450 = tpu.memref_slice %arg3[%dma_wait3A_448, %dma_wait3A_449] : memref<100000x128xf32, #tpu.memory_space<hbm>> -> memref<100000x128xf32, #tpu.memory_space<hbm>>
        tpu.wait_indirect_dma semaphore(%arg7 : memref<!tpu.dma_semaphore, #tpu.memory_space<semaphore_mem>>) src(%dma_wait3A_450 : memref<100000x128xf32, #tpu.memory_space<hbm>>) dst(%dma_wait3A_446 : memref<128x128xf32, #tpu.memory_space<vmem>>)
        %add3A_451 = arith.constant 2 : i32
        %add3A_452 = arith.addi %mul3A_375, %add3A_451 : i32
        %mul3A_453 = arith.constant 128 : i32
        %mul3A_454 = arith.muli %add3A_452, %mul3A_453 : i32
        %add3A_455 = arith.addi %add3A_17, %mul3A_454 : i32
        %dma_start3A_456 = arith.constant 2 : i32
        %dma_start3A_457 = arith.constant 0 : i32
        %dma_start3A_458 = arith.constant 0 : i32
        %dma_start3A_459 = tpu.memref_slice %arg6[%dma_start3A_456, %dma_start3A_457, %dma_start3A_458] : memref<4x128x128xf32, #tpu.memory_space<vmem>> -> memref<1x128x128xf32, #tpu.memory_space<vmem>>
        %dma_start3A_460 = tpu.memref_squeeze %dma_start3A_459 : memref<1x128x128xf32, #tpu.memory_space<vmem>> -> memref<128x128xf32, #tpu.memory_space<vmem>>
        %dma_start3A_461 = arith.constant 0 : i32
        %dma_start3A_462 = tpu.memref_slice %arg4[%add3A_455, %dma_start3A_461] : memref<100000x128xf32, #tpu.memory_space<hbm>> -> memref<128x128xf32, #tpu.memory_space<hbm>>
        %dma_start3A_463 = arith.constant 0 : i32
        %dma_start3A_464 = tpu.memref_slice %arg4[%add3A_455, %dma_start3A_463] : memref<100000x128xf32, #tpu.memory_space<hbm>> -> memref<128x128xf32, #tpu.memory_space<hbm>>
        %dma_start3A_465 = arith.constant 0 : i32
        %dma_start3A_466 = arith.constant 0 : i32
        %dma_start3A_467 = tpu.memref_slice %arg6[%dma_start3A_456, %dma_start3A_465, %dma_start3A_466] : memref<4x128x128xf32, #tpu.memory_space<vmem>> -> memref<1x128x128xf32, #tpu.memory_space<vmem>>
        %dma_start3A_468 = tpu.memref_squeeze %dma_start3A_467 : memref<1x128x128xf32, #tpu.memory_space<vmem>> -> memref<128x128xf32, #tpu.memory_space<vmem>>
        tpu.enqueue_dma source(%dma_start3A_468 : memref<128x128xf32, #tpu.memory_space<vmem>>) target(%dma_start3A_464 : memref<128x128xf32, #tpu.memory_space<hbm>>) target_semaphore(%arg8 : memref<!tpu.dma_semaphore, #tpu.memory_space<semaphore_mem>>)
        %add3A_469 = arith.constant 3 : i32
        %add3A_470 = arith.addi %mul3A_375, %add3A_469 : i32
        %mul3A_471 = arith.constant 128 : i32
        %mul3A_472 = arith.muli %add3A_470, %mul3A_471 : i32
        %dma_wait3A_473 = arith.constant 3 : i32
        %dma_wait3A_474 = arith.constant 0 : i32
        %dma_wait3A_475 = arith.constant 0 : i32
        %dma_wait3A_476 = tpu.memref_slice %arg6[%dma_wait3A_473, %dma_wait3A_474, %dma_wait3A_475] : memref<4x128x128xf32, #tpu.memory_space<vmem>> -> memref<1x128x128xf32, #tpu.memory_space<vmem>>
        %dma_wait3A_477 = tpu.memref_squeeze %dma_wait3A_476 : memref<1x128x128xf32, #tpu.memory_space<vmem>> -> memref<128x128xf32, #tpu.memory_space<vmem>>
        %dma_wait3A_478 = tpu.memref_slice %arg5[%mul3A_472] : memref<3856xi32, #tpu.memory_space<vmem>> -> memref<128xi32, #tpu.memory_space<vmem>>
        %dma_wait3A_479 = arith.constant 0 : i32
        %dma_wait3A_480 = arith.constant 0 : i32
        %dma_wait3A_481 = tpu.memref_slice %arg3[%dma_wait3A_479, %dma_wait3A_480] : memref<100000x128xf32, #tpu.memory_space<hbm>> -> memref<100000x128xf32, #tpu.memory_space<hbm>>
        tpu.wait_indirect_dma semaphore(%arg7 : memref<!tpu.dma_semaphore, #tpu.memory_space<semaphore_mem>>) src(%dma_wait3A_481 : memref<100000x128xf32, #tpu.memory_space<hbm>>) dst(%dma_wait3A_477 : memref<128x128xf32, #tpu.memory_space<vmem>>)
        %add3A_482 = arith.constant 3 : i32
        %add3A_483 = arith.addi %mul3A_375, %add3A_482 : i32
        %mul3A_484 = arith.constant 128 : i32
        %mul3A_485 = arith.muli %add3A_483, %mul3A_484 : i32
        %add3A_486 = arith.addi %add3A_17, %mul3A_485 : i32
        %dma_start3A_487 = arith.constant 3 : i32
        %dma_start3A_488 = arith.constant 0 : i32
        %dma_start3A_489 = arith.constant 0 : i32
        %dma_start3A_490 = tpu.memref_slice %arg6[%dma_start3A_487, %dma_start3A_488, %dma_start3A_489] : memref<4x128x128xf32, #tpu.memory_space<vmem>> -> memref<1x128x128xf32, #tpu.memory_space<vmem>>
        %dma_start3A_491 = tpu.memref_squeeze %dma_start3A_490 : memref<1x128x128xf32, #tpu.memory_space<vmem>> -> memref<128x128xf32, #tpu.memory_space<vmem>>
        %dma_start3A_492 = arith.constant 0 : i32
        %dma_start3A_493 = tpu.memref_slice %arg4[%add3A_486, %dma_start3A_492] : memref<100000x128xf32, #tpu.memory_space<hbm>> -> memref<128x128xf32, #tpu.memory_space<hbm>>
        %dma_start3A_494 = arith.constant 0 : i32
        %dma_start3A_495 = tpu.memref_slice %arg4[%add3A_486, %dma_start3A_494] : memref<100000x128xf32, #tpu.memory_space<hbm>> -> memref<128x128xf32, #tpu.memory_space<hbm>>
        %dma_start3A_496 = arith.constant 0 : i32
        %dma_start3A_497 = arith.constant 0 : i32
        %dma_start3A_498 = tpu.memref_slice %arg6[%dma_start3A_487, %dma_start3A_496, %dma_start3A_497] : memref<4x128x128xf32, #tpu.memory_space<vmem>> -> memref<1x128x128xf32, #tpu.memory_space<vmem>>
        %dma_start3A_499 = tpu.memref_squeeze %dma_start3A_498 : memref<1x128x128xf32, #tpu.memory_space<vmem>> -> memref<128x128xf32, #tpu.memory_space<vmem>>
        tpu.enqueue_dma source(%dma_start3A_499 : memref<128x128xf32, #tpu.memory_space<vmem>>) target(%dma_start3A_495 : memref<128x128xf32, #tpu.memory_space<hbm>>) target_semaphore(%arg8 : memref<!tpu.dma_semaphore, #tpu.memory_space<semaphore_mem>>)
        %add3A_500 = arith.constant 0 : i32
        %add3A_501 = arith.addi %mul3A_375, %add3A_500 : i32
        %mul3A_502 = arith.constant 128 : i32
        %mul3A_503 = arith.muli %add3A_501, %mul3A_502 : i32
        %add3A_504 = arith.addi %add3A_17, %mul3A_503 : i32
        %dma_wait3A_505 = arith.constant 0 : i32
        %dma_wait3A_506 = arith.constant 0 : i32
        %dma_wait3A_507 = arith.constant 0 : i32
        %dma_wait3A_508 = tpu.memref_slice %arg6[%dma_wait3A_505, %dma_wait3A_506, %dma_wait3A_507] : memref<4x128x128xf32, #tpu.memory_space<vmem>> -> memref<1x128x128xf32, #tpu.memory_space<vmem>>
        %dma_wait3A_509 = tpu.memref_squeeze %dma_wait3A_508 : memref<1x128x128xf32, #tpu.memory_space<vmem>> -> memref<128x128xf32, #tpu.memory_space<vmem>>
        %dma_wait3A_510 = arith.constant 0 : i32
        %dma_wait3A_511 = tpu.memref_slice %arg4[%add3A_504, %dma_wait3A_510] : memref<100000x128xf32, #tpu.memory_space<hbm>> -> memref<128x128xf32, #tpu.memory_space<hbm>>
        %dma_wait3A_512 = arith.constant 0 : i32
        %dma_wait3A_513 = tpu.memref_slice %arg4[%add3A_504, %dma_wait3A_512] : memref<100000x128xf32, #tpu.memory_space<hbm>> -> memref<128x128xf32, #tpu.memory_space<hbm>>
        %dma_wait3A_514 = arith.constant 0 : i32
        %dma_wait3A_515 = arith.constant 0 : i32
        %dma_wait3A_516 = tpu.memref_slice %arg6[%dma_wait3A_505, %dma_wait3A_514, %dma_wait3A_515] : memref<4x128x128xf32, #tpu.memory_space<vmem>> -> memref<1x128x128xf32, #tpu.memory_space<vmem>>
        %dma_wait3A_517 = tpu.memref_squeeze %dma_wait3A_516 : memref<1x128x128xf32, #tpu.memory_space<vmem>> -> memref<128x128xf32, #tpu.memory_space<vmem>>
        tpu.wait_dma2 semaphore(%arg8 : memref<!tpu.dma_semaphore, #tpu.memory_space<semaphore_mem>>) src(%dma_wait3A_517 : memref<128x128xf32, #tpu.memory_space<vmem>>) dst(%dma_wait3A_513 : memref<128x128xf32, #tpu.memory_space<hbm>>)
        %add3A_518 = arith.constant 4 : i32
        %add3A_519 = arith.addi %mul3A_375, %add3A_518 : i32
        %add3A_520 = arith.constant 0 : i32
        %add3A_521 = arith.addi %add3A_519, %add3A_520 : i32
        %mul3A_522 = arith.constant 128 : i32
        %mul3A_523 = arith.muli %add3A_521, %mul3A_522 : i32
        %dma_start3A_524 = arith.constant 0 : i32
        %dma_start3A_525 = arith.constant 0 : i32
        %dma_start3A_526 = arith.constant 0 : i32
        %dma_start3A_527 = tpu.memref_slice %arg6[%dma_start3A_524, %dma_start3A_525, %dma_start3A_526] : memref<4x128x128xf32, #tpu.memory_space<vmem>> -> memref<1x128x128xf32, #tpu.memory_space<vmem>>
        %dma_start3A_528 = tpu.memref_squeeze %dma_start3A_527 : memref<1x128x128xf32, #tpu.memory_space<vmem>> -> memref<128x128xf32, #tpu.memory_space<vmem>>
        %dma_start3A_529 = tpu.memref_slice %arg5[%mul3A_523] : memref<3856xi32, #tpu.memory_space<vmem>> -> memref<128xi32, #tpu.memory_space<vmem>>
        %dma_start3A_530 = arith.constant 0 : i32
        %dma_start3A_531 = arith.constant 0 : i32
        %dma_start3A_532 = tpu.memref_slice %arg3[%dma_start3A_530, %dma_start3A_531] : memref<100000x128xf32, #tpu.memory_space<hbm>> -> memref<100000x128xf32, #tpu.memory_space<hbm>>
        tpu.enqueue_indirect_dma source(%dma_start3A_532 : memref<100000x128xf32, #tpu.memory_space<hbm>>) target(%dma_start3A_528 : memref<128x128xf32, #tpu.memory_space<vmem>>) offsets(%dma_start3A_529 : memref<128xi32, #tpu.memory_space<vmem>>) semaphore(%arg7 : memref<!tpu.dma_semaphore, #tpu.memory_space<semaphore_mem>>)
        %add3A_533 = arith.constant 1 : i32
        %add3A_534 = arith.addi %mul3A_375, %add3A_533 : i32
        %mul3A_535 = arith.constant 128 : i32
        %mul3A_536 = arith.muli %add3A_534, %mul3A_535 : i32
        %add3A_537 = arith.addi %add3A_17, %mul3A_536 : i32
        %dma_wait3A_538 = arith.constant 1 : i32
        %dma_wait3A_539 = arith.constant 0 : i32
        %dma_wait3A_540 = arith.constant 0 : i32
        %dma_wait3A_541 = tpu.memref_slice %arg6[%dma_wait3A_538, %dma_wait3A_539, %dma_wait3A_540] : memref<4x128x128xf32, #tpu.memory_space<vmem>> -> memref<1x128x128xf32, #tpu.memory_space<vmem>>
        %dma_wait3A_542 = tpu.memref_squeeze %dma_wait3A_541 : memref<1x128x128xf32, #tpu.memory_space<vmem>> -> memref<128x128xf32, #tpu.memory_space<vmem>>
        %dma_wait3A_543 = arith.constant 0 : i32
        %dma_wait3A_544 = tpu.memref_slice %arg4[%add3A_537, %dma_wait3A_543] : memref<100000x128xf32, #tpu.memory_space<hbm>> -> memref<128x128xf32, #tpu.memory_space<hbm>>
        %dma_wait3A_545 = arith.constant 0 : i32
        %dma_wait3A_546 = tpu.memref_slice %arg4[%add3A_537, %dma_wait3A_545] : memref<100000x128xf32, #tpu.memory_space<hbm>> -> memref<128x128xf32, #tpu.memory_space<hbm>>
        %dma_wait3A_547 = arith.constant 0 : i32
        %dma_wait3A_548 = arith.constant 0 : i32
        %dma_wait3A_549 = tpu.memref_slice %arg6[%dma_wait3A_538, %dma_wait3A_547, %dma_wait3A_548] : memref<4x128x128xf32, #tpu.memory_space<vmem>> -> memref<1x128x128xf32, #tpu.memory_space<vmem>>
        %dma_wait3A_550 = tpu.memref_squeeze %dma_wait3A_549 : memref<1x128x128xf32, #tpu.memory_space<vmem>> -> memref<128x128xf32, #tpu.memory_space<vmem>>
        tpu.wait_dma2 semaphore(%arg8 : memref<!tpu.dma_semaphore, #tpu.memory_space<semaphore_mem>>) src(%dma_wait3A_550 : memref<128x128xf32, #tpu.memory_space<vmem>>) dst(%dma_wait3A_546 : memref<128x128xf32, #tpu.memory_space<hbm>>)
        %add3A_551 = arith.constant 4 : i32
        %add3A_552 = arith.addi %mul3A_375, %add3A_551 : i32
        %add3A_553 = arith.constant 1 : i32
        %add3A_554 = arith.addi %add3A_552, %add3A_553 : i32
        %mul3A_555 = arith.constant 128 : i32
        %mul3A_556 = arith.muli %add3A_554, %mul3A_555 : i32
        %dma_start3A_557 = arith.constant 1 : i32
        %dma_start3A_558 = arith.constant 0 : i32
        %dma_start3A_559 = arith.constant 0 : i32
        %dma_start3A_560 = tpu.memref_slice %arg6[%dma_start3A_557, %dma_start3A_558, %dma_start3A_559] : memref<4x128x128xf32, #tpu.memory_space<vmem>> -> memref<1x128x128xf32, #tpu.memory_space<vmem>>
        %dma_start3A_561 = tpu.memref_squeeze %dma_start3A_560 : memref<1x128x128xf32, #tpu.memory_space<vmem>> -> memref<128x128xf32, #tpu.memory_space<vmem>>
        %dma_start3A_562 = tpu.memref_slice %arg5[%mul3A_556] : memref<3856xi32, #tpu.memory_space<vmem>> -> memref<128xi32, #tpu.memory_space<vmem>>
        %dma_start3A_563 = arith.constant 0 : i32
        %dma_start3A_564 = arith.constant 0 : i32
        %dma_start3A_565 = tpu.memref_slice %arg3[%dma_start3A_563, %dma_start3A_564] : memref<100000x128xf32, #tpu.memory_space<hbm>> -> memref<100000x128xf32, #tpu.memory_space<hbm>>
        tpu.enqueue_indirect_dma source(%dma_start3A_565 : memref<100000x128xf32, #tpu.memory_space<hbm>>) target(%dma_start3A_561 : memref<128x128xf32, #tpu.memory_space<vmem>>) offsets(%dma_start3A_562 : memref<128xi32, #tpu.memory_space<vmem>>) semaphore(%arg7 : memref<!tpu.dma_semaphore, #tpu.memory_space<semaphore_mem>>)
        %add3A_566 = arith.constant 2 : i32
        %add3A_567 = arith.addi %mul3A_375, %add3A_566 : i32
        %mul3A_568 = arith.constant 128 : i32
        %mul3A_569 = arith.muli %add3A_567, %mul3A_568 : i32
        %add3A_570 = arith.addi %add3A_17, %mul3A_569 : i32
        %dma_wait3A_571 = arith.constant 2 : i32
        %dma_wait3A_572 = arith.constant 0 : i32
        %dma_wait3A_573 = arith.constant 0 : i32
        %dma_wait3A_574 = tpu.memref_slice %arg6[%dma_wait3A_571, %dma_wait3A_572, %dma_wait3A_573] : memref<4x128x128xf32, #tpu.memory_space<vmem>> -> memref<1x128x128xf32, #tpu.memory_space<vmem>>
        %dma_wait3A_575 = tpu.memref_squeeze %dma_wait3A_574 : memref<1x128x128xf32, #tpu.memory_space<vmem>> -> memref<128x128xf32, #tpu.memory_space<vmem>>
        %dma_wait3A_576 = arith.constant 0 : i32
        %dma_wait3A_577 = tpu.memref_slice %arg4[%add3A_570, %dma_wait3A_576] : memref<100000x128xf32, #tpu.memory_space<hbm>> -> memref<128x128xf32, #tpu.memory_space<hbm>>
        %dma_wait3A_578 = arith.constant 0 : i32
        %dma_wait3A_579 = tpu.memref_slice %arg4[%add3A_570, %dma_wait3A_578] : memref<100000x128xf32, #tpu.memory_space<hbm>> -> memref<128x128xf32, #tpu.memory_space<hbm>>
        %dma_wait3A_580 = arith.constant 0 : i32
        %dma_wait3A_581 = arith.constant 0 : i32
        %dma_wait3A_582 = tpu.memref_slice %arg6[%dma_wait3A_571, %dma_wait3A_580, %dma_wait3A_581] : memref<4x128x128xf32, #tpu.memory_space<vmem>> -> memref<1x128x128xf32, #tpu.memory_space<vmem>>
        %dma_wait3A_583 = tpu.memref_squeeze %dma_wait3A_582 : memref<1x128x128xf32, #tpu.memory_space<vmem>> -> memref<128x128xf32, #tpu.memory_space<vmem>>
        tpu.wait_dma2 semaphore(%arg8 : memref<!tpu.dma_semaphore, #tpu.memory_space<semaphore_mem>>) src(%dma_wait3A_583 : memref<128x128xf32, #tpu.memory_space<vmem>>) dst(%dma_wait3A_579 : memref<128x128xf32, #tpu.memory_space<hbm>>)
        %add3A_584 = arith.constant 4 : i32
        %add3A_585 = arith.addi %mul3A_375, %add3A_584 : i32
        %add3A_586 = arith.constant 2 : i32
        %add3A_587 = arith.addi %add3A_585, %add3A_586 : i32
        %mul3A_588 = arith.constant 128 : i32
        %mul3A_589 = arith.muli %add3A_587, %mul3A_588 : i32
        %dma_start3A_590 = arith.constant 2 : i32
        %dma_start3A_591 = arith.constant 0 : i32
        %dma_start3A_592 = arith.constant 0 : i32
        %dma_start3A_593 = tpu.memref_slice %arg6[%dma_start3A_590, %dma_start3A_591, %dma_start3A_592] : memref<4x128x128xf32, #tpu.memory_space<vmem>> -> memref<1x128x128xf32, #tpu.memory_space<vmem>>
        %dma_start3A_594 = tpu.memref_squeeze %dma_start3A_593 : memref<1x128x128xf32, #tpu.memory_space<vmem>> -> memref<128x128xf32, #tpu.memory_space<vmem>>
        %dma_start3A_595 = tpu.memref_slice %arg5[%mul3A_589] : memref<3856xi32, #tpu.memory_space<vmem>> -> memref<128xi32, #tpu.memory_space<vmem>>
        %dma_start3A_596 = arith.constant 0 : i32
        %dma_start3A_597 = arith.constant 0 : i32
        %dma_start3A_598 = tpu.memref_slice %arg3[%dma_start3A_596, %dma_start3A_597] : memref<100000x128xf32, #tpu.memory_space<hbm>> -> memref<100000x128xf32, #tpu.memory_space<hbm>>
        tpu.enqueue_indirect_dma source(%dma_start3A_598 : memref<100000x128xf32, #tpu.memory_space<hbm>>) target(%dma_start3A_594 : memref<128x128xf32, #tpu.memory_space<vmem>>) offsets(%dma_start3A_595 : memref<128xi32, #tpu.memory_space<vmem>>) semaphore(%arg7 : memref<!tpu.dma_semaphore, #tpu.memory_space<semaphore_mem>>)
        %add3A_599 = arith.constant 3 : i32
        %add3A_600 = arith.addi %mul3A_375, %add3A_599 : i32
        %mul3A_601 = arith.constant 128 : i32
        %mul3A_602 = arith.muli %add3A_600, %mul3A_601 : i32
        %add3A_603 = arith.addi %add3A_17, %mul3A_602 : i32
        %dma_wait3A_604 = arith.constant 3 : i32
        %dma_wait3A_605 = arith.constant 0 : i32
        %dma_wait3A_606 = arith.constant 0 : i32
        %dma_wait3A_607 = tpu.memref_slice %arg6[%dma_wait3A_604, %dma_wait3A_605, %dma_wait3A_606] : memref<4x128x128xf32, #tpu.memory_space<vmem>> -> memref<1x128x128xf32, #tpu.memory_space<vmem>>
        %dma_wait3A_608 = tpu.memref_squeeze %dma_wait3A_607 : memref<1x128x128xf32, #tpu.memory_space<vmem>> -> memref<128x128xf32, #tpu.memory_space<vmem>>
        %dma_wait3A_609 = arith.constant 0 : i32
        %dma_wait3A_610 = tpu.memref_slice %arg4[%add3A_603, %dma_wait3A_609] : memref<100000x128xf32, #tpu.memory_space<hbm>> -> memref<128x128xf32, #tpu.memory_space<hbm>>
        %dma_wait3A_611 = arith.constant 0 : i32
        %dma_wait3A_612 = tpu.memref_slice %arg4[%add3A_603, %dma_wait3A_611] : memref<100000x128xf32, #tpu.memory_space<hbm>> -> memref<128x128xf32, #tpu.memory_space<hbm>>
        %dma_wait3A_613 = arith.constant 0 : i32
        %dma_wait3A_614 = arith.constant 0 : i32
        %dma_wait3A_615 = tpu.memref_slice %arg6[%dma_wait3A_604, %dma_wait3A_613, %dma_wait3A_614] : memref<4x128x128xf32, #tpu.memory_space<vmem>> -> memref<1x128x128xf32, #tpu.memory_space<vmem>>
        %dma_wait3A_616 = tpu.memref_squeeze %dma_wait3A_615 : memref<1x128x128xf32, #tpu.memory_space<vmem>> -> memref<128x128xf32, #tpu.memory_space<vmem>>
        tpu.wait_dma2 semaphore(%arg8 : memref<!tpu.dma_semaphore, #tpu.memory_space<semaphore_mem>>) src(%dma_wait3A_616 : memref<128x128xf32, #tpu.memory_space<vmem>>) dst(%dma_wait3A_612 : memref<128x128xf32, #tpu.memory_space<hbm>>)
        %add3A_617 = arith.constant 4 : i32
        %add3A_618 = arith.addi %mul3A_375, %add3A_617 : i32
        %add3A_619 = arith.constant 3 : i32
        %add3A_620 = arith.addi %add3A_618, %add3A_619 : i32
        %mul3A_621 = arith.constant 128 : i32
        %mul3A_622 = arith.muli %add3A_620, %mul3A_621 : i32
        %dma_start3A_623 = arith.constant 3 : i32
        %dma_start3A_624 = arith.constant 0 : i32
        %dma_start3A_625 = arith.constant 0 : i32
        %dma_start3A_626 = tpu.memref_slice %arg6[%dma_start3A_623, %dma_start3A_624, %dma_start3A_625] : memref<4x128x128xf32, #tpu.memory_space<vmem>> -> memref<1x128x128xf32, #tpu.memory_space<vmem>>
        %dma_start3A_627 = tpu.memref_squeeze %dma_start3A_626 : memref<1x128x128xf32, #tpu.memory_space<vmem>> -> memref<128x128xf32, #tpu.memory_space<vmem>>
        %dma_start3A_628 = tpu.memref_slice %arg5[%mul3A_622] : memref<3856xi32, #tpu.memory_space<vmem>> -> memref<128xi32, #tpu.memory_space<vmem>>
        %dma_start3A_629 = arith.constant 0 : i32
        %dma_start3A_630 = arith.constant 0 : i32
        %dma_start3A_631 = tpu.memref_slice %arg3[%dma_start3A_629, %dma_start3A_630] : memref<100000x128xf32, #tpu.memory_space<hbm>> -> memref<100000x128xf32, #tpu.memory_space<hbm>>
        tpu.enqueue_indirect_dma source(%dma_start3A_631 : memref<100000x128xf32, #tpu.memory_space<hbm>>) target(%dma_start3A_627 : memref<128x128xf32, #tpu.memory_space<vmem>>) offsets(%dma_start3A_628 : memref<128xi32, #tpu.memory_space<vmem>>) semaphore(%arg7 : memref<!tpu.dma_semaphore, #tpu.memory_space<semaphore_mem>>)
        %scan3A_632 = arith.constant 0 : i32
        scf.yield %scan3A_632 : i32
      }
      %scan3A_62 = arith.constant 3 : i32
      %dma_wait3A = arith.constant 0 : i32
      %dma_wait3A_63 = arith.constant 0 : i32
      %dma_wait3A_64 = arith.constant 0 : i32
      %dma_wait3A_65 = tpu.memref_slice %arg6[%dma_wait3A, %dma_wait3A_63, %dma_wait3A_64] : memref<4x128x128xf32, #tpu.memory_space<vmem>> -> memref<1x128x128xf32, #tpu.memory_space<vmem>>
      %dma_wait3A_66 = tpu.memref_squeeze %dma_wait3A_65 : memref<1x128x128xf32, #tpu.memory_space<vmem>> -> memref<128x128xf32, #tpu.memory_space<vmem>>
      %dma_wait3A_67 = arith.constant 1536 : i32
      %dma_wait3A_68 = tpu.memref_slice %arg5[%dma_wait3A_67] : memref<3856xi32, #tpu.memory_space<vmem>> -> memref<128xi32, #tpu.memory_space<vmem>>
      %dma_wait3A_69 = arith.constant 0 : i32
      %dma_wait3A_70 = arith.constant 0 : i32
      %dma_wait3A_71 = tpu.memref_slice %arg3[%dma_wait3A_69, %dma_wait3A_70] : memref<100000x128xf32, #tpu.memory_space<hbm>> -> memref<100000x128xf32, #tpu.memory_space<hbm>>
      tpu.wait_indirect_dma semaphore(%arg7 : memref<!tpu.dma_semaphore, #tpu.memory_space<semaphore_mem>>) src(%dma_wait3A_71 : memref<100000x128xf32, #tpu.memory_space<hbm>>) dst(%dma_wait3A_66 : memref<128x128xf32, #tpu.memory_space<vmem>>)
      %add3A_72 = arith.constant 1536 : i32
      %add3A_73 = arith.addi %add3A_17, %add3A_72 : i32
      %dma_start3A_74 = arith.constant 0 : i32
      %dma_start3A_75 = arith.constant 0 : i32
      %dma_start3A_76 = arith.constant 0 : i32
      %dma_start3A_77 = tpu.memref_slice %arg6[%dma_start3A_74, %dma_start3A_75, %dma_start3A_76] : memref<4x128x128xf32, #tpu.memory_space<vmem>> -> memref<1x128x128xf32, #tpu.memory_space<vmem>>
      %dma_start3A_78 = tpu.memref_squeeze %dma_start3A_77 : memref<1x128x128xf32, #tpu.memory_space<vmem>> -> memref<128x128xf32, #tpu.memory_space<vmem>>
      %dma_start3A_79 = arith.constant 0 : i32
      %dma_start3A_80 = tpu.memref_slice %arg4[%add3A_73, %dma_start3A_79] : memref<100000x128xf32, #tpu.memory_space<hbm>> -> memref<128x128xf32, #tpu.memory_space<hbm>>
      %dma_start3A_81 = arith.constant 0 : i32
      %dma_start3A_82 = tpu.memref_slice %arg4[%add3A_73, %dma_start3A_81] : memref<100000x128xf32, #tpu.memory_space<hbm>> -> memref<128x128xf32, #tpu.memory_space<hbm>>
      %dma_start3A_83 = arith.constant 0 : i32
      %dma_start3A_84 = arith.constant 0 : i32
      %dma_start3A_85 = tpu.memref_slice %arg6[%dma_start3A_74, %dma_start3A_83, %dma_start3A_84] : memref<4x128x128xf32, #tpu.memory_space<vmem>> -> memref<1x128x128xf32, #tpu.memory_space<vmem>>
      %dma_start3A_86 = tpu.memref_squeeze %dma_start3A_85 : memref<1x128x128xf32, #tpu.memory_space<vmem>> -> memref<128x128xf32, #tpu.memory_space<vmem>>
      tpu.enqueue_dma source(%dma_start3A_86 : memref<128x128xf32, #tpu.memory_space<vmem>>) target(%dma_start3A_82 : memref<128x128xf32, #tpu.memory_space<hbm>>) target_semaphore(%arg8 : memref<!tpu.dma_semaphore, #tpu.memory_space<semaphore_mem>>)
      %dma_wait3A_87 = arith.constant 1 : i32
      %dma_wait3A_88 = arith.constant 0 : i32
      %dma_wait3A_89 = arith.constant 0 : i32
      %dma_wait3A_90 = tpu.memref_slice %arg6[%dma_wait3A_87, %dma_wait3A_88, %dma_wait3A_89] : memref<4x128x128xf32, #tpu.memory_space<vmem>> -> memref<1x128x128xf32, #tpu.memory_space<vmem>>
      %dma_wait3A_91 = tpu.memref_squeeze %dma_wait3A_90 : memref<1x128x128xf32, #tpu.memory_space<vmem>> -> memref<128x128xf32, #tpu.memory_space<vmem>>
      %dma_wait3A_92 = arith.constant 1664 : i32
      %dma_wait3A_93 = tpu.memref_slice %arg5[%dma_wait3A_92] : memref<3856xi32, #tpu.memory_space<vmem>> -> memref<128xi32, #tpu.memory_space<vmem>>
      %dma_wait3A_94 = arith.constant 0 : i32
      %dma_wait3A_95 = arith.constant 0 : i32
      %dma_wait3A_96 = tpu.memref_slice %arg3[%dma_wait3A_94, %dma_wait3A_95] : memref<100000x128xf32, #tpu.memory_space<hbm>> -> memref<100000x128xf32, #tpu.memory_space<hbm>>
      tpu.wait_indirect_dma semaphore(%arg7 : memref<!tpu.dma_semaphore, #tpu.memory_space<semaphore_mem>>) src(%dma_wait3A_96 : memref<100000x128xf32, #tpu.memory_space<hbm>>) dst(%dma_wait3A_91 : memref<128x128xf32, #tpu.memory_space<vmem>>)
      %add3A_97 = arith.constant 1664 : i32
      %add3A_98 = arith.addi %add3A_17, %add3A_97 : i32
      %dma_start3A_99 = arith.constant 1 : i32
      %dma_start3A_100 = arith.constant 0 : i32
      %dma_start3A_101 = arith.constant 0 : i32
      %dma_start3A_102 = tpu.memref_slice %arg6[%dma_start3A_99, %dma_start3A_100, %dma_start3A_101] : memref<4x128x128xf32, #tpu.memory_space<vmem>> -> memref<1x128x128xf32, #tpu.memory_space<vmem>>
      %dma_start3A_103 = tpu.memref_squeeze %dma_start3A_102 : memref<1x128x128xf32, #tpu.memory_space<vmem>> -> memref<128x128xf32, #tpu.memory_space<vmem>>
      %dma_start3A_104 = arith.constant 0 : i32
      %dma_start3A_105 = tpu.memref_slice %arg4[%add3A_98, %dma_start3A_104] : memref<100000x128xf32, #tpu.memory_space<hbm>> -> memref<128x128xf32, #tpu.memory_space<hbm>>
      %dma_start3A_106 = arith.constant 0 : i32
      %dma_start3A_107 = tpu.memref_slice %arg4[%add3A_98, %dma_start3A_106] : memref<100000x128xf32, #tpu.memory_space<hbm>> -> memref<128x128xf32, #tpu.memory_space<hbm>>
      %dma_start3A_108 = arith.constant 0 : i32
      %dma_start3A_109 = arith.constant 0 : i32
      %dma_start3A_110 = tpu.memref_slice %arg6[%dma_start3A_99, %dma_start3A_108, %dma_start3A_109] : memref<4x128x128xf32, #tpu.memory_space<vmem>> -> memref<1x128x128xf32, #tpu.memory_space<vmem>>
      %dma_start3A_111 = tpu.memref_squeeze %dma_start3A_110 : memref<1x128x128xf32, #tpu.memory_space<vmem>> -> memref<128x128xf32, #tpu.memory_space<vmem>>
      tpu.enqueue_dma source(%dma_start3A_111 : memref<128x128xf32, #tpu.memory_space<vmem>>) target(%dma_start3A_107 : memref<128x128xf32, #tpu.memory_space<hbm>>) target_semaphore(%arg8 : memref<!tpu.dma_semaphore, #tpu.memory_space<semaphore_mem>>)
      %dma_wait3A_112 = arith.constant 2 : i32
      %dma_wait3A_113 = arith.constant 0 : i32
      %dma_wait3A_114 = arith.constant 0 : i32
      %dma_wait3A_115 = tpu.memref_slice %arg6[%dma_wait3A_112, %dma_wait3A_113, %dma_wait3A_114] : memref<4x128x128xf32, #tpu.memory_space<vmem>> -> memref<1x128x128xf32, #tpu.memory_space<vmem>>
      %dma_wait3A_116 = tpu.memref_squeeze %dma_wait3A_115 : memref<1x128x128xf32, #tpu.memory_space<vmem>> -> memref<128x128xf32, #tpu.memory_space<vmem>>
      %dma_wait3A_117 = arith.constant 1792 : i32
      %dma_wait3A_118 = tpu.memref_slice %arg5[%dma_wait3A_117] : memref<3856xi32, #tpu.memory_space<vmem>> -> memref<128xi32, #tpu.memory_space<vmem>>
      %dma_wait3A_119 = arith.constant 0 : i32
      %dma_wait3A_120 = arith.constant 0 : i32
      %dma_wait3A_121 = tpu.memref_slice %arg3[%dma_wait3A_119, %dma_wait3A_120] : memref<100000x128xf32, #tpu.memory_space<hbm>> -> memref<100000x128xf32, #tpu.memory_space<hbm>>
      tpu.wait_indirect_dma semaphore(%arg7 : memref<!tpu.dma_semaphore, #tpu.memory_space<semaphore_mem>>) src(%dma_wait3A_121 : memref<100000x128xf32, #tpu.memory_space<hbm>>) dst(%dma_wait3A_116 : memref<128x128xf32, #tpu.memory_space<vmem>>)
      %add3A_122 = arith.constant 1792 : i32
      %add3A_123 = arith.addi %add3A_17, %add3A_122 : i32
      %dma_start3A_124 = arith.constant 2 : i32
      %dma_start3A_125 = arith.constant 0 : i32
      %dma_start3A_126 = arith.constant 0 : i32
      %dma_start3A_127 = tpu.memref_slice %arg6[%dma_start3A_124, %dma_start3A_125, %dma_start3A_126] : memref<4x128x128xf32, #tpu.memory_space<vmem>> -> memref<1x128x128xf32, #tpu.memory_space<vmem>>
      %dma_start3A_128 = tpu.memref_squeeze %dma_start3A_127 : memref<1x128x128xf32, #tpu.memory_space<vmem>> -> memref<128x128xf32, #tpu.memory_space<vmem>>
      %dma_start3A_129 = arith.constant 0 : i32
      %dma_start3A_130 = tpu.memref_slice %arg4[%add3A_123, %dma_start3A_129] : memref<100000x128xf32, #tpu.memory_space<hbm>> -> memref<128x128xf32, #tpu.memory_space<hbm>>
      %dma_start3A_131 = arith.constant 0 : i32
      %dma_start3A_132 = tpu.memref_slice %arg4[%add3A_123, %dma_start3A_131] : memref<100000x128xf32, #tpu.memory_space<hbm>> -> memref<128x128xf32, #tpu.memory_space<hbm>>
      %dma_start3A_133 = arith.constant 0 : i32
      %dma_start3A_134 = arith.constant 0 : i32
      %dma_start3A_135 = tpu.memref_slice %arg6[%dma_start3A_124, %dma_start3A_133, %dma_start3A_134] : memref<4x128x128xf32, #tpu.memory_space<vmem>> -> memref<1x128x128xf32, #tpu.memory_space<vmem>>
      %dma_start3A_136 = tpu.memref_squeeze %dma_start3A_135 : memref<1x128x128xf32, #tpu.memory_space<vmem>> -> memref<128x128xf32, #tpu.memory_space<vmem>>
      tpu.enqueue_dma source(%dma_start3A_136 : memref<128x128xf32, #tpu.memory_space<vmem>>) target(%dma_start3A_132 : memref<128x128xf32, #tpu.memory_space<hbm>>) target_semaphore(%arg8 : memref<!tpu.dma_semaphore, #tpu.memory_space<semaphore_mem>>)
      %dma_wait3A_137 = arith.constant 3 : i32
      %dma_wait3A_138 = arith.constant 0 : i32
      %dma_wait3A_139 = arith.constant 0 : i32
      %dma_wait3A_140 = tpu.memref_slice %arg6[%dma_wait3A_137, %dma_wait3A_138, %dma_wait3A_139] : memref<4x128x128xf32, #tpu.memory_space<vmem>> -> memref<1x128x128xf32, #tpu.memory_space<vmem>>
      %dma_wait3A_141 = tpu.memref_squeeze %dma_wait3A_140 : memref<1x128x128xf32, #tpu.memory_space<vmem>> -> memref<128x128xf32, #tpu.memory_space<vmem>>
      %dma_wait3A_142 = arith.constant 1920 : i32
      %dma_wait3A_143 = tpu.memref_slice %arg5[%dma_wait3A_142] : memref<3856xi32, #tpu.memory_space<vmem>> -> memref<128xi32, #tpu.memory_space<vmem>>
      %dma_wait3A_144 = arith.constant 0 : i32
      %dma_wait3A_145 = arith.constant 0 : i32
      %dma_wait3A_146 = tpu.memref_slice %arg3[%dma_wait3A_144, %dma_wait3A_145] : memref<100000x128xf32, #tpu.memory_space<hbm>> -> memref<100000x128xf32, #tpu.memory_space<hbm>>
      tpu.wait_indirect_dma semaphore(%arg7 : memref<!tpu.dma_semaphore, #tpu.memory_space<semaphore_mem>>) src(%dma_wait3A_146 : memref<100000x128xf32, #tpu.memory_space<hbm>>) dst(%dma_wait3A_141 : memref<128x128xf32, #tpu.memory_space<vmem>>)
      %add3A_147 = arith.constant 1920 : i32
      %add3A_148 = arith.addi %add3A_17, %add3A_147 : i32
      %dma_start3A_149 = arith.constant 3 : i32
      %dma_start3A_150 = arith.constant 0 : i32
      %dma_start3A_151 = arith.constant 0 : i32
      %dma_start3A_152 = tpu.memref_slice %arg6[%dma_start3A_149, %dma_start3A_150, %dma_start3A_151] : memref<4x128x128xf32, #tpu.memory_space<vmem>> -> memref<1x128x128xf32, #tpu.memory_space<vmem>>
      %dma_start3A_153 = tpu.memref_squeeze %dma_start3A_152 : memref<1x128x128xf32, #tpu.memory_space<vmem>> -> memref<128x128xf32, #tpu.memory_space<vmem>>
      %dma_start3A_154 = arith.constant 0 : i32
      %dma_start3A_155 = tpu.memref_slice %arg4[%add3A_148, %dma_start3A_154] : memref<100000x128xf32, #tpu.memory_space<hbm>> -> memref<128x128xf32, #tpu.memory_space<hbm>>
      %dma_start3A_156 = arith.constant 0 : i32
      %dma_start3A_157 = tpu.memref_slice %arg4[%add3A_148, %dma_start3A_156] : memref<100000x128xf32, #tpu.memory_space<hbm>> -> memref<128x128xf32, #tpu.memory_space<hbm>>
      %dma_start3A_158 = arith.constant 0 : i32
      %dma_start3A_159 = arith.constant 0 : i32
      %dma_start3A_160 = tpu.memref_slice %arg6[%dma_start3A_149, %dma_start3A_158, %dma_start3A_159] : memref<4x128x128xf32, #tpu.memory_space<vmem>> -> memref<1x128x128xf32, #tpu.memory_space<vmem>>
      %dma_start3A_161 = tpu.memref_squeeze %dma_start3A_160 : memref<1x128x128xf32, #tpu.memory_space<vmem>> -> memref<128x128xf32, #tpu.memory_space<vmem>>
      tpu.enqueue_dma source(%dma_start3A_161 : memref<128x128xf32, #tpu.memory_space<vmem>>) target(%dma_start3A_157 : memref<128x128xf32, #tpu.memory_space<hbm>>) target_semaphore(%arg8 : memref<!tpu.dma_semaphore, #tpu.memory_space<semaphore_mem>>)
      %add3A_162 = arith.constant 1536 : i32
      %add3A_163 = arith.addi %add3A_17, %add3A_162 : i32
      %dma_wait3A_164 = arith.constant 0 : i32
      %dma_wait3A_165 = arith.constant 0 : i32
      %dma_wait3A_166 = arith.constant 0 : i32
      %dma_wait3A_167 = tpu.memref_slice %arg6[%dma_wait3A_164, %dma_wait3A_165, %dma_wait3A_166] : memref<4x128x128xf32, #tpu.memory_space<vmem>> -> memref<1x128x128xf32, #tpu.memory_space<vmem>>
      %dma_wait3A_168 = tpu.memref_squeeze %dma_wait3A_167 : memref<1x128x128xf32, #tpu.memory_space<vmem>> -> memref<128x128xf32, #tpu.memory_space<vmem>>
      %dma_wait3A_169 = arith.constant 0 : i32
      %dma_wait3A_170 = tpu.memref_slice %arg4[%add3A_163, %dma_wait3A_169] : memref<100000x128xf32, #tpu.memory_space<hbm>> -> memref<128x128xf32, #tpu.memory_space<hbm>>
      %dma_wait3A_171 = arith.constant 0 : i32
      %dma_wait3A_172 = tpu.memref_slice %arg4[%add3A_163, %dma_wait3A_171] : memref<100000x128xf32, #tpu.memory_space<hbm>> -> memref<128x128xf32, #tpu.memory_space<hbm>>
      %dma_wait3A_173 = arith.constant 0 : i32
      %dma_wait3A_174 = arith.constant 0 : i32
      %dma_wait3A_175 = tpu.memref_slice %arg6[%dma_wait3A_164, %dma_wait3A_173, %dma_wait3A_174] : memref<4x128x128xf32, #tpu.memory_space<vmem>> -> memref<1x128x128xf32, #tpu.memory_space<vmem>>
      %dma_wait3A_176 = tpu.memref_squeeze %dma_wait3A_175 : memref<1x128x128xf32, #tpu.memory_space<vmem>> -> memref<128x128xf32, #tpu.memory_space<vmem>>
      tpu.wait_dma2 semaphore(%arg8 : memref<!tpu.dma_semaphore, #tpu.memory_space<semaphore_mem>>) src(%dma_wait3A_176 : memref<128x128xf32, #tpu.memory_space<vmem>>) dst(%dma_wait3A_172 : memref<128x128xf32, #tpu.memory_space<hbm>>)
      %dma_start3A_177 = arith.constant 0 : i32
      %dma_start3A_178 = arith.constant 0 : i32
      %dma_start3A_179 = arith.constant 0 : i32
      %dma_start3A_180 = tpu.memref_slice %arg6[%dma_start3A_177, %dma_start3A_178, %dma_start3A_179] : memref<4x128x128xf32, #tpu.memory_space<vmem>> -> memref<1x128x128xf32, #tpu.memory_space<vmem>>
      %dma_start3A_181 = tpu.memref_squeeze %dma_start3A_180 : memref<1x128x128xf32, #tpu.memory_space<vmem>> -> memref<128x128xf32, #tpu.memory_space<vmem>>
      %dma_start3A_182 = arith.constant 2048 : i32
      %dma_start3A_183 = tpu.memref_slice %arg5[%dma_start3A_182] : memref<3856xi32, #tpu.memory_space<vmem>> -> memref<128xi32, #tpu.memory_space<vmem>>
      %dma_start3A_184 = arith.constant 0 : i32
      %dma_start3A_185 = arith.constant 0 : i32
      %dma_start3A_186 = tpu.memref_slice %arg3[%dma_start3A_184, %dma_start3A_185] : memref<100000x128xf32, #tpu.memory_space<hbm>> -> memref<100000x128xf32, #tpu.memory_space<hbm>>
      tpu.enqueue_indirect_dma source(%dma_start3A_186 : memref<100000x128xf32, #tpu.memory_space<hbm>>) target(%dma_start3A_181 : memref<128x128xf32, #tpu.memory_space<vmem>>) offsets(%dma_start3A_183 : memref<128xi32, #tpu.memory_space<vmem>>) semaphore(%arg7 : memref<!tpu.dma_semaphore, #tpu.memory_space<semaphore_mem>>)
      %add3A_187 = arith.constant 1664 : i32
      %add3A_188 = arith.addi %add3A_17, %add3A_187 : i32
      %dma_wait3A_189 = arith.constant 1 : i32
      %dma_wait3A_190 = arith.constant 0 : i32
      %dma_wait3A_191 = arith.constant 0 : i32
      %dma_wait3A_192 = tpu.memref_slice %arg6[%dma_wait3A_189, %dma_wait3A_190, %dma_wait3A_191] : memref<4x128x128xf32, #tpu.memory_space<vmem>> -> memref<1x128x128xf32, #tpu.memory_space<vmem>>
      %dma_wait3A_193 = tpu.memref_squeeze %dma_wait3A_192 : memref<1x128x128xf32, #tpu.memory_space<vmem>> -> memref<128x128xf32, #tpu.memory_space<vmem>>
      %dma_wait3A_194 = arith.constant 0 : i32
      %dma_wait3A_195 = tpu.memref_slice %arg4[%add3A_188, %dma_wait3A_194] : memref<100000x128xf32, #tpu.memory_space<hbm>> -> memref<128x128xf32, #tpu.memory_space<hbm>>
      %dma_wait3A_196 = arith.constant 0 : i32
      %dma_wait3A_197 = tpu.memref_slice %arg4[%add3A_188, %dma_wait3A_196] : memref<100000x128xf32, #tpu.memory_space<hbm>> -> memref<128x128xf32, #tpu.memory_space<hbm>>
      %dma_wait3A_198 = arith.constant 0 : i32
      %dma_wait3A_199 = arith.constant 0 : i32
      %dma_wait3A_200 = tpu.memref_slice %arg6[%dma_wait3A_189, %dma_wait3A_198, %dma_wait3A_199] : memref<4x128x128xf32, #tpu.memory_space<vmem>> -> memref<1x128x128xf32, #tpu.memory_space<vmem>>
      %dma_wait3A_201 = tpu.memref_squeeze %dma_wait3A_200 : memref<1x128x128xf32, #tpu.memory_space<vmem>> -> memref<128x128xf32, #tpu.memory_space<vmem>>
      tpu.wait_dma2 semaphore(%arg8 : memref<!tpu.dma_semaphore, #tpu.memory_space<semaphore_mem>>) src(%dma_wait3A_201 : memref<128x128xf32, #tpu.memory_space<vmem>>) dst(%dma_wait3A_197 : memref<128x128xf32, #tpu.memory_space<hbm>>)
      %dma_start3A_202 = arith.constant 1 : i32
      %dma_start3A_203 = arith.constant 0 : i32
      %dma_start3A_204 = arith.constant 0 : i32
      %dma_start3A_205 = tpu.memref_slice %arg6[%dma_start3A_202, %dma_start3A_203, %dma_start3A_204] : memref<4x128x128xf32, #tpu.memory_space<vmem>> -> memref<1x128x128xf32, #tpu.memory_space<vmem>>
      %dma_start3A_206 = tpu.memref_squeeze %dma_start3A_205 : memref<1x128x128xf32, #tpu.memory_space<vmem>> -> memref<128x128xf32, #tpu.memory_space<vmem>>
      %dma_start3A_207 = arith.constant 2176 : i32
      %dma_start3A_208 = tpu.memref_slice %arg5[%dma_start3A_207] : memref<3856xi32, #tpu.memory_space<vmem>> -> memref<128xi32, #tpu.memory_space<vmem>>
      %dma_start3A_209 = arith.constant 0 : i32
      %dma_start3A_210 = arith.constant 0 : i32
      %dma_start3A_211 = tpu.memref_slice %arg3[%dma_start3A_209, %dma_start3A_210] : memref<100000x128xf32, #tpu.memory_space<hbm>> -> memref<100000x128xf32, #tpu.memory_space<hbm>>
      tpu.enqueue_indirect_dma source(%dma_start3A_211 : memref<100000x128xf32, #tpu.memory_space<hbm>>) target(%dma_start3A_206 : memref<128x128xf32, #tpu.memory_space<vmem>>) offsets(%dma_start3A_208 : memref<128xi32, #tpu.memory_space<vmem>>) semaphore(%arg7 : memref<!tpu.dma_semaphore, #tpu.memory_space<semaphore_mem>>)
      %add3A_212 = arith.constant 1792 : i32
      %add3A_213 = arith.addi %add3A_17, %add3A_212 : i32
      %dma_wait3A_214 = arith.constant 2 : i32
      %dma_wait3A_215 = arith.constant 0 : i32
      %dma_wait3A_216 = arith.constant 0 : i32
      %dma_wait3A_217 = tpu.memref_slice %arg6[%dma_wait3A_214, %dma_wait3A_215, %dma_wait3A_216] : memref<4x128x128xf32, #tpu.memory_space<vmem>> -> memref<1x128x128xf32, #tpu.memory_space<vmem>>
      %dma_wait3A_218 = tpu.memref_squeeze %dma_wait3A_217 : memref<1x128x128xf32, #tpu.memory_space<vmem>> -> memref<128x128xf32, #tpu.memory_space<vmem>>
      %dma_wait3A_219 = arith.constant 0 : i32
      %dma_wait3A_220 = tpu.memref_slice %arg4[%add3A_213, %dma_wait3A_219] : memref<100000x128xf32, #tpu.memory_space<hbm>> -> memref<128x128xf32, #tpu.memory_space<hbm>>
      %dma_wait3A_221 = arith.constant 0 : i32
      %dma_wait3A_222 = tpu.memref_slice %arg4[%add3A_213, %dma_wait3A_221] : memref<100000x128xf32, #tpu.memory_space<hbm>> -> memref<128x128xf32, #tpu.memory_space<hbm>>
      %dma_wait3A_223 = arith.constant 0 : i32
      %dma_wait3A_224 = arith.constant 0 : i32
      %dma_wait3A_225 = tpu.memref_slice %arg6[%dma_wait3A_214, %dma_wait3A_223, %dma_wait3A_224] : memref<4x128x128xf32, #tpu.memory_space<vmem>> -> memref<1x128x128xf32, #tpu.memory_space<vmem>>
      %dma_wait3A_226 = tpu.memref_squeeze %dma_wait3A_225 : memref<1x128x128xf32, #tpu.memory_space<vmem>> -> memref<128x128xf32, #tpu.memory_space<vmem>>
      tpu.wait_dma2 semaphore(%arg8 : memref<!tpu.dma_semaphore, #tpu.memory_space<semaphore_mem>>) src(%dma_wait3A_226 : memref<128x128xf32, #tpu.memory_space<vmem>>) dst(%dma_wait3A_222 : memref<128x128xf32, #tpu.memory_space<hbm>>)
      %dma_start3A_227 = arith.constant 2 : i32
      %dma_start3A_228 = arith.constant 0 : i32
      %dma_start3A_229 = arith.constant 0 : i32
      %dma_start3A_230 = tpu.memref_slice %arg6[%dma_start3A_227, %dma_start3A_228, %dma_start3A_229] : memref<4x128x128xf32, #tpu.memory_space<vmem>> -> memref<1x88x128xf32, #tpu.memory_space<vmem>>
      %dma_start3A_231 = tpu.memref_squeeze %dma_start3A_230 : memref<1x88x128xf32, #tpu.memory_space<vmem>> -> memref<88x128xf32, #tpu.memory_space<vmem>>
      %dma_start3A_232 = arith.constant 2304 : i32
      %dma_start3A_233 = tpu.memref_slice %arg5[%dma_start3A_232] : memref<3856xi32, #tpu.memory_space<vmem>> -> memref<88xi32, #tpu.memory_space<vmem>>
      %dma_start3A_234 = arith.constant 0 : i32
      %dma_start3A_235 = arith.constant 0 : i32
      %dma_start3A_236 = tpu.memref_slice %arg3[%dma_start3A_234, %dma_start3A_235] : memref<100000x128xf32, #tpu.memory_space<hbm>> -> memref<100000x128xf32, #tpu.memory_space<hbm>>
      tpu.enqueue_indirect_dma source(%dma_start3A_236 : memref<100000x128xf32, #tpu.memory_space<hbm>>) target(%dma_start3A_231 : memref<88x128xf32, #tpu.memory_space<vmem>>) offsets(%dma_start3A_233 : memref<88xi32, #tpu.memory_space<vmem>>) semaphore(%arg7 : memref<!tpu.dma_semaphore, #tpu.memory_space<semaphore_mem>>)
      %add3A_237 = arith.constant 1920 : i32
      %add3A_238 = arith.addi %add3A_17, %add3A_237 : i32
      %dma_wait3A_239 = arith.constant 3 : i32
      %dma_wait3A_240 = arith.constant 0 : i32
      %dma_wait3A_241 = arith.constant 0 : i32
      %dma_wait3A_242 = tpu.memref_slice %arg6[%dma_wait3A_239, %dma_wait3A_240, %dma_wait3A_241] : memref<4x128x128xf32, #tpu.memory_space<vmem>> -> memref<1x128x128xf32, #tpu.memory_space<vmem>>
      %dma_wait3A_243 = tpu.memref_squeeze %dma_wait3A_242 : memref<1x128x128xf32, #tpu.memory_space<vmem>> -> memref<128x128xf32, #tpu.memory_space<vmem>>
      %dma_wait3A_244 = arith.constant 0 : i32
      %dma_wait3A_245 = tpu.memref_slice %arg4[%add3A_238, %dma_wait3A_244] : memref<100000x128xf32, #tpu.memory_space<hbm>> -> memref<128x128xf32, #tpu.memory_space<hbm>>
      %dma_wait3A_246 = arith.constant 0 : i32
      %dma_wait3A_247 = tpu.memref_slice %arg4[%add3A_238, %dma_wait3A_246] : memref<100000x128xf32, #tpu.memory_space<hbm>> -> memref<128x128xf32, #tpu.memory_space<hbm>>
      %dma_wait3A_248 = arith.constant 0 : i32
      %dma_wait3A_249 = arith.constant 0 : i32
      %dma_wait3A_250 = tpu.memref_slice %arg6[%dma_wait3A_239, %dma_wait3A_248, %dma_wait3A_249] : memref<4x128x128xf32, #tpu.memory_space<vmem>> -> memref<1x128x128xf32, #tpu.memory_space<vmem>>
      %dma_wait3A_251 = tpu.memref_squeeze %dma_wait3A_250 : memref<1x128x128xf32, #tpu.memory_space<vmem>> -> memref<128x128xf32, #tpu.memory_space<vmem>>
      tpu.wait_dma2 semaphore(%arg8 : memref<!tpu.dma_semaphore, #tpu.memory_space<semaphore_mem>>) src(%dma_wait3A_251 : memref<128x128xf32, #tpu.memory_space<vmem>>) dst(%dma_wait3A_247 : memref<128x128xf32, #tpu.memory_space<hbm>>)
      %dma_wait3A_252 = arith.constant 0 : i32
      %dma_wait3A_253 = arith.constant 0 : i32
      %dma_wait3A_254 = arith.constant 0 : i32
      %dma_wait3A_255 = tpu.memref_slice %arg6[%dma_wait3A_252, %dma_wait3A_253, %dma_wait3A_254] : memref<4x128x128xf32, #tpu.memory_space<vmem>> -> memref<1x128x128xf32, #tpu.memory_space<vmem>>
      %dma_wait3A_256 = tpu.memref_squeeze %dma_wait3A_255 : memref<1x128x128xf32, #tpu.memory_space<vmem>> -> memref<128x128xf32, #tpu.memory_space<vmem>>
      %dma_wait3A_257 = arith.constant 2048 : i32
      %dma_wait3A_258 = tpu.memref_slice %arg5[%dma_wait3A_257] : memref<3856xi32, #tpu.memory_space<vmem>> -> memref<128xi32, #tpu.memory_space<vmem>>
      %dma_wait3A_259 = arith.constant 0 : i32
      %dma_wait3A_260 = arith.constant 0 : i32
      %dma_wait3A_261 = tpu.memref_slice %arg3[%dma_wait3A_259, %dma_wait3A_260] : memref<100000x128xf32, #tpu.memory_space<hbm>> -> memref<100000x128xf32, #tpu.memory_space<hbm>>
      tpu.wait_indirect_dma semaphore(%arg7 : memref<!tpu.dma_semaphore, #tpu.memory_space<semaphore_mem>>) src(%dma_wait3A_261 : memref<100000x128xf32, #tpu.memory_space<hbm>>) dst(%dma_wait3A_256 : memref<128x128xf32, #tpu.memory_space<vmem>>)
      %add3A_262 = arith.constant 2048 : i32
      %add3A_263 = arith.addi %add3A_17, %add3A_262 : i32
      %dma_start3A_264 = arith.constant 0 : i32
      %dma_start3A_265 = arith.constant 0 : i32
      %dma_start3A_266 = arith.constant 0 : i32
      %dma_start3A_267 = tpu.memref_slice %arg6[%dma_start3A_264, %dma_start3A_265, %dma_start3A_266] : memref<4x128x128xf32, #tpu.memory_space<vmem>> -> memref<1x128x128xf32, #tpu.memory_space<vmem>>
      %dma_start3A_268 = tpu.memref_squeeze %dma_start3A_267 : memref<1x128x128xf32, #tpu.memory_space<vmem>> -> memref<128x128xf32, #tpu.memory_space<vmem>>
      %dma_start3A_269 = arith.constant 0 : i32
      %dma_start3A_270 = tpu.memref_slice %arg4[%add3A_263, %dma_start3A_269] : memref<100000x128xf32, #tpu.memory_space<hbm>> -> memref<128x128xf32, #tpu.memory_space<hbm>>
      %dma_start3A_271 = arith.constant 0 : i32
      %dma_start3A_272 = tpu.memref_slice %arg4[%add3A_263, %dma_start3A_271] : memref<100000x128xf32, #tpu.memory_space<hbm>> -> memref<128x128xf32, #tpu.memory_space<hbm>>
      %dma_start3A_273 = arith.constant 0 : i32
      %dma_start3A_274 = arith.constant 0 : i32
      %dma_start3A_275 = tpu.memref_slice %arg6[%dma_start3A_264, %dma_start3A_273, %dma_start3A_274] : memref<4x128x128xf32, #tpu.memory_space<vmem>> -> memref<1x128x128xf32, #tpu.memory_space<vmem>>
      %dma_start3A_276 = tpu.memref_squeeze %dma_start3A_275 : memref<1x128x128xf32, #tpu.memory_space<vmem>> -> memref<128x128xf32, #tpu.memory_space<vmem>>
      tpu.enqueue_dma source(%dma_start3A_276 : memref<128x128xf32, #tpu.memory_space<vmem>>) target(%dma_start3A_272 : memref<128x128xf32, #tpu.memory_space<hbm>>) target_semaphore(%arg8 : memref<!tpu.dma_semaphore, #tpu.memory_space<semaphore_mem>>)
      %dma_wait3A_277 = arith.constant 1 : i32
      %dma_wait3A_278 = arith.constant 0 : i32
      %dma_wait3A_279 = arith.constant 0 : i32
      %dma_wait3A_280 = tpu.memref_slice %arg6[%dma_wait3A_277, %dma_wait3A_278, %dma_wait3A_279] : memref<4x128x128xf32, #tpu.memory_space<vmem>> -> memref<1x128x128xf32, #tpu.memory_space<vmem>>
      %dma_wait3A_281 = tpu.memref_squeeze %dma_wait3A_280 : memref<1x128x128xf32, #tpu.memory_space<vmem>> -> memref<128x128xf32, #tpu.memory_space<vmem>>
      %dma_wait3A_282 = arith.constant 2176 : i32
      %dma_wait3A_283 = tpu.memref_slice %arg5[%dma_wait3A_282] : memref<3856xi32, #tpu.memory_space<vmem>> -> memref<128xi32, #tpu.memory_space<vmem>>
      %dma_wait3A_284 = arith.constant 0 : i32
      %dma_wait3A_285 = arith.constant 0 : i32
      %dma_wait3A_286 = tpu.memref_slice %arg3[%dma_wait3A_284, %dma_wait3A_285] : memref<100000x128xf32, #tpu.memory_space<hbm>> -> memref<100000x128xf32, #tpu.memory_space<hbm>>
      tpu.wait_indirect_dma semaphore(%arg7 : memref<!tpu.dma_semaphore, #tpu.memory_space<semaphore_mem>>) src(%dma_wait3A_286 : memref<100000x128xf32, #tpu.memory_space<hbm>>) dst(%dma_wait3A_281 : memref<128x128xf32, #tpu.memory_space<vmem>>)
      %add3A_287 = arith.constant 2176 : i32
      %add3A_288 = arith.addi %add3A_17, %add3A_287 : i32
      %dma_start3A_289 = arith.constant 1 : i32
      %dma_start3A_290 = arith.constant 0 : i32
      %dma_start3A_291 = arith.constant 0 : i32
      %dma_start3A_292 = tpu.memref_slice %arg6[%dma_start3A_289, %dma_start3A_290, %dma_start3A_291] : memref<4x128x128xf32, #tpu.memory_space<vmem>> -> memref<1x128x128xf32, #tpu.memory_space<vmem>>
      %dma_start3A_293 = tpu.memref_squeeze %dma_start3A_292 : memref<1x128x128xf32, #tpu.memory_space<vmem>> -> memref<128x128xf32, #tpu.memory_space<vmem>>
      %dma_start3A_294 = arith.constant 0 : i32
      %dma_start3A_295 = tpu.memref_slice %arg4[%add3A_288, %dma_start3A_294] : memref<100000x128xf32, #tpu.memory_space<hbm>> -> memref<128x128xf32, #tpu.memory_space<hbm>>
      %dma_start3A_296 = arith.constant 0 : i32
      %dma_start3A_297 = tpu.memref_slice %arg4[%add3A_288, %dma_start3A_296] : memref<100000x128xf32, #tpu.memory_space<hbm>> -> memref<128x128xf32, #tpu.memory_space<hbm>>
      %dma_start3A_298 = arith.constant 0 : i32
      %dma_start3A_299 = arith.constant 0 : i32
      %dma_start3A_300 = tpu.memref_slice %arg6[%dma_start3A_289, %dma_start3A_298, %dma_start3A_299] : memref<4x128x128xf32, #tpu.memory_space<vmem>> -> memref<1x128x128xf32, #tpu.memory_space<vmem>>
      %dma_start3A_301 = tpu.memref_squeeze %dma_start3A_300 : memref<1x128x128xf32, #tpu.memory_space<vmem>> -> memref<128x128xf32, #tpu.memory_space<vmem>>
      tpu.enqueue_dma source(%dma_start3A_301 : memref<128x128xf32, #tpu.memory_space<vmem>>) target(%dma_start3A_297 : memref<128x128xf32, #tpu.memory_space<hbm>>) target_semaphore(%arg8 : memref<!tpu.dma_semaphore, #tpu.memory_space<semaphore_mem>>)
      %dma_wait3A_302 = arith.constant 2 : i32
      %dma_wait3A_303 = arith.constant 0 : i32
      %dma_wait3A_304 = arith.constant 0 : i32
      %dma_wait3A_305 = tpu.memref_slice %arg6[%dma_wait3A_302, %dma_wait3A_303, %dma_wait3A_304] : memref<4x128x128xf32, #tpu.memory_space<vmem>> -> memref<1x88x128xf32, #tpu.memory_space<vmem>>
      %dma_wait3A_306 = tpu.memref_squeeze %dma_wait3A_305 : memref<1x88x128xf32, #tpu.memory_space<vmem>> -> memref<88x128xf32, #tpu.memory_space<vmem>>
      %dma_wait3A_307 = arith.constant 2304 : i32
      %dma_wait3A_308 = tpu.memref_slice %arg5[%dma_wait3A_307] : memref<3856xi32, #tpu.memory_space<vmem>> -> memref<88xi32, #tpu.memory_space<vmem>>
      %dma_wait3A_309 = arith.constant 0 : i32
      %dma_wait3A_310 = arith.constant 0 : i32
      %dma_wait3A_311 = tpu.memref_slice %arg3[%dma_wait3A_309, %dma_wait3A_310] : memref<100000x128xf32, #tpu.memory_space<hbm>> -> memref<100000x128xf32, #tpu.memory_space<hbm>>
      tpu.wait_indirect_dma semaphore(%arg7 : memref<!tpu.dma_semaphore, #tpu.memory_space<semaphore_mem>>) src(%dma_wait3A_311 : memref<100000x128xf32, #tpu.memory_space<hbm>>) dst(%dma_wait3A_306 : memref<88x128xf32, #tpu.memory_space<vmem>>)
      %add3A_312 = arith.constant 2304 : i32
      %add3A_313 = arith.addi %add3A_17, %add3A_312 : i32
      %dma_start3A_314 = arith.constant 2 : i32
      %dma_start3A_315 = arith.constant 0 : i32
      %dma_start3A_316 = arith.constant 0 : i32
      %dma_start3A_317 = tpu.memref_slice %arg6[%dma_start3A_314, %dma_start3A_315, %dma_start3A_316] : memref<4x128x128xf32, #tpu.memory_space<vmem>> -> memref<1x88x128xf32, #tpu.memory_space<vmem>>
      %dma_start3A_318 = tpu.memref_squeeze %dma_start3A_317 : memref<1x88x128xf32, #tpu.memory_space<vmem>> -> memref<88x128xf32, #tpu.memory_space<vmem>>
      %dma_start3A_319 = arith.constant 0 : i32
      %dma_start3A_320 = tpu.memref_slice %arg4[%add3A_313, %dma_start3A_319] : memref<100000x128xf32, #tpu.memory_space<hbm>> -> memref<88x128xf32, #tpu.memory_space<hbm>>
      %dma_start3A_321 = arith.constant 0 : i32
      %dma_start3A_322 = tpu.memref_slice %arg4[%add3A_313, %dma_start3A_321] : memref<100000x128xf32, #tpu.memory_space<hbm>> -> memref<88x128xf32, #tpu.memory_space<hbm>>
      %dma_start3A_323 = arith.constant 0 : i32
      %dma_start3A_324 = arith.constant 0 : i32
      %dma_start3A_325 = tpu.memref_slice %arg6[%dma_start3A_314, %dma_start3A_323, %dma_start3A_324] : memref<4x128x128xf32, #tpu.memory_space<vmem>> -> memref<1x88x128xf32, #tpu.memory_space<vmem>>
      %dma_start3A_326 = tpu.memref_squeeze %dma_start3A_325 : memref<1x88x128xf32, #tpu.memory_space<vmem>> -> memref<88x128xf32, #tpu.memory_space<vmem>>
      tpu.enqueue_dma source(%dma_start3A_326 : memref<88x128xf32, #tpu.memory_space<vmem>>) target(%dma_start3A_322 : memref<88x128xf32, #tpu.memory_space<hbm>>) target_semaphore(%arg8 : memref<!tpu.dma_semaphore, #tpu.memory_space<semaphore_mem>>)
      %add3A_327 = arith.constant 2048 : i32
      %add3A_328 = arith.addi %add3A_17, %add3A_327 : i32
      %dma_wait3A_329 = arith.constant 0 : i32
      %dma_wait3A_330 = arith.constant 0 : i32
      %dma_wait3A_331 = arith.constant 0 : i32
      %dma_wait3A_332 = tpu.memref_slice %arg6[%dma_wait3A_329, %dma_wait3A_330, %dma_wait3A_331] : memref<4x128x128xf32, #tpu.memory_space<vmem>> -> memref<1x128x128xf32, #tpu.memory_space<vmem>>
      %dma_wait3A_333 = tpu.memref_squeeze %dma_wait3A_332 : memref<1x128x128xf32, #tpu.memory_space<vmem>> -> memref<128x128xf32, #tpu.memory_space<vmem>>
      %dma_wait3A_334 = arith.constant 0 : i32
      %dma_wait3A_335 = tpu.memref_slice %arg4[%add3A_328, %dma_wait3A_334] : memref<100000x128xf32, #tpu.memory_space<hbm>> -> memref<128x128xf32, #tpu.memory_space<hbm>>
      %dma_wait3A_336 = arith.constant 0 : i32
      %dma_wait3A_337 = tpu.memref_slice %arg4[%add3A_328, %dma_wait3A_336] : memref<100000x128xf32, #tpu.memory_space<hbm>> -> memref<128x128xf32, #tpu.memory_space<hbm>>
      %dma_wait3A_338 = arith.constant 0 : i32
      %dma_wait3A_339 = arith.constant 0 : i32
      %dma_wait3A_340 = tpu.memref_slice %arg6[%dma_wait3A_329, %dma_wait3A_338, %dma_wait3A_339] : memref<4x128x128xf32, #tpu.memory_space<vmem>> -> memref<1x128x128xf32, #tpu.memory_space<vmem>>
      %dma_wait3A_341 = tpu.memref_squeeze %dma_wait3A_340 : memref<1x128x128xf32, #tpu.memory_space<vmem>> -> memref<128x128xf32, #tpu.memory_space<vmem>>
      tpu.wait_dma2 semaphore(%arg8 : memref<!tpu.dma_semaphore, #tpu.memory_space<semaphore_mem>>) src(%dma_wait3A_341 : memref<128x128xf32, #tpu.memory_space<vmem>>) dst(%dma_wait3A_337 : memref<128x128xf32, #tpu.memory_space<hbm>>)
      %add3A_342 = arith.constant 2176 : i32
      %add3A_343 = arith.addi %add3A_17, %add3A_342 : i32
      %dma_wait3A_344 = arith.constant 1 : i32
      %dma_wait3A_345 = arith.constant 0 : i32
      %dma_wait3A_346 = arith.constant 0 : i32
      %dma_wait3A_347 = tpu.memref_slice %arg6[%dma_wait3A_344, %dma_wait3A_345, %dma_wait3A_346] : memref<4x128x128xf32, #tpu.memory_space<vmem>> -> memref<1x128x128xf32, #tpu.memory_space<vmem>>
      %dma_wait3A_348 = tpu.memref_squeeze %dma_wait3A_347 : memref<1x128x128xf32, #tpu.memory_space<vmem>> -> memref<128x128xf32, #tpu.memory_space<vmem>>
      %dma_wait3A_349 = arith.constant 0 : i32
      %dma_wait3A_350 = tpu.memref_slice %arg4[%add3A_343, %dma_wait3A_349] : memref<100000x128xf32, #tpu.memory_space<hbm>> -> memref<128x128xf32, #tpu.memory_space<hbm>>
      %dma_wait3A_351 = arith.constant 0 : i32
      %dma_wait3A_352 = tpu.memref_slice %arg4[%add3A_343, %dma_wait3A_351] : memref<100000x128xf32, #tpu.memory_space<hbm>> -> memref<128x128xf32, #tpu.memory_space<hbm>>
      %dma_wait3A_353 = arith.constant 0 : i32
      %dma_wait3A_354 = arith.constant 0 : i32
      %dma_wait3A_355 = tpu.memref_slice %arg6[%dma_wait3A_344, %dma_wait3A_353, %dma_wait3A_354] : memref<4x128x128xf32, #tpu.memory_space<vmem>> -> memref<1x128x128xf32, #tpu.memory_space<vmem>>
      %dma_wait3A_356 = tpu.memref_squeeze %dma_wait3A_355 : memref<1x128x128xf32, #tpu.memory_space<vmem>> -> memref<128x128xf32, #tpu.memory_space<vmem>>
      tpu.wait_dma2 semaphore(%arg8 : memref<!tpu.dma_semaphore, #tpu.memory_space<semaphore_mem>>) src(%dma_wait3A_356 : memref<128x128xf32, #tpu.memory_space<vmem>>) dst(%dma_wait3A_352 : memref<128x128xf32, #tpu.memory_space<hbm>>)
      %add3A_357 = arith.constant 2304 : i32
      %add3A_358 = arith.addi %add3A_17, %add3A_357 : i32
      %dma_wait3A_359 = arith.constant 2 : i32
      %dma_wait3A_360 = arith.constant 0 : i32
      %dma_wait3A_361 = arith.constant 0 : i32
      %dma_wait3A_362 = tpu.memref_slice %arg6[%dma_wait3A_359, %dma_wait3A_360, %dma_wait3A_361] : memref<4x128x128xf32, #tpu.memory_space<vmem>> -> memref<1x88x128xf32, #tpu.memory_space<vmem>>
      %dma_wait3A_363 = tpu.memref_squeeze %dma_wait3A_362 : memref<1x88x128xf32, #tpu.memory_space<vmem>> -> memref<88x128xf32, #tpu.memory_space<vmem>>
      %dma_wait3A_364 = arith.constant 0 : i32
      %dma_wait3A_365 = tpu.memref_slice %arg4[%add3A_358, %dma_wait3A_364] : memref<100000x128xf32, #tpu.memory_space<hbm>> -> memref<88x128xf32, #tpu.memory_space<hbm>>
      %dma_wait3A_366 = arith.constant 0 : i32
      %dma_wait3A_367 = tpu.memref_slice %arg4[%add3A_358, %dma_wait3A_366] : memref<100000x128xf32, #tpu.memory_space<hbm>> -> memref<88x128xf32, #tpu.memory_space<hbm>>
      %dma_wait3A_368 = arith.constant 0 : i32
      %dma_wait3A_369 = arith.constant 0 : i32
      %dma_wait3A_370 = tpu.memref_slice %arg6[%dma_wait3A_359, %dma_wait3A_368, %dma_wait3A_369] : memref<4x128x128xf32, #tpu.memory_space<vmem>> -> memref<1x88x128xf32, #tpu.memory_space<vmem>>
      %dma_wait3A_371 = tpu.memref_squeeze %dma_wait3A_370 : memref<1x88x128xf32, #tpu.memory_space<vmem>> -> memref<88x128xf32, #tpu.memory_space<vmem>>
      tpu.wait_dma2 semaphore(%arg8 : memref<!tpu.dma_semaphore, #tpu.memory_space<semaphore_mem>>) src(%dma_wait3A_371 : memref<88x128xf32, #tpu.memory_space<vmem>>) dst(%dma_wait3A_367 : memref<88x128xf32, #tpu.memory_space<hbm>>)
    } else {
    }
    %eq3A_8 = arith.constant 1 : i32
    %eq3A_9 = arith.cmpi eq, %arg0, %eq3A_8 : i32
    %eq3A_10 = arith.constant 15 : i32
    %eq3A_11 = arith.cmpi eq, %arg1, %eq3A_10 : i32
    %and3A_12 = arith.andi %eq3A_9, %eq3A_11 : i1
    %convert_element_type3A_13 = arith.extui %and3A_12 : i1 to i32
    %cond3A_14 = arith.constant 0 : i32
    %cond3A_15 = arith.cmpi ne, %convert_element_type3A_13, %cond3A_14 : i32
    scf.if %cond3A_15 {
      "tpu.region"() ({
        %run_scoped3A = tpu.sem_alloc : memref<!tpu.dma_semaphore, #tpu.memory_space<semaphore_mem>>
        %dma_start3A_370 = arith.constant 0 : i32
        %dma_start3A_371 = tpu.memref_slice %arg5[%dma_start3A_370] : memref<3856xi32, #tpu.memory_space<vmem>> -> memref<2424xi32, #tpu.memory_space<vmem>>
        %dma_start3A_372 = arith.constant 97576 : i32
        %dma_start3A_373 = tpu.memref_slice %arg2[%dma_start3A_372] : memref<100000xi32, #tpu.memory_space<hbm>> -> memref<2424xi32, #tpu.memory_space<hbm>>
        %dma_start3A_374 = arith.constant 0 : i32
        %dma_start3A_375 = tpu.memref_slice %arg5[%dma_start3A_374] : memref<3856xi32, #tpu.memory_space<vmem>> -> memref<2424xi32, #tpu.memory_space<vmem>>
        %dma_start3A_376 = arith.constant 97576 : i32
        %dma_start3A_377 = tpu.memref_slice %arg2[%dma_start3A_376] : memref<100000xi32, #tpu.memory_space<hbm>> -> memref<2424xi32, #tpu.memory_space<hbm>>
        tpu.enqueue_dma source(%dma_start3A_377 : memref<2424xi32, #tpu.memory_space<hbm>>) target(%dma_start3A_375 : memref<2424xi32, #tpu.memory_space<vmem>>) target_semaphore(%run_scoped3A : memref<!tpu.dma_semaphore, #tpu.memory_space<semaphore_mem>>)
        %dma_wait3A_378 = arith.constant 0 : i32
        %dma_wait3A_379 = tpu.memref_slice %arg5[%dma_wait3A_378] : memref<3856xi32, #tpu.memory_space<vmem>> -> memref<2424xi32, #tpu.memory_space<vmem>>
        %dma_wait3A_380 = arith.constant 97576 : i32
        %dma_wait3A_381 = tpu.memref_slice %arg2[%dma_wait3A_380] : memref<100000xi32, #tpu.memory_space<hbm>> -> memref<2424xi32, #tpu.memory_space<hbm>>
        %dma_wait3A_382 = arith.constant 0 : i32
        %dma_wait3A_383 = tpu.memref_slice %arg5[%dma_wait3A_382] : memref<3856xi32, #tpu.memory_space<vmem>> -> memref<2424xi32, #tpu.memory_space<vmem>>
        %dma_wait3A_384 = arith.constant 97576 : i32
        %dma_wait3A_385 = tpu.memref_slice %arg2[%dma_wait3A_384] : memref<100000xi32, #tpu.memory_space<hbm>> -> memref<2424xi32, #tpu.memory_space<hbm>>
        tpu.wait_dma2 semaphore(%run_scoped3A : memref<!tpu.dma_semaphore, #tpu.memory_space<semaphore_mem>>) src(%dma_wait3A_385 : memref<2424xi32, #tpu.memory_space<hbm>>) dst(%dma_wait3A_383 : memref<2424xi32, #tpu.memory_space<vmem>>)
        tpu.yield
      }) : () -> ()
      %dma_start3A = arith.constant 0 : i32
      %dma_start3A_16 = arith.constant 0 : i32
      %dma_start3A_17 = arith.constant 0 : i32
      %dma_start3A_18 = tpu.memref_slice %arg6[%dma_start3A, %dma_start3A_16, %dma_start3A_17] : memref<4x128x128xf32, #tpu.memory_space<vmem>> -> memref<1x128x128xf32, #tpu.memory_space<vmem>>
      %dma_start3A_19 = tpu.memref_squeeze %dma_start3A_18 : memref<1x128x128xf32, #tpu.memory_space<vmem>> -> memref<128x128xf32, #tpu.memory_space<vmem>>
      %dma_start3A_20 = arith.constant 0 : i32
      %dma_start3A_21 = tpu.memref_slice %arg5[%dma_start3A_20] : memref<3856xi32, #tpu.memory_space<vmem>> -> memref<128xi32, #tpu.memory_space<vmem>>
      %dma_start3A_22 = arith.constant 0 : i32
      %dma_start3A_23 = arith.constant 0 : i32
      %dma_start3A_24 = tpu.memref_slice %arg3[%dma_start3A_22, %dma_start3A_23] : memref<100000x128xf32, #tpu.memory_space<hbm>> -> memref<100000x128xf32, #tpu.memory_space<hbm>>
      tpu.enqueue_indirect_dma source(%dma_start3A_24 : memref<100000x128xf32, #tpu.memory_space<hbm>>) target(%dma_start3A_19 : memref<128x128xf32, #tpu.memory_space<vmem>>) offsets(%dma_start3A_21 : memref<128xi32, #tpu.memory_space<vmem>>) semaphore(%arg7 : memref<!tpu.dma_semaphore, #tpu.memory_space<semaphore_mem>>)
      %dma_start3A_25 = arith.constant 1 : i32
      %dma_start3A_26 = arith.constant 0 : i32
      %dma_start3A_27 = arith.constant 0 : i32
      %dma_start3A_28 = tpu.memref_slice %arg6[%dma_start3A_25, %dma_start3A_26, %dma_start3A_27] : memref<4x128x128xf32, #tpu.memory_space<vmem>> -> memref<1x128x128xf32, #tpu.memory_space<vmem>>
      %dma_start3A_29 = tpu.memref_squeeze %dma_start3A_28 : memref<1x128x128xf32, #tpu.memory_space<vmem>> -> memref<128x128xf32, #tpu.memory_space<vmem>>
      %dma_start3A_30 = arith.constant 128 : i32
      %dma_start3A_31 = tpu.memref_slice %arg5[%dma_start3A_30] : memref<3856xi32, #tpu.memory_space<vmem>> -> memref<128xi32, #tpu.memory_space<vmem>>
      %dma_start3A_32 = arith.constant 0 : i32
      %dma_start3A_33 = arith.constant 0 : i32
      %dma_start3A_34 = tpu.memref_slice %arg3[%dma_start3A_32, %dma_start3A_33] : memref<100000x128xf32, #tpu.memory_space<hbm>> -> memref<100000x128xf32, #tpu.memory_space<hbm>>
      tpu.enqueue_indirect_dma source(%dma_start3A_34 : memref<100000x128xf32, #tpu.memory_space<hbm>>) target(%dma_start3A_29 : memref<128x128xf32, #tpu.memory_space<vmem>>) offsets(%dma_start3A_31 : memref<128xi32, #tpu.memory_space<vmem>>) semaphore(%arg7 : memref<!tpu.dma_semaphore, #tpu.memory_space<semaphore_mem>>)
      %dma_start3A_35 = arith.constant 2 : i32
      %dma_start3A_36 = arith.constant 0 : i32
      %dma_start3A_37 = arith.constant 0 : i32
      %dma_start3A_38 = tpu.memref_slice %arg6[%dma_start3A_35, %dma_start3A_36, %dma_start3A_37] : memref<4x128x128xf32, #tpu.memory_space<vmem>> -> memref<1x128x128xf32, #tpu.memory_space<vmem>>
      %dma_start3A_39 = tpu.memref_squeeze %dma_start3A_38 : memref<1x128x128xf32, #tpu.memory_space<vmem>> -> memref<128x128xf32, #tpu.memory_space<vmem>>
      %dma_start3A_40 = arith.constant 256 : i32
      %dma_start3A_41 = tpu.memref_slice %arg5[%dma_start3A_40] : memref<3856xi32, #tpu.memory_space<vmem>> -> memref<128xi32, #tpu.memory_space<vmem>>
      %dma_start3A_42 = arith.constant 0 : i32
      %dma_start3A_43 = arith.constant 0 : i32
      %dma_start3A_44 = tpu.memref_slice %arg3[%dma_start3A_42, %dma_start3A_43] : memref<100000x128xf32, #tpu.memory_space<hbm>> -> memref<100000x128xf32, #tpu.memory_space<hbm>>
      tpu.enqueue_indirect_dma source(%dma_start3A_44 : memref<100000x128xf32, #tpu.memory_space<hbm>>) target(%dma_start3A_39 : memref<128x128xf32, #tpu.memory_space<vmem>>) offsets(%dma_start3A_41 : memref<128xi32, #tpu.memory_space<vmem>>) semaphore(%arg7 : memref<!tpu.dma_semaphore, #tpu.memory_space<semaphore_mem>>)
      %dma_start3A_45 = arith.constant 3 : i32
      %dma_start3A_46 = arith.constant 0 : i32
      %dma_start3A_47 = arith.constant 0 : i32
      %dma_start3A_48 = tpu.memref_slice %arg6[%dma_start3A_45, %dma_start3A_46, %dma_start3A_47] : memref<4x128x128xf32, #tpu.memory_space<vmem>> -> memref<1x128x128xf32, #tpu.memory_space<vmem>>
      %dma_start3A_49 = tpu.memref_squeeze %dma_start3A_48 : memref<1x128x128xf32, #tpu.memory_space<vmem>> -> memref<128x128xf32, #tpu.memory_space<vmem>>
      %dma_start3A_50 = arith.constant 384 : i32
      %dma_start3A_51 = tpu.memref_slice %arg5[%dma_start3A_50] : memref<3856xi32, #tpu.memory_space<vmem>> -> memref<128xi32, #tpu.memory_space<vmem>>
      %dma_start3A_52 = arith.constant 0 : i32
      %dma_start3A_53 = arith.constant 0 : i32
      %dma_start3A_54 = tpu.memref_slice %arg3[%dma_start3A_52, %dma_start3A_53] : memref<100000x128xf32, #tpu.memory_space<hbm>> -> memref<100000x128xf32, #tpu.memory_space<hbm>>
      tpu.enqueue_indirect_dma source(%dma_start3A_54 : memref<100000x128xf32, #tpu.memory_space<hbm>>) target(%dma_start3A_49 : memref<128x128xf32, #tpu.memory_space<vmem>>) offsets(%dma_start3A_51 : memref<128xi32, #tpu.memory_space<vmem>>) semaphore(%arg7 : memref<!tpu.dma_semaphore, #tpu.memory_space<semaphore_mem>>)
      %scan3A = arith.constant 0 : i32
      %scan3A_55 = arith.constant 0 : i32
      %scan3A_56 = arith.constant 3 : i32
      %scan3A_57 = arith.addi %scan3A_55, %scan3A_56 : i32
      %scan3A_58 = arith.constant 1 : i32
      %scan3A_59 = scf.for %scan3A_370 = %scan3A_55 to %scan3A_57 step %scan3A_58 iter_args(%scan3A_371 = %scan3A) -> (i32)  : i32 {
        %mul3A = arith.constant 4 : i32
        %mul3A_372 = arith.muli %scan3A_370, %mul3A : i32
        %add3A = arith.constant 0 : i32
        %add3A_373 = arith.addi %mul3A_372, %add3A : i32
        %mul3A_374 = arith.constant 128 : i32
        %mul3A_375 = arith.muli %add3A_373, %mul3A_374 : i32
        %dma_wait3A_376 = arith.constant 0 : i32
        %dma_wait3A_377 = arith.constant 0 : i32
        %dma_wait3A_378 = arith.constant 0 : i32
        %dma_wait3A_379 = tpu.memref_slice %arg6[%dma_wait3A_376, %dma_wait3A_377, %dma_wait3A_378] : memref<4x128x128xf32, #tpu.memory_space<vmem>> -> memref<1x128x128xf32, #tpu.memory_space<vmem>>
        %dma_wait3A_380 = tpu.memref_squeeze %dma_wait3A_379 : memref<1x128x128xf32, #tpu.memory_space<vmem>> -> memref<128x128xf32, #tpu.memory_space<vmem>>
        %dma_wait3A_381 = tpu.memref_slice %arg5[%mul3A_375] : memref<3856xi32, #tpu.memory_space<vmem>> -> memref<128xi32, #tpu.memory_space<vmem>>
        %dma_wait3A_382 = arith.constant 0 : i32
        %dma_wait3A_383 = arith.constant 0 : i32
        %dma_wait3A_384 = tpu.memref_slice %arg3[%dma_wait3A_382, %dma_wait3A_383] : memref<100000x128xf32, #tpu.memory_space<hbm>> -> memref<100000x128xf32, #tpu.memory_space<hbm>>
        tpu.wait_indirect_dma semaphore(%arg7 : memref<!tpu.dma_semaphore, #tpu.memory_space<semaphore_mem>>) src(%dma_wait3A_384 : memref<100000x128xf32, #tpu.memory_space<hbm>>) dst(%dma_wait3A_380 : memref<128x128xf32, #tpu.memory_space<vmem>>)
        %add3A_385 = arith.constant 0 : i32
        %add3A_386 = arith.addi %mul3A_372, %add3A_385 : i32
        %mul3A_387 = arith.constant 128 : i32
        %mul3A_388 = arith.muli %add3A_386, %mul3A_387 : i32
        %add3A_389 = arith.constant 97576 : i32
        %add3A_390 = arith.addi %add3A_389, %mul3A_388 : i32
        %dma_start3A_391 = arith.constant 0 : i32
        %dma_start3A_392 = arith.constant 0 : i32
        %dma_start3A_393 = arith.constant 0 : i32
        %dma_start3A_394 = tpu.memref_slice %arg6[%dma_start3A_391, %dma_start3A_392, %dma_start3A_393] : memref<4x128x128xf32, #tpu.memory_space<vmem>> -> memref<1x128x128xf32, #tpu.memory_space<vmem>>
        %dma_start3A_395 = tpu.memref_squeeze %dma_start3A_394 : memref<1x128x128xf32, #tpu.memory_space<vmem>> -> memref<128x128xf32, #tpu.memory_space<vmem>>
        %dma_start3A_396 = arith.constant 0 : i32
        %dma_start3A_397 = tpu.memref_slice %arg4[%add3A_390, %dma_start3A_396] : memref<100000x128xf32, #tpu.memory_space<hbm>> -> memref<128x128xf32, #tpu.memory_space<hbm>>
        %dma_start3A_398 = arith.constant 0 : i32
        %dma_start3A_399 = tpu.memref_slice %arg4[%add3A_390, %dma_start3A_398] : memref<100000x128xf32, #tpu.memory_space<hbm>> -> memref<128x128xf32, #tpu.memory_space<hbm>>
        %dma_start3A_400 = arith.constant 0 : i32
        %dma_start3A_401 = arith.constant 0 : i32
        %dma_start3A_402 = tpu.memref_slice %arg6[%dma_start3A_391, %dma_start3A_400, %dma_start3A_401] : memref<4x128x128xf32, #tpu.memory_space<vmem>> -> memref<1x128x128xf32, #tpu.memory_space<vmem>>
        %dma_start3A_403 = tpu.memref_squeeze %dma_start3A_402 : memref<1x128x128xf32, #tpu.memory_space<vmem>> -> memref<128x128xf32, #tpu.memory_space<vmem>>
        tpu.enqueue_dma source(%dma_start3A_403 : memref<128x128xf32, #tpu.memory_space<vmem>>) target(%dma_start3A_399 : memref<128x128xf32, #tpu.memory_space<hbm>>) target_semaphore(%arg8 : memref<!tpu.dma_semaphore, #tpu.memory_space<semaphore_mem>>)
        %add3A_404 = arith.constant 1 : i32
        %add3A_405 = arith.addi %mul3A_372, %add3A_404 : i32
        %mul3A_406 = arith.constant 128 : i32
        %mul3A_407 = arith.muli %add3A_405, %mul3A_406 : i32
        %dma_wait3A_408 = arith.constant 1 : i32
        %dma_wait3A_409 = arith.constant 0 : i32
        %dma_wait3A_410 = arith.constant 0 : i32
        %dma_wait3A_411 = tpu.memref_slice %arg6[%dma_wait3A_408, %dma_wait3A_409, %dma_wait3A_410] : memref<4x128x128xf32, #tpu.memory_space<vmem>> -> memref<1x128x128xf32, #tpu.memory_space<vmem>>
        %dma_wait3A_412 = tpu.memref_squeeze %dma_wait3A_411 : memref<1x128x128xf32, #tpu.memory_space<vmem>> -> memref<128x128xf32, #tpu.memory_space<vmem>>
        %dma_wait3A_413 = tpu.memref_slice %arg5[%mul3A_407] : memref<3856xi32, #tpu.memory_space<vmem>> -> memref<128xi32, #tpu.memory_space<vmem>>
        %dma_wait3A_414 = arith.constant 0 : i32
        %dma_wait3A_415 = arith.constant 0 : i32
        %dma_wait3A_416 = tpu.memref_slice %arg3[%dma_wait3A_414, %dma_wait3A_415] : memref<100000x128xf32, #tpu.memory_space<hbm>> -> memref<100000x128xf32, #tpu.memory_space<hbm>>
        tpu.wait_indirect_dma semaphore(%arg7 : memref<!tpu.dma_semaphore, #tpu.memory_space<semaphore_mem>>) src(%dma_wait3A_416 : memref<100000x128xf32, #tpu.memory_space<hbm>>) dst(%dma_wait3A_412 : memref<128x128xf32, #tpu.memory_space<vmem>>)
        %add3A_417 = arith.constant 1 : i32
        %add3A_418 = arith.addi %mul3A_372, %add3A_417 : i32
        %mul3A_419 = arith.constant 128 : i32
        %mul3A_420 = arith.muli %add3A_418, %mul3A_419 : i32
        %add3A_421 = arith.constant 97576 : i32
        %add3A_422 = arith.addi %add3A_421, %mul3A_420 : i32
        %dma_start3A_423 = arith.constant 1 : i32
        %dma_start3A_424 = arith.constant 0 : i32
        %dma_start3A_425 = arith.constant 0 : i32
        %dma_start3A_426 = tpu.memref_slice %arg6[%dma_start3A_423, %dma_start3A_424, %dma_start3A_425] : memref<4x128x128xf32, #tpu.memory_space<vmem>> -> memref<1x128x128xf32, #tpu.memory_space<vmem>>
        %dma_start3A_427 = tpu.memref_squeeze %dma_start3A_426 : memref<1x128x128xf32, #tpu.memory_space<vmem>> -> memref<128x128xf32, #tpu.memory_space<vmem>>
        %dma_start3A_428 = arith.constant 0 : i32
        %dma_start3A_429 = tpu.memref_slice %arg4[%add3A_422, %dma_start3A_428] : memref<100000x128xf32, #tpu.memory_space<hbm>> -> memref<128x128xf32, #tpu.memory_space<hbm>>
        %dma_start3A_430 = arith.constant 0 : i32
        %dma_start3A_431 = tpu.memref_slice %arg4[%add3A_422, %dma_start3A_430] : memref<100000x128xf32, #tpu.memory_space<hbm>> -> memref<128x128xf32, #tpu.memory_space<hbm>>
        %dma_start3A_432 = arith.constant 0 : i32
        %dma_start3A_433 = arith.constant 0 : i32
        %dma_start3A_434 = tpu.memref_slice %arg6[%dma_start3A_423, %dma_start3A_432, %dma_start3A_433] : memref<4x128x128xf32, #tpu.memory_space<vmem>> -> memref<1x128x128xf32, #tpu.memory_space<vmem>>
        %dma_start3A_435 = tpu.memref_squeeze %dma_start3A_434 : memref<1x128x128xf32, #tpu.memory_space<vmem>> -> memref<128x128xf32, #tpu.memory_space<vmem>>
        tpu.enqueue_dma source(%dma_start3A_435 : memref<128x128xf32, #tpu.memory_space<vmem>>) target(%dma_start3A_431 : memref<128x128xf32, #tpu.memory_space<hbm>>) target_semaphore(%arg8 : memref<!tpu.dma_semaphore, #tpu.memory_space<semaphore_mem>>)
        %add3A_436 = arith.constant 2 : i32
        %add3A_437 = arith.addi %mul3A_372, %add3A_436 : i32
        %mul3A_438 = arith.constant 128 : i32
        %mul3A_439 = arith.muli %add3A_437, %mul3A_438 : i32
        %dma_wait3A_440 = arith.constant 2 : i32
        %dma_wait3A_441 = arith.constant 0 : i32
        %dma_wait3A_442 = arith.constant 0 : i32
        %dma_wait3A_443 = tpu.memref_slice %arg6[%dma_wait3A_440, %dma_wait3A_441, %dma_wait3A_442] : memref<4x128x128xf32, #tpu.memory_space<vmem>> -> memref<1x128x128xf32, #tpu.memory_space<vmem>>
        %dma_wait3A_444 = tpu.memref_squeeze %dma_wait3A_443 : memref<1x128x128xf32, #tpu.memory_space<vmem>> -> memref<128x128xf32, #tpu.memory_space<vmem>>
        %dma_wait3A_445 = tpu.memref_slice %arg5[%mul3A_439] : memref<3856xi32, #tpu.memory_space<vmem>> -> memref<128xi32, #tpu.memory_space<vmem>>
        %dma_wait3A_446 = arith.constant 0 : i32
        %dma_wait3A_447 = arith.constant 0 : i32
        %dma_wait3A_448 = tpu.memref_slice %arg3[%dma_wait3A_446, %dma_wait3A_447] : memref<100000x128xf32, #tpu.memory_space<hbm>> -> memref<100000x128xf32, #tpu.memory_space<hbm>>
        tpu.wait_indirect_dma semaphore(%arg7 : memref<!tpu.dma_semaphore, #tpu.memory_space<semaphore_mem>>) src(%dma_wait3A_448 : memref<100000x128xf32, #tpu.memory_space<hbm>>) dst(%dma_wait3A_444 : memref<128x128xf32, #tpu.memory_space<vmem>>)
        %add3A_449 = arith.constant 2 : i32
        %add3A_450 = arith.addi %mul3A_372, %add3A_449 : i32
        %mul3A_451 = arith.constant 128 : i32
        %mul3A_452 = arith.muli %add3A_450, %mul3A_451 : i32
        %add3A_453 = arith.constant 97576 : i32
        %add3A_454 = arith.addi %add3A_453, %mul3A_452 : i32
        %dma_start3A_455 = arith.constant 2 : i32
        %dma_start3A_456 = arith.constant 0 : i32
        %dma_start3A_457 = arith.constant 0 : i32
        %dma_start3A_458 = tpu.memref_slice %arg6[%dma_start3A_455, %dma_start3A_456, %dma_start3A_457] : memref<4x128x128xf32, #tpu.memory_space<vmem>> -> memref<1x128x128xf32, #tpu.memory_space<vmem>>
        %dma_start3A_459 = tpu.memref_squeeze %dma_start3A_458 : memref<1x128x128xf32, #tpu.memory_space<vmem>> -> memref<128x128xf32, #tpu.memory_space<vmem>>
        %dma_start3A_460 = arith.constant 0 : i32
        %dma_start3A_461 = tpu.memref_slice %arg4[%add3A_454, %dma_start3A_460] : memref<100000x128xf32, #tpu.memory_space<hbm>> -> memref<128x128xf32, #tpu.memory_space<hbm>>
        %dma_start3A_462 = arith.constant 0 : i32
        %dma_start3A_463 = tpu.memref_slice %arg4[%add3A_454, %dma_start3A_462] : memref<100000x128xf32, #tpu.memory_space<hbm>> -> memref<128x128xf32, #tpu.memory_space<hbm>>
        %dma_start3A_464 = arith.constant 0 : i32
        %dma_start3A_465 = arith.constant 0 : i32
        %dma_start3A_466 = tpu.memref_slice %arg6[%dma_start3A_455, %dma_start3A_464, %dma_start3A_465] : memref<4x128x128xf32, #tpu.memory_space<vmem>> -> memref<1x128x128xf32, #tpu.memory_space<vmem>>
        %dma_start3A_467 = tpu.memref_squeeze %dma_start3A_466 : memref<1x128x128xf32, #tpu.memory_space<vmem>> -> memref<128x128xf32, #tpu.memory_space<vmem>>
        tpu.enqueue_dma source(%dma_start3A_467 : memref<128x128xf32, #tpu.memory_space<vmem>>) target(%dma_start3A_463 : memref<128x128xf32, #tpu.memory_space<hbm>>) target_semaphore(%arg8 : memref<!tpu.dma_semaphore, #tpu.memory_space<semaphore_mem>>)
        %add3A_468 = arith.constant 3 : i32
        %add3A_469 = arith.addi %mul3A_372, %add3A_468 : i32
        %mul3A_470 = arith.constant 128 : i32
        %mul3A_471 = arith.muli %add3A_469, %mul3A_470 : i32
        %dma_wait3A_472 = arith.constant 3 : i32
        %dma_wait3A_473 = arith.constant 0 : i32
        %dma_wait3A_474 = arith.constant 0 : i32
        %dma_wait3A_475 = tpu.memref_slice %arg6[%dma_wait3A_472, %dma_wait3A_473, %dma_wait3A_474] : memref<4x128x128xf32, #tpu.memory_space<vmem>> -> memref<1x128x128xf32, #tpu.memory_space<vmem>>
        %dma_wait3A_476 = tpu.memref_squeeze %dma_wait3A_475 : memref<1x128x128xf32, #tpu.memory_space<vmem>> -> memref<128x128xf32, #tpu.memory_space<vmem>>
        %dma_wait3A_477 = tpu.memref_slice %arg5[%mul3A_471] : memref<3856xi32, #tpu.memory_space<vmem>> -> memref<128xi32, #tpu.memory_space<vmem>>
        %dma_wait3A_478 = arith.constant 0 : i32
        %dma_wait3A_479 = arith.constant 0 : i32
        %dma_wait3A_480 = tpu.memref_slice %arg3[%dma_wait3A_478, %dma_wait3A_479] : memref<100000x128xf32, #tpu.memory_space<hbm>> -> memref<100000x128xf32, #tpu.memory_space<hbm>>
        tpu.wait_indirect_dma semaphore(%arg7 : memref<!tpu.dma_semaphore, #tpu.memory_space<semaphore_mem>>) src(%dma_wait3A_480 : memref<100000x128xf32, #tpu.memory_space<hbm>>) dst(%dma_wait3A_476 : memref<128x128xf32, #tpu.memory_space<vmem>>)
        %add3A_481 = arith.constant 3 : i32
        %add3A_482 = arith.addi %mul3A_372, %add3A_481 : i32
        %mul3A_483 = arith.constant 128 : i32
        %mul3A_484 = arith.muli %add3A_482, %mul3A_483 : i32
        %add3A_485 = arith.constant 97576 : i32
        %add3A_486 = arith.addi %add3A_485, %mul3A_484 : i32
        %dma_start3A_487 = arith.constant 3 : i32
        %dma_start3A_488 = arith.constant 0 : i32
        %dma_start3A_489 = arith.constant 0 : i32
        %dma_start3A_490 = tpu.memref_slice %arg6[%dma_start3A_487, %dma_start3A_488, %dma_start3A_489] : memref<4x128x128xf32, #tpu.memory_space<vmem>> -> memref<1x128x128xf32, #tpu.memory_space<vmem>>
        %dma_start3A_491 = tpu.memref_squeeze %dma_start3A_490 : memref<1x128x128xf32, #tpu.memory_space<vmem>> -> memref<128x128xf32, #tpu.memory_space<vmem>>
        %dma_start3A_492 = arith.constant 0 : i32
        %dma_start3A_493 = tpu.memref_slice %arg4[%add3A_486, %dma_start3A_492] : memref<100000x128xf32, #tpu.memory_space<hbm>> -> memref<128x128xf32, #tpu.memory_space<hbm>>
        %dma_start3A_494 = arith.constant 0 : i32
        %dma_start3A_495 = tpu.memref_slice %arg4[%add3A_486, %dma_start3A_494] : memref<100000x128xf32, #tpu.memory_space<hbm>> -> memref<128x128xf32, #tpu.memory_space<hbm>>
        %dma_start3A_496 = arith.constant 0 : i32
        %dma_start3A_497 = arith.constant 0 : i32
        %dma_start3A_498 = tpu.memref_slice %arg6[%dma_start3A_487, %dma_start3A_496, %dma_start3A_497] : memref<4x128x128xf32, #tpu.memory_space<vmem>> -> memref<1x128x128xf32, #tpu.memory_space<vmem>>
        %dma_start3A_499 = tpu.memref_squeeze %dma_start3A_498 : memref<1x128x128xf32, #tpu.memory_space<vmem>> -> memref<128x128xf32, #tpu.memory_space<vmem>>
        tpu.enqueue_dma source(%dma_start3A_499 : memref<128x128xf32, #tpu.memory_space<vmem>>) target(%dma_start3A_495 : memref<128x128xf32, #tpu.memory_space<hbm>>) target_semaphore(%arg8 : memref<!tpu.dma_semaphore, #tpu.memory_space<semaphore_mem>>)
        %add3A_500 = arith.constant 0 : i32
        %add3A_501 = arith.addi %mul3A_372, %add3A_500 : i32
        %mul3A_502 = arith.constant 128 : i32
        %mul3A_503 = arith.muli %add3A_501, %mul3A_502 : i32
        %add3A_504 = arith.constant 97576 : i32
        %add3A_505 = arith.addi %add3A_504, %mul3A_503 : i32
        %dma_wait3A_506 = arith.constant 0 : i32
        %dma_wait3A_507 = arith.constant 0 : i32
        %dma_wait3A_508 = arith.constant 0 : i32
        %dma_wait3A_509 = tpu.memref_slice %arg6[%dma_wait3A_506, %dma_wait3A_507, %dma_wait3A_508] : memref<4x128x128xf32, #tpu.memory_space<vmem>> -> memref<1x128x128xf32, #tpu.memory_space<vmem>>
        %dma_wait3A_510 = tpu.memref_squeeze %dma_wait3A_509 : memref<1x128x128xf32, #tpu.memory_space<vmem>> -> memref<128x128xf32, #tpu.memory_space<vmem>>
        %dma_wait3A_511 = arith.constant 0 : i32
        %dma_wait3A_512 = tpu.memref_slice %arg4[%add3A_505, %dma_wait3A_511] : memref<100000x128xf32, #tpu.memory_space<hbm>> -> memref<128x128xf32, #tpu.memory_space<hbm>>
        %dma_wait3A_513 = arith.constant 0 : i32
        %dma_wait3A_514 = tpu.memref_slice %arg4[%add3A_505, %dma_wait3A_513] : memref<100000x128xf32, #tpu.memory_space<hbm>> -> memref<128x128xf32, #tpu.memory_space<hbm>>
        %dma_wait3A_515 = arith.constant 0 : i32
        %dma_wait3A_516 = arith.constant 0 : i32
        %dma_wait3A_517 = tpu.memref_slice %arg6[%dma_wait3A_506, %dma_wait3A_515, %dma_wait3A_516] : memref<4x128x128xf32, #tpu.memory_space<vmem>> -> memref<1x128x128xf32, #tpu.memory_space<vmem>>
        %dma_wait3A_518 = tpu.memref_squeeze %dma_wait3A_517 : memref<1x128x128xf32, #tpu.memory_space<vmem>> -> memref<128x128xf32, #tpu.memory_space<vmem>>
        tpu.wait_dma2 semaphore(%arg8 : memref<!tpu.dma_semaphore, #tpu.memory_space<semaphore_mem>>) src(%dma_wait3A_518 : memref<128x128xf32, #tpu.memory_space<vmem>>) dst(%dma_wait3A_514 : memref<128x128xf32, #tpu.memory_space<hbm>>)
        %add3A_519 = arith.constant 4 : i32
        %add3A_520 = arith.addi %mul3A_372, %add3A_519 : i32
        %add3A_521 = arith.constant 0 : i32
        %add3A_522 = arith.addi %add3A_520, %add3A_521 : i32
        %mul3A_523 = arith.constant 128 : i32
        %mul3A_524 = arith.muli %add3A_522, %mul3A_523 : i32
        %dma_start3A_525 = arith.constant 0 : i32
        %dma_start3A_526 = arith.constant 0 : i32
        %dma_start3A_527 = arith.constant 0 : i32
        %dma_start3A_528 = tpu.memref_slice %arg6[%dma_start3A_525, %dma_start3A_526, %dma_start3A_527] : memref<4x128x128xf32, #tpu.memory_space<vmem>> -> memref<1x128x128xf32, #tpu.memory_space<vmem>>
        %dma_start3A_529 = tpu.memref_squeeze %dma_start3A_528 : memref<1x128x128xf32, #tpu.memory_space<vmem>> -> memref<128x128xf32, #tpu.memory_space<vmem>>
        %dma_start3A_530 = tpu.memref_slice %arg5[%mul3A_524] : memref<3856xi32, #tpu.memory_space<vmem>> -> memref<128xi32, #tpu.memory_space<vmem>>
        %dma_start3A_531 = arith.constant 0 : i32
        %dma_start3A_532 = arith.constant 0 : i32
        %dma_start3A_533 = tpu.memref_slice %arg3[%dma_start3A_531, %dma_start3A_532] : memref<100000x128xf32, #tpu.memory_space<hbm>> -> memref<100000x128xf32, #tpu.memory_space<hbm>>
        tpu.enqueue_indirect_dma source(%dma_start3A_533 : memref<100000x128xf32, #tpu.memory_space<hbm>>) target(%dma_start3A_529 : memref<128x128xf32, #tpu.memory_space<vmem>>) offsets(%dma_start3A_530 : memref<128xi32, #tpu.memory_space<vmem>>) semaphore(%arg7 : memref<!tpu.dma_semaphore, #tpu.memory_space<semaphore_mem>>)
        %add3A_534 = arith.constant 1 : i32
        %add3A_535 = arith.addi %mul3A_372, %add3A_534 : i32
        %mul3A_536 = arith.constant 128 : i32
        %mul3A_537 = arith.muli %add3A_535, %mul3A_536 : i32
        %add3A_538 = arith.constant 97576 : i32
        %add3A_539 = arith.addi %add3A_538, %mul3A_537 : i32
        %dma_wait3A_540 = arith.constant 1 : i32
        %dma_wait3A_541 = arith.constant 0 : i32
        %dma_wait3A_542 = arith.constant 0 : i32
        %dma_wait3A_543 = tpu.memref_slice %arg6[%dma_wait3A_540, %dma_wait3A_541, %dma_wait3A_542] : memref<4x128x128xf32, #tpu.memory_space<vmem>> -> memref<1x128x128xf32, #tpu.memory_space<vmem>>
        %dma_wait3A_544 = tpu.memref_squeeze %dma_wait3A_543 : memref<1x128x128xf32, #tpu.memory_space<vmem>> -> memref<128x128xf32, #tpu.memory_space<vmem>>
        %dma_wait3A_545 = arith.constant 0 : i32
        %dma_wait3A_546 = tpu.memref_slice %arg4[%add3A_539, %dma_wait3A_545] : memref<100000x128xf32, #tpu.memory_space<hbm>> -> memref<128x128xf32, #tpu.memory_space<hbm>>
        %dma_wait3A_547 = arith.constant 0 : i32
        %dma_wait3A_548 = tpu.memref_slice %arg4[%add3A_539, %dma_wait3A_547] : memref<100000x128xf32, #tpu.memory_space<hbm>> -> memref<128x128xf32, #tpu.memory_space<hbm>>
        %dma_wait3A_549 = arith.constant 0 : i32
        %dma_wait3A_550 = arith.constant 0 : i32
        %dma_wait3A_551 = tpu.memref_slice %arg6[%dma_wait3A_540, %dma_wait3A_549, %dma_wait3A_550] : memref<4x128x128xf32, #tpu.memory_space<vmem>> -> memref<1x128x128xf32, #tpu.memory_space<vmem>>
        %dma_wait3A_552 = tpu.memref_squeeze %dma_wait3A_551 : memref<1x128x128xf32, #tpu.memory_space<vmem>> -> memref<128x128xf32, #tpu.memory_space<vmem>>
        tpu.wait_dma2 semaphore(%arg8 : memref<!tpu.dma_semaphore, #tpu.memory_space<semaphore_mem>>) src(%dma_wait3A_552 : memref<128x128xf32, #tpu.memory_space<vmem>>) dst(%dma_wait3A_548 : memref<128x128xf32, #tpu.memory_space<hbm>>)
        %add3A_553 = arith.constant 4 : i32
        %add3A_554 = arith.addi %mul3A_372, %add3A_553 : i32
        %add3A_555 = arith.constant 1 : i32
        %add3A_556 = arith.addi %add3A_554, %add3A_555 : i32
        %mul3A_557 = arith.constant 128 : i32
        %mul3A_558 = arith.muli %add3A_556, %mul3A_557 : i32
        %dma_start3A_559 = arith.constant 1 : i32
        %dma_start3A_560 = arith.constant 0 : i32
        %dma_start3A_561 = arith.constant 0 : i32
        %dma_start3A_562 = tpu.memref_slice %arg6[%dma_start3A_559, %dma_start3A_560, %dma_start3A_561] : memref<4x128x128xf32, #tpu.memory_space<vmem>> -> memref<1x128x128xf32, #tpu.memory_space<vmem>>
        %dma_start3A_563 = tpu.memref_squeeze %dma_start3A_562 : memref<1x128x128xf32, #tpu.memory_space<vmem>> -> memref<128x128xf32, #tpu.memory_space<vmem>>
        %dma_start3A_564 = tpu.memref_slice %arg5[%mul3A_558] : memref<3856xi32, #tpu.memory_space<vmem>> -> memref<128xi32, #tpu.memory_space<vmem>>
        %dma_start3A_565 = arith.constant 0 : i32
        %dma_start3A_566 = arith.constant 0 : i32
        %dma_start3A_567 = tpu.memref_slice %arg3[%dma_start3A_565, %dma_start3A_566] : memref<100000x128xf32, #tpu.memory_space<hbm>> -> memref<100000x128xf32, #tpu.memory_space<hbm>>
        tpu.enqueue_indirect_dma source(%dma_start3A_567 : memref<100000x128xf32, #tpu.memory_space<hbm>>) target(%dma_start3A_563 : memref<128x128xf32, #tpu.memory_space<vmem>>) offsets(%dma_start3A_564 : memref<128xi32, #tpu.memory_space<vmem>>) semaphore(%arg7 : memref<!tpu.dma_semaphore, #tpu.memory_space<semaphore_mem>>)
        %add3A_568 = arith.constant 2 : i32
        %add3A_569 = arith.addi %mul3A_372, %add3A_568 : i32
        %mul3A_570 = arith.constant 128 : i32
        %mul3A_571 = arith.muli %add3A_569, %mul3A_570 : i32
        %add3A_572 = arith.constant 97576 : i32
        %add3A_573 = arith.addi %add3A_572, %mul3A_571 : i32
        %dma_wait3A_574 = arith.constant 2 : i32
        %dma_wait3A_575 = arith.constant 0 : i32
        %dma_wait3A_576 = arith.constant 0 : i32
        %dma_wait3A_577 = tpu.memref_slice %arg6[%dma_wait3A_574, %dma_wait3A_575, %dma_wait3A_576] : memref<4x128x128xf32, #tpu.memory_space<vmem>> -> memref<1x128x128xf32, #tpu.memory_space<vmem>>
        %dma_wait3A_578 = tpu.memref_squeeze %dma_wait3A_577 : memref<1x128x128xf32, #tpu.memory_space<vmem>> -> memref<128x128xf32, #tpu.memory_space<vmem>>
        %dma_wait3A_579 = arith.constant 0 : i32
        %dma_wait3A_580 = tpu.memref_slice %arg4[%add3A_573, %dma_wait3A_579] : memref<100000x128xf32, #tpu.memory_space<hbm>> -> memref<128x128xf32, #tpu.memory_space<hbm>>
        %dma_wait3A_581 = arith.constant 0 : i32
        %dma_wait3A_582 = tpu.memref_slice %arg4[%add3A_573, %dma_wait3A_581] : memref<100000x128xf32, #tpu.memory_space<hbm>> -> memref<128x128xf32, #tpu.memory_space<hbm>>
        %dma_wait3A_583 = arith.constant 0 : i32
        %dma_wait3A_584 = arith.constant 0 : i32
        %dma_wait3A_585 = tpu.memref_slice %arg6[%dma_wait3A_574, %dma_wait3A_583, %dma_wait3A_584] : memref<4x128x128xf32, #tpu.memory_space<vmem>> -> memref<1x128x128xf32, #tpu.memory_space<vmem>>
        %dma_wait3A_586 = tpu.memref_squeeze %dma_wait3A_585 : memref<1x128x128xf32, #tpu.memory_space<vmem>> -> memref<128x128xf32, #tpu.memory_space<vmem>>
        tpu.wait_dma2 semaphore(%arg8 : memref<!tpu.dma_semaphore, #tpu.memory_space<semaphore_mem>>) src(%dma_wait3A_586 : memref<128x128xf32, #tpu.memory_space<vmem>>) dst(%dma_wait3A_582 : memref<128x128xf32, #tpu.memory_space<hbm>>)
        %add3A_587 = arith.constant 4 : i32
        %add3A_588 = arith.addi %mul3A_372, %add3A_587 : i32
        %add3A_589 = arith.constant 2 : i32
        %add3A_590 = arith.addi %add3A_588, %add3A_589 : i32
        %mul3A_591 = arith.constant 128 : i32
        %mul3A_592 = arith.muli %add3A_590, %mul3A_591 : i32
        %dma_start3A_593 = arith.constant 2 : i32
        %dma_start3A_594 = arith.constant 0 : i32
        %dma_start3A_595 = arith.constant 0 : i32
        %dma_start3A_596 = tpu.memref_slice %arg6[%dma_start3A_593, %dma_start3A_594, %dma_start3A_595] : memref<4x128x128xf32, #tpu.memory_space<vmem>> -> memref<1x128x128xf32, #tpu.memory_space<vmem>>
        %dma_start3A_597 = tpu.memref_squeeze %dma_start3A_596 : memref<1x128x128xf32, #tpu.memory_space<vmem>> -> memref<128x128xf32, #tpu.memory_space<vmem>>
        %dma_start3A_598 = tpu.memref_slice %arg5[%mul3A_592] : memref<3856xi32, #tpu.memory_space<vmem>> -> memref<128xi32, #tpu.memory_space<vmem>>
        %dma_start3A_599 = arith.constant 0 : i32
        %dma_start3A_600 = arith.constant 0 : i32
        %dma_start3A_601 = tpu.memref_slice %arg3[%dma_start3A_599, %dma_start3A_600] : memref<100000x128xf32, #tpu.memory_space<hbm>> -> memref<100000x128xf32, #tpu.memory_space<hbm>>
        tpu.enqueue_indirect_dma source(%dma_start3A_601 : memref<100000x128xf32, #tpu.memory_space<hbm>>) target(%dma_start3A_597 : memref<128x128xf32, #tpu.memory_space<vmem>>) offsets(%dma_start3A_598 : memref<128xi32, #tpu.memory_space<vmem>>) semaphore(%arg7 : memref<!tpu.dma_semaphore, #tpu.memory_space<semaphore_mem>>)
        %add3A_602 = arith.constant 3 : i32
        %add3A_603 = arith.addi %mul3A_372, %add3A_602 : i32
        %mul3A_604 = arith.constant 128 : i32
        %mul3A_605 = arith.muli %add3A_603, %mul3A_604 : i32
        %add3A_606 = arith.constant 97576 : i32
        %add3A_607 = arith.addi %add3A_606, %mul3A_605 : i32
        %dma_wait3A_608 = arith.constant 3 : i32
        %dma_wait3A_609 = arith.constant 0 : i32
        %dma_wait3A_610 = arith.constant 0 : i32
        %dma_wait3A_611 = tpu.memref_slice %arg6[%dma_wait3A_608, %dma_wait3A_609, %dma_wait3A_610] : memref<4x128x128xf32, #tpu.memory_space<vmem>> -> memref<1x128x128xf32, #tpu.memory_space<vmem>>
        %dma_wait3A_612 = tpu.memref_squeeze %dma_wait3A_611 : memref<1x128x128xf32, #tpu.memory_space<vmem>> -> memref<128x128xf32, #tpu.memory_space<vmem>>
        %dma_wait3A_613 = arith.constant 0 : i32
        %dma_wait3A_614 = tpu.memref_slice %arg4[%add3A_607, %dma_wait3A_613] : memref<100000x128xf32, #tpu.memory_space<hbm>> -> memref<128x128xf32, #tpu.memory_space<hbm>>
        %dma_wait3A_615 = arith.constant 0 : i32
        %dma_wait3A_616 = tpu.memref_slice %arg4[%add3A_607, %dma_wait3A_615] : memref<100000x128xf32, #tpu.memory_space<hbm>> -> memref<128x128xf32, #tpu.memory_space<hbm>>
        %dma_wait3A_617 = arith.constant 0 : i32
        %dma_wait3A_618 = arith.constant 0 : i32
        %dma_wait3A_619 = tpu.memref_slice %arg6[%dma_wait3A_608, %dma_wait3A_617, %dma_wait3A_618] : memref<4x128x128xf32, #tpu.memory_space<vmem>> -> memref<1x128x128xf32, #tpu.memory_space<vmem>>
        %dma_wait3A_620 = tpu.memref_squeeze %dma_wait3A_619 : memref<1x128x128xf32, #tpu.memory_space<vmem>> -> memref<128x128xf32, #tpu.memory_space<vmem>>
        tpu.wait_dma2 semaphore(%arg8 : memref<!tpu.dma_semaphore, #tpu.memory_space<semaphore_mem>>) src(%dma_wait3A_620 : memref<128x128xf32, #tpu.memory_space<vmem>>) dst(%dma_wait3A_616 : memref<128x128xf32, #tpu.memory_space<hbm>>)
        %add3A_621 = arith.constant 4 : i32
        %add3A_622 = arith.addi %mul3A_372, %add3A_621 : i32
        %add3A_623 = arith.constant 3 : i32
        %add3A_624 = arith.addi %add3A_622, %add3A_623 : i32
        %mul3A_625 = arith.constant 128 : i32
        %mul3A_626 = arith.muli %add3A_624, %mul3A_625 : i32
        %dma_start3A_627 = arith.constant 3 : i32
        %dma_start3A_628 = arith.constant 0 : i32
        %dma_start3A_629 = arith.constant 0 : i32
        %dma_start3A_630 = tpu.memref_slice %arg6[%dma_start3A_627, %dma_start3A_628, %dma_start3A_629] : memref<4x128x128xf32, #tpu.memory_space<vmem>> -> memref<1x128x128xf32, #tpu.memory_space<vmem>>
        %dma_start3A_631 = tpu.memref_squeeze %dma_start3A_630 : memref<1x128x128xf32, #tpu.memory_space<vmem>> -> memref<128x128xf32, #tpu.memory_space<vmem>>
        %dma_start3A_632 = tpu.memref_slice %arg5[%mul3A_626] : memref<3856xi32, #tpu.memory_space<vmem>> -> memref<128xi32, #tpu.memory_space<vmem>>
        %dma_start3A_633 = arith.constant 0 : i32
        %dma_start3A_634 = arith.constant 0 : i32
        %dma_start3A_635 = tpu.memref_slice %arg3[%dma_start3A_633, %dma_start3A_634] : memref<100000x128xf32, #tpu.memory_space<hbm>> -> memref<100000x128xf32, #tpu.memory_space<hbm>>
        tpu.enqueue_indirect_dma source(%dma_start3A_635 : memref<100000x128xf32, #tpu.memory_space<hbm>>) target(%dma_start3A_631 : memref<128x128xf32, #tpu.memory_space<vmem>>) offsets(%dma_start3A_632 : memref<128xi32, #tpu.memory_space<vmem>>) semaphore(%arg7 : memref<!tpu.dma_semaphore, #tpu.memory_space<semaphore_mem>>)
        %scan3A_636 = arith.constant 0 : i32
        scf.yield %scan3A_636 : i32
      }
      %scan3A_60 = arith.constant 3 : i32
      %dma_wait3A = arith.constant 0 : i32
      %dma_wait3A_61 = arith.constant 0 : i32
      %dma_wait3A_62 = arith.constant 0 : i32
      %dma_wait3A_63 = tpu.memref_slice %arg6[%dma_wait3A, %dma_wait3A_61, %dma_wait3A_62] : memref<4x128x128xf32, #tpu.memory_space<vmem>> -> memref<1x128x128xf32, #tpu.memory_space<vmem>>
      %dma_wait3A_64 = tpu.memref_squeeze %dma_wait3A_63 : memref<1x128x128xf32, #tpu.memory_space<vmem>> -> memref<128x128xf32, #tpu.memory_space<vmem>>
      %dma_wait3A_65 = arith.constant 1536 : i32
      %dma_wait3A_66 = tpu.memref_slice %arg5[%dma_wait3A_65] : memref<3856xi32, #tpu.memory_space<vmem>> -> memref<128xi32, #tpu.memory_space<vmem>>
      %dma_wait3A_67 = arith.constant 0 : i32
      %dma_wait3A_68 = arith.constant 0 : i32
      %dma_wait3A_69 = tpu.memref_slice %arg3[%dma_wait3A_67, %dma_wait3A_68] : memref<100000x128xf32, #tpu.memory_space<hbm>> -> memref<100000x128xf32, #tpu.memory_space<hbm>>
      tpu.wait_indirect_dma semaphore(%arg7 : memref<!tpu.dma_semaphore, #tpu.memory_space<semaphore_mem>>) src(%dma_wait3A_69 : memref<100000x128xf32, #tpu.memory_space<hbm>>) dst(%dma_wait3A_64 : memref<128x128xf32, #tpu.memory_space<vmem>>)
      %dma_start3A_70 = arith.constant 0 : i32
      %dma_start3A_71 = arith.constant 0 : i32
      %dma_start3A_72 = arith.constant 0 : i32
      %dma_start3A_73 = tpu.memref_slice %arg6[%dma_start3A_70, %dma_start3A_71, %dma_start3A_72] : memref<4x128x128xf32, #tpu.memory_space<vmem>> -> memref<1x128x128xf32, #tpu.memory_space<vmem>>
      %dma_start3A_74 = tpu.memref_squeeze %dma_start3A_73 : memref<1x128x128xf32, #tpu.memory_space<vmem>> -> memref<128x128xf32, #tpu.memory_space<vmem>>
      %dma_start3A_75 = arith.constant 99112 : i32
      %dma_start3A_76 = arith.constant 0 : i32
      %dma_start3A_77 = tpu.memref_slice %arg4[%dma_start3A_75, %dma_start3A_76] : memref<100000x128xf32, #tpu.memory_space<hbm>> -> memref<128x128xf32, #tpu.memory_space<hbm>>
      %dma_start3A_78 = arith.constant 99112 : i32
      %dma_start3A_79 = arith.constant 0 : i32
      %dma_start3A_80 = tpu.memref_slice %arg4[%dma_start3A_78, %dma_start3A_79] : memref<100000x128xf32, #tpu.memory_space<hbm>> -> memref<128x128xf32, #tpu.memory_space<hbm>>
      %dma_start3A_81 = arith.constant 0 : i32
      %dma_start3A_82 = arith.constant 0 : i32
      %dma_start3A_83 = tpu.memref_slice %arg6[%dma_start3A_70, %dma_start3A_81, %dma_start3A_82] : memref<4x128x128xf32, #tpu.memory_space<vmem>> -> memref<1x128x128xf32, #tpu.memory_space<vmem>>
      %dma_start3A_84 = tpu.memref_squeeze %dma_start3A_83 : memref<1x128x128xf32, #tpu.memory_space<vmem>> -> memref<128x128xf32, #tpu.memory_space<vmem>>
      tpu.enqueue_dma source(%dma_start3A_84 : memref<128x128xf32, #tpu.memory_space<vmem>>) target(%dma_start3A_80 : memref<128x128xf32, #tpu.memory_space<hbm>>) target_semaphore(%arg8 : memref<!tpu.dma_semaphore, #tpu.memory_space<semaphore_mem>>)
      %dma_wait3A_85 = arith.constant 1 : i32
      %dma_wait3A_86 = arith.constant 0 : i32
      %dma_wait3A_87 = arith.constant 0 : i32
      %dma_wait3A_88 = tpu.memref_slice %arg6[%dma_wait3A_85, %dma_wait3A_86, %dma_wait3A_87] : memref<4x128x128xf32, #tpu.memory_space<vmem>> -> memref<1x128x128xf32, #tpu.memory_space<vmem>>
      %dma_wait3A_89 = tpu.memref_squeeze %dma_wait3A_88 : memref<1x128x128xf32, #tpu.memory_space<vmem>> -> memref<128x128xf32, #tpu.memory_space<vmem>>
      %dma_wait3A_90 = arith.constant 1664 : i32
      %dma_wait3A_91 = tpu.memref_slice %arg5[%dma_wait3A_90] : memref<3856xi32, #tpu.memory_space<vmem>> -> memref<128xi32, #tpu.memory_space<vmem>>
      %dma_wait3A_92 = arith.constant 0 : i32
      %dma_wait3A_93 = arith.constant 0 : i32
      %dma_wait3A_94 = tpu.memref_slice %arg3[%dma_wait3A_92, %dma_wait3A_93] : memref<100000x128xf32, #tpu.memory_space<hbm>> -> memref<100000x128xf32, #tpu.memory_space<hbm>>
      tpu.wait_indirect_dma semaphore(%arg7 : memref<!tpu.dma_semaphore, #tpu.memory_space<semaphore_mem>>) src(%dma_wait3A_94 : memref<100000x128xf32, #tpu.memory_space<hbm>>) dst(%dma_wait3A_89 : memref<128x128xf32, #tpu.memory_space<vmem>>)
      %dma_start3A_95 = arith.constant 1 : i32
      %dma_start3A_96 = arith.constant 0 : i32
      %dma_start3A_97 = arith.constant 0 : i32
      %dma_start3A_98 = tpu.memref_slice %arg6[%dma_start3A_95, %dma_start3A_96, %dma_start3A_97] : memref<4x128x128xf32, #tpu.memory_space<vmem>> -> memref<1x128x128xf32, #tpu.memory_space<vmem>>
      %dma_start3A_99 = tpu.memref_squeeze %dma_start3A_98 : memref<1x128x128xf32, #tpu.memory_space<vmem>> -> memref<128x128xf32, #tpu.memory_space<vmem>>
      %dma_start3A_100 = arith.constant 99240 : i32
      %dma_start3A_101 = arith.constant 0 : i32
      %dma_start3A_102 = tpu.memref_slice %arg4[%dma_start3A_100, %dma_start3A_101] : memref<100000x128xf32, #tpu.memory_space<hbm>> -> memref<128x128xf32, #tpu.memory_space<hbm>>
      %dma_start3A_103 = arith.constant 99240 : i32
      %dma_start3A_104 = arith.constant 0 : i32
      %dma_start3A_105 = tpu.memref_slice %arg4[%dma_start3A_103, %dma_start3A_104] : memref<100000x128xf32, #tpu.memory_space<hbm>> -> memref<128x128xf32, #tpu.memory_space<hbm>>
      %dma_start3A_106 = arith.constant 0 : i32
      %dma_start3A_107 = arith.constant 0 : i32
      %dma_start3A_108 = tpu.memref_slice %arg6[%dma_start3A_95, %dma_start3A_106, %dma_start3A_107] : memref<4x128x128xf32, #tpu.memory_space<vmem>> -> memref<1x128x128xf32, #tpu.memory_space<vmem>>
      %dma_start3A_109 = tpu.memref_squeeze %dma_start3A_108 : memref<1x128x128xf32, #tpu.memory_space<vmem>> -> memref<128x128xf32, #tpu.memory_space<vmem>>
      tpu.enqueue_dma source(%dma_start3A_109 : memref<128x128xf32, #tpu.memory_space<vmem>>) target(%dma_start3A_105 : memref<128x128xf32, #tpu.memory_space<hbm>>) target_semaphore(%arg8 : memref<!tpu.dma_semaphore, #tpu.memory_space<semaphore_mem>>)
      %dma_wait3A_110 = arith.constant 2 : i32
      %dma_wait3A_111 = arith.constant 0 : i32
      %dma_wait3A_112 = arith.constant 0 : i32
      %dma_wait3A_113 = tpu.memref_slice %arg6[%dma_wait3A_110, %dma_wait3A_111, %dma_wait3A_112] : memref<4x128x128xf32, #tpu.memory_space<vmem>> -> memref<1x128x128xf32, #tpu.memory_space<vmem>>
      %dma_wait3A_114 = tpu.memref_squeeze %dma_wait3A_113 : memref<1x128x128xf32, #tpu.memory_space<vmem>> -> memref<128x128xf32, #tpu.memory_space<vmem>>
      %dma_wait3A_115 = arith.constant 1792 : i32
      %dma_wait3A_116 = tpu.memref_slice %arg5[%dma_wait3A_115] : memref<3856xi32, #tpu.memory_space<vmem>> -> memref<128xi32, #tpu.memory_space<vmem>>
      %dma_wait3A_117 = arith.constant 0 : i32
      %dma_wait3A_118 = arith.constant 0 : i32
      %dma_wait3A_119 = tpu.memref_slice %arg3[%dma_wait3A_117, %dma_wait3A_118] : memref<100000x128xf32, #tpu.memory_space<hbm>> -> memref<100000x128xf32, #tpu.memory_space<hbm>>
      tpu.wait_indirect_dma semaphore(%arg7 : memref<!tpu.dma_semaphore, #tpu.memory_space<semaphore_mem>>) src(%dma_wait3A_119 : memref<100000x128xf32, #tpu.memory_space<hbm>>) dst(%dma_wait3A_114 : memref<128x128xf32, #tpu.memory_space<vmem>>)
      %dma_start3A_120 = arith.constant 2 : i32
      %dma_start3A_121 = arith.constant 0 : i32
      %dma_start3A_122 = arith.constant 0 : i32
      %dma_start3A_123 = tpu.memref_slice %arg6[%dma_start3A_120, %dma_start3A_121, %dma_start3A_122] : memref<4x128x128xf32, #tpu.memory_space<vmem>> -> memref<1x128x128xf32, #tpu.memory_space<vmem>>
      %dma_start3A_124 = tpu.memref_squeeze %dma_start3A_123 : memref<1x128x128xf32, #tpu.memory_space<vmem>> -> memref<128x128xf32, #tpu.memory_space<vmem>>
      %dma_start3A_125 = arith.constant 99368 : i32
      %dma_start3A_126 = arith.constant 0 : i32
      %dma_start3A_127 = tpu.memref_slice %arg4[%dma_start3A_125, %dma_start3A_126] : memref<100000x128xf32, #tpu.memory_space<hbm>> -> memref<128x128xf32, #tpu.memory_space<hbm>>
      %dma_start3A_128 = arith.constant 99368 : i32
      %dma_start3A_129 = arith.constant 0 : i32
      %dma_start3A_130 = tpu.memref_slice %arg4[%dma_start3A_128, %dma_start3A_129] : memref<100000x128xf32, #tpu.memory_space<hbm>> -> memref<128x128xf32, #tpu.memory_space<hbm>>
      %dma_start3A_131 = arith.constant 0 : i32
      %dma_start3A_132 = arith.constant 0 : i32
      %dma_start3A_133 = tpu.memref_slice %arg6[%dma_start3A_120, %dma_start3A_131, %dma_start3A_132] : memref<4x128x128xf32, #tpu.memory_space<vmem>> -> memref<1x128x128xf32, #tpu.memory_space<vmem>>
      %dma_start3A_134 = tpu.memref_squeeze %dma_start3A_133 : memref<1x128x128xf32, #tpu.memory_space<vmem>> -> memref<128x128xf32, #tpu.memory_space<vmem>>
      tpu.enqueue_dma source(%dma_start3A_134 : memref<128x128xf32, #tpu.memory_space<vmem>>) target(%dma_start3A_130 : memref<128x128xf32, #tpu.memory_space<hbm>>) target_semaphore(%arg8 : memref<!tpu.dma_semaphore, #tpu.memory_space<semaphore_mem>>)
      %dma_wait3A_135 = arith.constant 3 : i32
      %dma_wait3A_136 = arith.constant 0 : i32
      %dma_wait3A_137 = arith.constant 0 : i32
      %dma_wait3A_138 = tpu.memref_slice %arg6[%dma_wait3A_135, %dma_wait3A_136, %dma_wait3A_137] : memref<4x128x128xf32, #tpu.memory_space<vmem>> -> memref<1x128x128xf32, #tpu.memory_space<vmem>>
      %dma_wait3A_139 = tpu.memref_squeeze %dma_wait3A_138 : memref<1x128x128xf32, #tpu.memory_space<vmem>> -> memref<128x128xf32, #tpu.memory_space<vmem>>
      %dma_wait3A_140 = arith.constant 1920 : i32
      %dma_wait3A_141 = tpu.memref_slice %arg5[%dma_wait3A_140] : memref<3856xi32, #tpu.memory_space<vmem>> -> memref<128xi32, #tpu.memory_space<vmem>>
      %dma_wait3A_142 = arith.constant 0 : i32
      %dma_wait3A_143 = arith.constant 0 : i32
      %dma_wait3A_144 = tpu.memref_slice %arg3[%dma_wait3A_142, %dma_wait3A_143] : memref<100000x128xf32, #tpu.memory_space<hbm>> -> memref<100000x128xf32, #tpu.memory_space<hbm>>
      tpu.wait_indirect_dma semaphore(%arg7 : memref<!tpu.dma_semaphore, #tpu.memory_space<semaphore_mem>>) src(%dma_wait3A_144 : memref<100000x128xf32, #tpu.memory_space<hbm>>) dst(%dma_wait3A_139 : memref<128x128xf32, #tpu.memory_space<vmem>>)
      %dma_start3A_145 = arith.constant 3 : i32
      %dma_start3A_146 = arith.constant 0 : i32
      %dma_start3A_147 = arith.constant 0 : i32
      %dma_start3A_148 = tpu.memref_slice %arg6[%dma_start3A_145, %dma_start3A_146, %dma_start3A_147] : memref<4x128x128xf32, #tpu.memory_space<vmem>> -> memref<1x128x128xf32, #tpu.memory_space<vmem>>
      %dma_start3A_149 = tpu.memref_squeeze %dma_start3A_148 : memref<1x128x128xf32, #tpu.memory_space<vmem>> -> memref<128x128xf32, #tpu.memory_space<vmem>>
      %dma_start3A_150 = arith.constant 99496 : i32
      %dma_start3A_151 = arith.constant 0 : i32
      %dma_start3A_152 = tpu.memref_slice %arg4[%dma_start3A_150, %dma_start3A_151] : memref<100000x128xf32, #tpu.memory_space<hbm>> -> memref<128x128xf32, #tpu.memory_space<hbm>>
      %dma_start3A_153 = arith.constant 99496 : i32
      %dma_start3A_154 = arith.constant 0 : i32
      %dma_start3A_155 = tpu.memref_slice %arg4[%dma_start3A_153, %dma_start3A_154] : memref<100000x128xf32, #tpu.memory_space<hbm>> -> memref<128x128xf32, #tpu.memory_space<hbm>>
      %dma_start3A_156 = arith.constant 0 : i32
      %dma_start3A_157 = arith.constant 0 : i32
      %dma_start3A_158 = tpu.memref_slice %arg6[%dma_start3A_145, %dma_start3A_156, %dma_start3A_157] : memref<4x128x128xf32, #tpu.memory_space<vmem>> -> memref<1x128x128xf32, #tpu.memory_space<vmem>>
      %dma_start3A_159 = tpu.memref_squeeze %dma_start3A_158 : memref<1x128x128xf32, #tpu.memory_space<vmem>> -> memref<128x128xf32, #tpu.memory_space<vmem>>
      tpu.enqueue_dma source(%dma_start3A_159 : memref<128x128xf32, #tpu.memory_space<vmem>>) target(%dma_start3A_155 : memref<128x128xf32, #tpu.memory_space<hbm>>) target_semaphore(%arg8 : memref<!tpu.dma_semaphore, #tpu.memory_space<semaphore_mem>>)
      %dma_wait3A_160 = arith.constant 0 : i32
      %dma_wait3A_161 = arith.constant 0 : i32
      %dma_wait3A_162 = arith.constant 0 : i32
      %dma_wait3A_163 = tpu.memref_slice %arg6[%dma_wait3A_160, %dma_wait3A_161, %dma_wait3A_162] : memref<4x128x128xf32, #tpu.memory_space<vmem>> -> memref<1x128x128xf32, #tpu.memory_space<vmem>>
      %dma_wait3A_164 = tpu.memref_squeeze %dma_wait3A_163 : memref<1x128x128xf32, #tpu.memory_space<vmem>> -> memref<128x128xf32, #tpu.memory_space<vmem>>
      %dma_wait3A_165 = arith.constant 99112 : i32
      %dma_wait3A_166 = arith.constant 0 : i32
      %dma_wait3A_167 = tpu.memref_slice %arg4[%dma_wait3A_165, %dma_wait3A_166] : memref<100000x128xf32, #tpu.memory_space<hbm>> -> memref<128x128xf32, #tpu.memory_space<hbm>>
      %dma_wait3A_168 = arith.constant 99112 : i32
      %dma_wait3A_169 = arith.constant 0 : i32
      %dma_wait3A_170 = tpu.memref_slice %arg4[%dma_wait3A_168, %dma_wait3A_169] : memref<100000x128xf32, #tpu.memory_space<hbm>> -> memref<128x128xf32, #tpu.memory_space<hbm>>
      %dma_wait3A_171 = arith.constant 0 : i32
      %dma_wait3A_172 = arith.constant 0 : i32
      %dma_wait3A_173 = tpu.memref_slice %arg6[%dma_wait3A_160, %dma_wait3A_171, %dma_wait3A_172] : memref<4x128x128xf32, #tpu.memory_space<vmem>> -> memref<1x128x128xf32, #tpu.memory_space<vmem>>
      %dma_wait3A_174 = tpu.memref_squeeze %dma_wait3A_173 : memref<1x128x128xf32, #tpu.memory_space<vmem>> -> memref<128x128xf32, #tpu.memory_space<vmem>>
      tpu.wait_dma2 semaphore(%arg8 : memref<!tpu.dma_semaphore, #tpu.memory_space<semaphore_mem>>) src(%dma_wait3A_174 : memref<128x128xf32, #tpu.memory_space<vmem>>) dst(%dma_wait3A_170 : memref<128x128xf32, #tpu.memory_space<hbm>>)
      %dma_start3A_175 = arith.constant 0 : i32
      %dma_start3A_176 = arith.constant 0 : i32
      %dma_start3A_177 = arith.constant 0 : i32
      %dma_start3A_178 = tpu.memref_slice %arg6[%dma_start3A_175, %dma_start3A_176, %dma_start3A_177] : memref<4x128x128xf32, #tpu.memory_space<vmem>> -> memref<1x128x128xf32, #tpu.memory_space<vmem>>
      %dma_start3A_179 = tpu.memref_squeeze %dma_start3A_178 : memref<1x128x128xf32, #tpu.memory_space<vmem>> -> memref<128x128xf32, #tpu.memory_space<vmem>>
      %dma_start3A_180 = arith.constant 2048 : i32
      %dma_start3A_181 = tpu.memref_slice %arg5[%dma_start3A_180] : memref<3856xi32, #tpu.memory_space<vmem>> -> memref<128xi32, #tpu.memory_space<vmem>>
      %dma_start3A_182 = arith.constant 0 : i32
      %dma_start3A_183 = arith.constant 0 : i32
      %dma_start3A_184 = tpu.memref_slice %arg3[%dma_start3A_182, %dma_start3A_183] : memref<100000x128xf32, #tpu.memory_space<hbm>> -> memref<100000x128xf32, #tpu.memory_space<hbm>>
      tpu.enqueue_indirect_dma source(%dma_start3A_184 : memref<100000x128xf32, #tpu.memory_space<hbm>>) target(%dma_start3A_179 : memref<128x128xf32, #tpu.memory_space<vmem>>) offsets(%dma_start3A_181 : memref<128xi32, #tpu.memory_space<vmem>>) semaphore(%arg7 : memref<!tpu.dma_semaphore, #tpu.memory_space<semaphore_mem>>)
      %dma_wait3A_185 = arith.constant 1 : i32
      %dma_wait3A_186 = arith.constant 0 : i32
      %dma_wait3A_187 = arith.constant 0 : i32
      %dma_wait3A_188 = tpu.memref_slice %arg6[%dma_wait3A_185, %dma_wait3A_186, %dma_wait3A_187] : memref<4x128x128xf32, #tpu.memory_space<vmem>> -> memref<1x128x128xf32, #tpu.memory_space<vmem>>
      %dma_wait3A_189 = tpu.memref_squeeze %dma_wait3A_188 : memref<1x128x128xf32, #tpu.memory_space<vmem>> -> memref<128x128xf32, #tpu.memory_space<vmem>>
      %dma_wait3A_190 = arith.constant 99240 : i32
      %dma_wait3A_191 = arith.constant 0 : i32
      %dma_wait3A_192 = tpu.memref_slice %arg4[%dma_wait3A_190, %dma_wait3A_191] : memref<100000x128xf32, #tpu.memory_space<hbm>> -> memref<128x128xf32, #tpu.memory_space<hbm>>
      %dma_wait3A_193 = arith.constant 99240 : i32
      %dma_wait3A_194 = arith.constant 0 : i32
      %dma_wait3A_195 = tpu.memref_slice %arg4[%dma_wait3A_193, %dma_wait3A_194] : memref<100000x128xf32, #tpu.memory_space<hbm>> -> memref<128x128xf32, #tpu.memory_space<hbm>>
      %dma_wait3A_196 = arith.constant 0 : i32
      %dma_wait3A_197 = arith.constant 0 : i32
      %dma_wait3A_198 = tpu.memref_slice %arg6[%dma_wait3A_185, %dma_wait3A_196, %dma_wait3A_197] : memref<4x128x128xf32, #tpu.memory_space<vmem>> -> memref<1x128x128xf32, #tpu.memory_space<vmem>>
      %dma_wait3A_199 = tpu.memref_squeeze %dma_wait3A_198 : memref<1x128x128xf32, #tpu.memory_space<vmem>> -> memref<128x128xf32, #tpu.memory_space<vmem>>
      tpu.wait_dma2 semaphore(%arg8 : memref<!tpu.dma_semaphore, #tpu.memory_space<semaphore_mem>>) src(%dma_wait3A_199 : memref<128x128xf32, #tpu.memory_space<vmem>>) dst(%dma_wait3A_195 : memref<128x128xf32, #tpu.memory_space<hbm>>)
      %dma_start3A_200 = arith.constant 1 : i32
      %dma_start3A_201 = arith.constant 0 : i32
      %dma_start3A_202 = arith.constant 0 : i32
      %dma_start3A_203 = tpu.memref_slice %arg6[%dma_start3A_200, %dma_start3A_201, %dma_start3A_202] : memref<4x128x128xf32, #tpu.memory_space<vmem>> -> memref<1x128x128xf32, #tpu.memory_space<vmem>>
      %dma_start3A_204 = tpu.memref_squeeze %dma_start3A_203 : memref<1x128x128xf32, #tpu.memory_space<vmem>> -> memref<128x128xf32, #tpu.memory_space<vmem>>
      %dma_start3A_205 = arith.constant 2176 : i32
      %dma_start3A_206 = tpu.memref_slice %arg5[%dma_start3A_205] : memref<3856xi32, #tpu.memory_space<vmem>> -> memref<128xi32, #tpu.memory_space<vmem>>
      %dma_start3A_207 = arith.constant 0 : i32
      %dma_start3A_208 = arith.constant 0 : i32
      %dma_start3A_209 = tpu.memref_slice %arg3[%dma_start3A_207, %dma_start3A_208] : memref<100000x128xf32, #tpu.memory_space<hbm>> -> memref<100000x128xf32, #tpu.memory_space<hbm>>
      tpu.enqueue_indirect_dma source(%dma_start3A_209 : memref<100000x128xf32, #tpu.memory_space<hbm>>) target(%dma_start3A_204 : memref<128x128xf32, #tpu.memory_space<vmem>>) offsets(%dma_start3A_206 : memref<128xi32, #tpu.memory_space<vmem>>) semaphore(%arg7 : memref<!tpu.dma_semaphore, #tpu.memory_space<semaphore_mem>>)
      %dma_wait3A_210 = arith.constant 2 : i32
      %dma_wait3A_211 = arith.constant 0 : i32
      %dma_wait3A_212 = arith.constant 0 : i32
      %dma_wait3A_213 = tpu.memref_slice %arg6[%dma_wait3A_210, %dma_wait3A_211, %dma_wait3A_212] : memref<4x128x128xf32, #tpu.memory_space<vmem>> -> memref<1x128x128xf32, #tpu.memory_space<vmem>>
      %dma_wait3A_214 = tpu.memref_squeeze %dma_wait3A_213 : memref<1x128x128xf32, #tpu.memory_space<vmem>> -> memref<128x128xf32, #tpu.memory_space<vmem>>
      %dma_wait3A_215 = arith.constant 99368 : i32
      %dma_wait3A_216 = arith.constant 0 : i32
      %dma_wait3A_217 = tpu.memref_slice %arg4[%dma_wait3A_215, %dma_wait3A_216] : memref<100000x128xf32, #tpu.memory_space<hbm>> -> memref<128x128xf32, #tpu.memory_space<hbm>>
      %dma_wait3A_218 = arith.constant 99368 : i32
      %dma_wait3A_219 = arith.constant 0 : i32
      %dma_wait3A_220 = tpu.memref_slice %arg4[%dma_wait3A_218, %dma_wait3A_219] : memref<100000x128xf32, #tpu.memory_space<hbm>> -> memref<128x128xf32, #tpu.memory_space<hbm>>
      %dma_wait3A_221 = arith.constant 0 : i32
      %dma_wait3A_222 = arith.constant 0 : i32
      %dma_wait3A_223 = tpu.memref_slice %arg6[%dma_wait3A_210, %dma_wait3A_221, %dma_wait3A_222] : memref<4x128x128xf32, #tpu.memory_space<vmem>> -> memref<1x128x128xf32, #tpu.memory_space<vmem>>
      %dma_wait3A_224 = tpu.memref_squeeze %dma_wait3A_223 : memref<1x128x128xf32, #tpu.memory_space<vmem>> -> memref<128x128xf32, #tpu.memory_space<vmem>>
      tpu.wait_dma2 semaphore(%arg8 : memref<!tpu.dma_semaphore, #tpu.memory_space<semaphore_mem>>) src(%dma_wait3A_224 : memref<128x128xf32, #tpu.memory_space<vmem>>) dst(%dma_wait3A_220 : memref<128x128xf32, #tpu.memory_space<hbm>>)
      %dma_start3A_225 = arith.constant 2 : i32
      %dma_start3A_226 = arith.constant 0 : i32
      %dma_start3A_227 = arith.constant 0 : i32
      %dma_start3A_228 = tpu.memref_slice %arg6[%dma_start3A_225, %dma_start3A_226, %dma_start3A_227] : memref<4x128x128xf32, #tpu.memory_space<vmem>> -> memref<1x120x128xf32, #tpu.memory_space<vmem>>
      %dma_start3A_229 = tpu.memref_squeeze %dma_start3A_228 : memref<1x120x128xf32, #tpu.memory_space<vmem>> -> memref<120x128xf32, #tpu.memory_space<vmem>>
      %dma_start3A_230 = arith.constant 2304 : i32
      %dma_start3A_231 = tpu.memref_slice %arg5[%dma_start3A_230] : memref<3856xi32, #tpu.memory_space<vmem>> -> memref<120xi32, #tpu.memory_space<vmem>>
      %dma_start3A_232 = arith.constant 0 : i32
      %dma_start3A_233 = arith.constant 0 : i32
      %dma_start3A_234 = tpu.memref_slice %arg3[%dma_start3A_232, %dma_start3A_233] : memref<100000x128xf32, #tpu.memory_space<hbm>> -> memref<100000x128xf32, #tpu.memory_space<hbm>>
      tpu.enqueue_indirect_dma source(%dma_start3A_234 : memref<100000x128xf32, #tpu.memory_space<hbm>>) target(%dma_start3A_229 : memref<120x128xf32, #tpu.memory_space<vmem>>) offsets(%dma_start3A_231 : memref<120xi32, #tpu.memory_space<vmem>>) semaphore(%arg7 : memref<!tpu.dma_semaphore, #tpu.memory_space<semaphore_mem>>)
      %dma_wait3A_235 = arith.constant 3 : i32
      %dma_wait3A_236 = arith.constant 0 : i32
      %dma_wait3A_237 = arith.constant 0 : i32
      %dma_wait3A_238 = tpu.memref_slice %arg6[%dma_wait3A_235, %dma_wait3A_236, %dma_wait3A_237] : memref<4x128x128xf32, #tpu.memory_space<vmem>> -> memref<1x128x128xf32, #tpu.memory_space<vmem>>
      %dma_wait3A_239 = tpu.memref_squeeze %dma_wait3A_238 : memref<1x128x128xf32, #tpu.memory_space<vmem>> -> memref<128x128xf32, #tpu.memory_space<vmem>>
      %dma_wait3A_240 = arith.constant 99496 : i32
      %dma_wait3A_241 = arith.constant 0 : i32
      %dma_wait3A_242 = tpu.memref_slice %arg4[%dma_wait3A_240, %dma_wait3A_241] : memref<100000x128xf32, #tpu.memory_space<hbm>> -> memref<128x128xf32, #tpu.memory_space<hbm>>
      %dma_wait3A_243 = arith.constant 99496 : i32
      %dma_wait3A_244 = arith.constant 0 : i32
      %dma_wait3A_245 = tpu.memref_slice %arg4[%dma_wait3A_243, %dma_wait3A_244] : memref<100000x128xf32, #tpu.memory_space<hbm>> -> memref<128x128xf32, #tpu.memory_space<hbm>>
      %dma_wait3A_246 = arith.constant 0 : i32
      %dma_wait3A_247 = arith.constant 0 : i32
      %dma_wait3A_248 = tpu.memref_slice %arg6[%dma_wait3A_235, %dma_wait3A_246, %dma_wait3A_247] : memref<4x128x128xf32, #tpu.memory_space<vmem>> -> memref<1x128x128xf32, #tpu.memory_space<vmem>>
      %dma_wait3A_249 = tpu.memref_squeeze %dma_wait3A_248 : memref<1x128x128xf32, #tpu.memory_space<vmem>> -> memref<128x128xf32, #tpu.memory_space<vmem>>
      tpu.wait_dma2 semaphore(%arg8 : memref<!tpu.dma_semaphore, #tpu.memory_space<semaphore_mem>>) src(%dma_wait3A_249 : memref<128x128xf32, #tpu.memory_space<vmem>>) dst(%dma_wait3A_245 : memref<128x128xf32, #tpu.memory_space<hbm>>)
      %dma_wait3A_250 = arith.constant 0 : i32
      %dma_wait3A_251 = arith.constant 0 : i32
      %dma_wait3A_252 = arith.constant 0 : i32
      %dma_wait3A_253 = tpu.memref_slice %arg6[%dma_wait3A_250, %dma_wait3A_251, %dma_wait3A_252] : memref<4x128x128xf32, #tpu.memory_space<vmem>> -> memref<1x128x128xf32, #tpu.memory_space<vmem>>
      %dma_wait3A_254 = tpu.memref_squeeze %dma_wait3A_253 : memref<1x128x128xf32, #tpu.memory_space<vmem>> -> memref<128x128xf32, #tpu.memory_space<vmem>>
      %dma_wait3A_255 = arith.constant 2048 : i32
      %dma_wait3A_256 = tpu.memref_slice %arg5[%dma_wait3A_255] : memref<3856xi32, #tpu.memory_space<vmem>> -> memref<128xi32, #tpu.memory_space<vmem>>
      %dma_wait3A_257 = arith.constant 0 : i32
      %dma_wait3A_258 = arith.constant 0 : i32
      %dma_wait3A_259 = tpu.memref_slice %arg3[%dma_wait3A_257, %dma_wait3A_258] : memref<100000x128xf32, #tpu.memory_space<hbm>> -> memref<100000x128xf32, #tpu.memory_space<hbm>>
      tpu.wait_indirect_dma semaphore(%arg7 : memref<!tpu.dma_semaphore, #tpu.memory_space<semaphore_mem>>) src(%dma_wait3A_259 : memref<100000x128xf32, #tpu.memory_space<hbm>>) dst(%dma_wait3A_254 : memref<128x128xf32, #tpu.memory_space<vmem>>)
      %dma_start3A_260 = arith.constant 0 : i32
      %dma_start3A_261 = arith.constant 0 : i32
      %dma_start3A_262 = arith.constant 0 : i32
      %dma_start3A_263 = tpu.memref_slice %arg6[%dma_start3A_260, %dma_start3A_261, %dma_start3A_262] : memref<4x128x128xf32, #tpu.memory_space<vmem>> -> memref<1x128x128xf32, #tpu.memory_space<vmem>>
      %dma_start3A_264 = tpu.memref_squeeze %dma_start3A_263 : memref<1x128x128xf32, #tpu.memory_space<vmem>> -> memref<128x128xf32, #tpu.memory_space<vmem>>
      %dma_start3A_265 = arith.constant 99624 : i32
      %dma_start3A_266 = arith.constant 0 : i32
      %dma_start3A_267 = tpu.memref_slice %arg4[%dma_start3A_265, %dma_start3A_266] : memref<100000x128xf32, #tpu.memory_space<hbm>> -> memref<128x128xf32, #tpu.memory_space<hbm>>
      %dma_start3A_268 = arith.constant 99624 : i32
      %dma_start3A_269 = arith.constant 0 : i32
      %dma_start3A_270 = tpu.memref_slice %arg4[%dma_start3A_268, %dma_start3A_269] : memref<100000x128xf32, #tpu.memory_space<hbm>> -> memref<128x128xf32, #tpu.memory_space<hbm>>
      %dma_start3A_271 = arith.constant 0 : i32
      %dma_start3A_272 = arith.constant 0 : i32
      %dma_start3A_273 = tpu.memref_slice %arg6[%dma_start3A_260, %dma_start3A_271, %dma_start3A_272] : memref<4x128x128xf32, #tpu.memory_space<vmem>> -> memref<1x128x128xf32, #tpu.memory_space<vmem>>
      %dma_start3A_274 = tpu.memref_squeeze %dma_start3A_273 : memref<1x128x128xf32, #tpu.memory_space<vmem>> -> memref<128x128xf32, #tpu.memory_space<vmem>>
      tpu.enqueue_dma source(%dma_start3A_274 : memref<128x128xf32, #tpu.memory_space<vmem>>) target(%dma_start3A_270 : memref<128x128xf32, #tpu.memory_space<hbm>>) target_semaphore(%arg8 : memref<!tpu.dma_semaphore, #tpu.memory_space<semaphore_mem>>)
      %dma_wait3A_275 = arith.constant 1 : i32
      %dma_wait3A_276 = arith.constant 0 : i32
      %dma_wait3A_277 = arith.constant 0 : i32
      %dma_wait3A_278 = tpu.memref_slice %arg6[%dma_wait3A_275, %dma_wait3A_276, %dma_wait3A_277] : memref<4x128x128xf32, #tpu.memory_space<vmem>> -> memref<1x128x128xf32, #tpu.memory_space<vmem>>
      %dma_wait3A_279 = tpu.memref_squeeze %dma_wait3A_278 : memref<1x128x128xf32, #tpu.memory_space<vmem>> -> memref<128x128xf32, #tpu.memory_space<vmem>>
      %dma_wait3A_280 = arith.constant 2176 : i32
      %dma_wait3A_281 = tpu.memref_slice %arg5[%dma_wait3A_280] : memref<3856xi32, #tpu.memory_space<vmem>> -> memref<128xi32, #tpu.memory_space<vmem>>
      %dma_wait3A_282 = arith.constant 0 : i32
      %dma_wait3A_283 = arith.constant 0 : i32
      %dma_wait3A_284 = tpu.memref_slice %arg3[%dma_wait3A_282, %dma_wait3A_283] : memref<100000x128xf32, #tpu.memory_space<hbm>> -> memref<100000x128xf32, #tpu.memory_space<hbm>>
      tpu.wait_indirect_dma semaphore(%arg7 : memref<!tpu.dma_semaphore, #tpu.memory_space<semaphore_mem>>) src(%dma_wait3A_284 : memref<100000x128xf32, #tpu.memory_space<hbm>>) dst(%dma_wait3A_279 : memref<128x128xf32, #tpu.memory_space<vmem>>)
      %dma_start3A_285 = arith.constant 1 : i32
      %dma_start3A_286 = arith.constant 0 : i32
      %dma_start3A_287 = arith.constant 0 : i32
      %dma_start3A_288 = tpu.memref_slice %arg6[%dma_start3A_285, %dma_start3A_286, %dma_start3A_287] : memref<4x128x128xf32, #tpu.memory_space<vmem>> -> memref<1x128x128xf32, #tpu.memory_space<vmem>>
      %dma_start3A_289 = tpu.memref_squeeze %dma_start3A_288 : memref<1x128x128xf32, #tpu.memory_space<vmem>> -> memref<128x128xf32, #tpu.memory_space<vmem>>
      %dma_start3A_290 = arith.constant 99752 : i32
      %dma_start3A_291 = arith.constant 0 : i32
      %dma_start3A_292 = tpu.memref_slice %arg4[%dma_start3A_290, %dma_start3A_291] : memref<100000x128xf32, #tpu.memory_space<hbm>> -> memref<128x128xf32, #tpu.memory_space<hbm>>
      %dma_start3A_293 = arith.constant 99752 : i32
      %dma_start3A_294 = arith.constant 0 : i32
      %dma_start3A_295 = tpu.memref_slice %arg4[%dma_start3A_293, %dma_start3A_294] : memref<100000x128xf32, #tpu.memory_space<hbm>> -> memref<128x128xf32, #tpu.memory_space<hbm>>
      %dma_start3A_296 = arith.constant 0 : i32
      %dma_start3A_297 = arith.constant 0 : i32
      %dma_start3A_298 = tpu.memref_slice %arg6[%dma_start3A_285, %dma_start3A_296, %dma_start3A_297] : memref<4x128x128xf32, #tpu.memory_space<vmem>> -> memref<1x128x128xf32, #tpu.memory_space<vmem>>
      %dma_start3A_299 = tpu.memref_squeeze %dma_start3A_298 : memref<1x128x128xf32, #tpu.memory_space<vmem>> -> memref<128x128xf32, #tpu.memory_space<vmem>>
      tpu.enqueue_dma source(%dma_start3A_299 : memref<128x128xf32, #tpu.memory_space<vmem>>) target(%dma_start3A_295 : memref<128x128xf32, #tpu.memory_space<hbm>>) target_semaphore(%arg8 : memref<!tpu.dma_semaphore, #tpu.memory_space<semaphore_mem>>)
      %dma_wait3A_300 = arith.constant 2 : i32
      %dma_wait3A_301 = arith.constant 0 : i32
      %dma_wait3A_302 = arith.constant 0 : i32
      %dma_wait3A_303 = tpu.memref_slice %arg6[%dma_wait3A_300, %dma_wait3A_301, %dma_wait3A_302] : memref<4x128x128xf32, #tpu.memory_space<vmem>> -> memref<1x120x128xf32, #tpu.memory_space<vmem>>
      %dma_wait3A_304 = tpu.memref_squeeze %dma_wait3A_303 : memref<1x120x128xf32, #tpu.memory_space<vmem>> -> memref<120x128xf32, #tpu.memory_space<vmem>>
      %dma_wait3A_305 = arith.constant 2304 : i32
      %dma_wait3A_306 = tpu.memref_slice %arg5[%dma_wait3A_305] : memref<3856xi32, #tpu.memory_space<vmem>> -> memref<120xi32, #tpu.memory_space<vmem>>
      %dma_wait3A_307 = arith.constant 0 : i32
      %dma_wait3A_308 = arith.constant 0 : i32
      %dma_wait3A_309 = tpu.memref_slice %arg3[%dma_wait3A_307, %dma_wait3A_308] : memref<100000x128xf32, #tpu.memory_space<hbm>> -> memref<100000x128xf32, #tpu.memory_space<hbm>>
      tpu.wait_indirect_dma semaphore(%arg7 : memref<!tpu.dma_semaphore, #tpu.memory_space<semaphore_mem>>) src(%dma_wait3A_309 : memref<100000x128xf32, #tpu.memory_space<hbm>>) dst(%dma_wait3A_304 : memref<120x128xf32, #tpu.memory_space<vmem>>)
      %dma_start3A_310 = arith.constant 2 : i32
      %dma_start3A_311 = arith.constant 0 : i32
      %dma_start3A_312 = arith.constant 0 : i32
      %dma_start3A_313 = tpu.memref_slice %arg6[%dma_start3A_310, %dma_start3A_311, %dma_start3A_312] : memref<4x128x128xf32, #tpu.memory_space<vmem>> -> memref<1x120x128xf32, #tpu.memory_space<vmem>>
      %dma_start3A_314 = tpu.memref_squeeze %dma_start3A_313 : memref<1x120x128xf32, #tpu.memory_space<vmem>> -> memref<120x128xf32, #tpu.memory_space<vmem>>
      %dma_start3A_315 = arith.constant 99880 : i32
      %dma_start3A_316 = arith.constant 0 : i32
      %dma_start3A_317 = tpu.memref_slice %arg4[%dma_start3A_315, %dma_start3A_316] : memref<100000x128xf32, #tpu.memory_space<hbm>> -> memref<120x128xf32, #tpu.memory_space<hbm>>
      %dma_start3A_318 = arith.constant 99880 : i32
      %dma_start3A_319 = arith.constant 0 : i32
      %dma_start3A_320 = tpu.memref_slice %arg4[%dma_start3A_318, %dma_start3A_319] : memref<100000x128xf32, #tpu.memory_space<hbm>> -> memref<120x128xf32, #tpu.memory_space<hbm>>
      %dma_start3A_321 = arith.constant 0 : i32
      %dma_start3A_322 = arith.constant 0 : i32
      %dma_start3A_323 = tpu.memref_slice %arg6[%dma_start3A_310, %dma_start3A_321, %dma_start3A_322] : memref<4x128x128xf32, #tpu.memory_space<vmem>> -> memref<1x120x128xf32, #tpu.memory_space<vmem>>
      %dma_start3A_324 = tpu.memref_squeeze %dma_start3A_323 : memref<1x120x128xf32, #tpu.memory_space<vmem>> -> memref<120x128xf32, #tpu.memory_space<vmem>>
      tpu.enqueue_dma source(%dma_start3A_324 : memref<120x128xf32, #tpu.memory_space<vmem>>) target(%dma_start3A_320 : memref<120x128xf32, #tpu.memory_space<hbm>>) target_semaphore(%arg8 : memref<!tpu.dma_semaphore, #tpu.memory_space<semaphore_mem>>)
      %dma_wait3A_325 = arith.constant 0 : i32
      %dma_wait3A_326 = arith.constant 0 : i32
      %dma_wait3A_327 = arith.constant 0 : i32
      %dma_wait3A_328 = tpu.memref_slice %arg6[%dma_wait3A_325, %dma_wait3A_326, %dma_wait3A_327] : memref<4x128x128xf32, #tpu.memory_space<vmem>> -> memref<1x128x128xf32, #tpu.memory_space<vmem>>
      %dma_wait3A_329 = tpu.memref_squeeze %dma_wait3A_328 : memref<1x128x128xf32, #tpu.memory_space<vmem>> -> memref<128x128xf32, #tpu.memory_space<vmem>>
      %dma_wait3A_330 = arith.constant 99624 : i32
      %dma_wait3A_331 = arith.constant 0 : i32
      %dma_wait3A_332 = tpu.memref_slice %arg4[%dma_wait3A_330, %dma_wait3A_331] : memref<100000x128xf32, #tpu.memory_space<hbm>> -> memref<128x128xf32, #tpu.memory_space<hbm>>
      %dma_wait3A_333 = arith.constant 99624 : i32
      %dma_wait3A_334 = arith.constant 0 : i32
      %dma_wait3A_335 = tpu.memref_slice %arg4[%dma_wait3A_333, %dma_wait3A_334] : memref<100000x128xf32, #tpu.memory_space<hbm>> -> memref<128x128xf32, #tpu.memory_space<hbm>>
      %dma_wait3A_336 = arith.constant 0 : i32
      %dma_wait3A_337 = arith.constant 0 : i32
      %dma_wait3A_338 = tpu.memref_slice %arg6[%dma_wait3A_325, %dma_wait3A_336, %dma_wait3A_337] : memref<4x128x128xf32, #tpu.memory_space<vmem>> -> memref<1x128x128xf32, #tpu.memory_space<vmem>>
      %dma_wait3A_339 = tpu.memref_squeeze %dma_wait3A_338 : memref<1x128x128xf32, #tpu.memory_space<vmem>> -> memref<128x128xf32, #tpu.memory_space<vmem>>
      tpu.wait_dma2 semaphore(%arg8 : memref<!tpu.dma_semaphore, #tpu.memory_space<semaphore_mem>>) src(%dma_wait3A_339 : memref<128x128xf32, #tpu.memory_space<vmem>>) dst(%dma_wait3A_335 : memref<128x128xf32, #tpu.memory_space<hbm>>)
      %dma_wait3A_340 = arith.constant 1 : i32
      %dma_wait3A_341 = arith.constant 0 : i32
      %dma_wait3A_342 = arith.constant 0 : i32
      %dma_wait3A_343 = tpu.memref_slice %arg6[%dma_wait3A_340, %dma_wait3A_341, %dma_wait3A_342] : memref<4x128x128xf32, #tpu.memory_space<vmem>> -> memref<1x128x128xf32, #tpu.memory_space<vmem>>
      %dma_wait3A_344 = tpu.memref_squeeze %dma_wait3A_343 : memref<1x128x128xf32, #tpu.memory_space<vmem>> -> memref<128x128xf32, #tpu.memory_space<vmem>>
      %dma_wait3A_345 = arith.constant 99752 : i32
      %dma_wait3A_346 = arith.constant 0 : i32
      %dma_wait3A_347 = tpu.memref_slice %arg4[%dma_wait3A_345, %dma_wait3A_346] : memref<100000x128xf32, #tpu.memory_space<hbm>> -> memref<128x128xf32, #tpu.memory_space<hbm>>
      %dma_wait3A_348 = arith.constant 99752 : i32
      %dma_wait3A_349 = arith.constant 0 : i32
      %dma_wait3A_350 = tpu.memref_slice %arg4[%dma_wait3A_348, %dma_wait3A_349] : memref<100000x128xf32, #tpu.memory_space<hbm>> -> memref<128x128xf32, #tpu.memory_space<hbm>>
      %dma_wait3A_351 = arith.constant 0 : i32
      %dma_wait3A_352 = arith.constant 0 : i32
      %dma_wait3A_353 = tpu.memref_slice %arg6[%dma_wait3A_340, %dma_wait3A_351, %dma_wait3A_352] : memref<4x128x128xf32, #tpu.memory_space<vmem>> -> memref<1x128x128xf32, #tpu.memory_space<vmem>>
      %dma_wait3A_354 = tpu.memref_squeeze %dma_wait3A_353 : memref<1x128x128xf32, #tpu.memory_space<vmem>> -> memref<128x128xf32, #tpu.memory_space<vmem>>
      tpu.wait_dma2 semaphore(%arg8 : memref<!tpu.dma_semaphore, #tpu.memory_space<semaphore_mem>>) src(%dma_wait3A_354 : memref<128x128xf32, #tpu.memory_space<vmem>>) dst(%dma_wait3A_350 : memref<128x128xf32, #tpu.memory_space<hbm>>)
      %dma_wait3A_355 = arith.constant 2 : i32
      %dma_wait3A_356 = arith.constant 0 : i32
      %dma_wait3A_357 = arith.constant 0 : i32
      %dma_wait3A_358 = tpu.memref_slice %arg6[%dma_wait3A_355, %dma_wait3A_356, %dma_wait3A_357] : memref<4x128x128xf32, #tpu.memory_space<vmem>> -> memref<1x120x128xf32, #tpu.memory_space<vmem>>
      %dma_wait3A_359 = tpu.memref_squeeze %dma_wait3A_358 : memref<1x120x128xf32, #tpu.memory_space<vmem>> -> memref<120x128xf32, #tpu.memory_space<vmem>>
      %dma_wait3A_360 = arith.constant 99880 : i32
      %dma_wait3A_361 = arith.constant 0 : i32
      %dma_wait3A_362 = tpu.memref_slice %arg4[%dma_wait3A_360, %dma_wait3A_361] : memref<100000x128xf32, #tpu.memory_space<hbm>> -> memref<120x128xf32, #tpu.memory_space<hbm>>
      %dma_wait3A_363 = arith.constant 99880 : i32
      %dma_wait3A_364 = arith.constant 0 : i32
      %dma_wait3A_365 = tpu.memref_slice %arg4[%dma_wait3A_363, %dma_wait3A_364] : memref<100000x128xf32, #tpu.memory_space<hbm>> -> memref<120x128xf32, #tpu.memory_space<hbm>>
      %dma_wait3A_366 = arith.constant 0 : i32
      %dma_wait3A_367 = arith.constant 0 : i32
      %dma_wait3A_368 = tpu.memref_slice %arg6[%dma_wait3A_355, %dma_wait3A_366, %dma_wait3A_367] : memref<4x128x128xf32, #tpu.memory_space<vmem>> -> memref<1x120x128xf32, #tpu.memory_space<vmem>>
      %dma_wait3A_369 = tpu.memref_squeeze %dma_wait3A_368 : memref<1x120x128xf32, #tpu.memory_space<vmem>> -> memref<120x128xf32, #tpu.memory_space<vmem>>
      tpu.wait_dma2 semaphore(%arg8 : memref<!tpu.dma_semaphore, #tpu.memory_space<semaphore_mem>>) src(%dma_wait3A_369 : memref<120x128xf32, #tpu.memory_space<vmem>>) dst(%dma_wait3A_365 : memref<120x128xf32, #tpu.memory_space<hbm>>)
    } else {
    }
    return
  }
}

</mosaic_0001>

<sc_bundles>
// kernel: kernel.3.cloned.1.call-start
scs
__scs_entry_jumppad:
0x0: {  	(pc) =	sbr.rel $0x88, $3  }
0x1: {  	(tag) =	ssettag $0x0;
	lr =	simm.s32 $0x1  }
0x2: {  	[smem:$0x3F9F] =	sst lr;
	_ =	strace $0xD0000000  }
0x3: {  	_ = 	snop  }
0x4: {  	_ = 	snop  }
0x5: {  	_ = 	snop  }
0x6: {  	_ = 	snop  }
0x7: {  	_ = 	snop  }
__scs_overlays_trampoline_lowered:
0x8: {  	[smem:$0x3FAE] =	sst s0  }
0x9: {  	[smem:$0x3FAF] =	sst s1  }
0xa: {  	[smem:$0x3FB0] =	sst s2  }
0xb: {  	[smem:$0x3FB1] =	sst s3  }
0xc: {  	[smem:$0x3FB2] =	sst s4  }
0xd: {  	[smem:$0x3FB3] =	sst s5  }
0xe: {  	[smem:$0x3FB4] =	sst s6  }
0xf: {  	[smem:$0x3FB5] =	sst s7  }
0x10: {  	[smem:$0x3FB6] =	sst s8  }
0x11: {  	[smem:$0x3FB7] =	sst s9;
	s0 =	simm.s32 @!p0 $0x0  }
0x12: {  	s1 =	sld [smem:$0x3F9D];
	s0 =	simm.s32 @p0 $0x1  }
0x13: {  	[smem:$0x3FB8] =	sst s0;
	s0 =	simm.s32 @!p1 $0x0  }
0x14: {  	s2 =	sld [smem:$0x3F9C];
	s0 =	simm.s32 @p1 $0x1  }
0x15: {  	[smem:$0x3FB9] =	sst s0;
	s0 =	simm.s32 @!p2 $0x0  }
0x16: {  	s3 =	sld [smem:$0x3FDB];
	s0 =	simm.s32 @p2 $0x1  }
0x17: {  	s4 =	simm.s32 $0x1BF5;
	[smem:$0x3FBB] =	sst s0  }
0x18: {  	s0 =	sld [smem:$0x3F9E];
	_ =	swait.ge [sflag:s4], $0x0  }
0x19: {  	s7 =	sld [smem:$0x3F9F]  }
0x1a: {  	s8 =	sadd.s32 $0xFFFFE003, lr  }
0x1b: {  	s9 =	sadd.s32 $0xFFFFFEF7, lr;
	s5 =	simm.s32 $0xFFFFFFFF;
	p2 =	slt.u32 s8, $0xFFFFF086  }
0x1c: {  	p1 =	slt.u32 s9, $0xF7A;
	s5 =	simm.s32 @!p2 $0x0  }
0x1d: {  	s5 =	simm.s32 @p1 $0x1;
	p0 =	seq.s32 s7, s2  }
0x1e: {  	s7 =	smul.u32 @!p0 $0xF7A, s2;
	p2 =	seq.s32 @!p0 s5, $0x0  }
0x1f: {  	s9 =	smul.u32 $0xF7A, s1;
	s8 =	simm.s32 @!p0 $0x1BF5;
	p2 =	por !p2, p0  }
0x20: {  	[sflag:s8] =	ssyncset.s32 @!p0 $0xFFFFF086;
	s6 =	sadd.s32 @!p0 s3, s7;
	s7 =	simm.s32 @!p0 $0x108  }
0x21: {  	s3 =	sadd.s32 s3, s9;
	s6 =	sadd.s32 @!p0 $0x88, s6;
	s7 =	simm.s32 @p2 $0x1082  }
0x22: {  	[simem:s7], [sflag:s8] =	dma.local @!p0 [hbm:s6], $0xF7A  }
0x23: {  	s9 =	sor.u32 $0xD0000000, s2;
	s6 =	simm.s32 $0x108;
	_ =	swait.ge @!p0 [sflag:s8], $0x0  }
0x24: {  	s3 =	sadd.s32 $0x88, s3;
	s6 =	simm.s32 @!p1 $0x1082;
	[sflag:s4] =	ssyncset.s32 $0xFFFFF086  }
0x25: {  	[simem:s6], [sflag:s4] =	dma.local [hbm:s3], $0xF7A  }
0x26: {  	[smem:$0x3F9F] =	sst s1;
	(tag) =	ssettag s2;
	_ =	strace s9  }
0x27: {  	s1 =	sld [smem:$0x3FAF]  }
0x28: {  	s2 =	sld [smem:$0x3FB0]  }
0x29: {  	s4 =	sld [smem:$0x3FB2]  }
0x2a: {  	p0 =	seq.s32 s5, $0x0;
	s5 =	sld [smem:$0x3FB3]  }
0x2b: {  	s6 =	sld [smem:$0x3FB4]  }
0x2c: {  	s7 =	sld [smem:$0x3FB5]  }
0x2d: {  	s3 =	simm.s32 $0x108;
	s8 =	sld [smem:$0x3FB6]  }
0x2e: {  	s3 =	simm.s32 @!p0 $0x1082;
	s9 =	sld [smem:$0x3FB7]  }
0x2f: {  	lr =	sadd.s32 s0, s3;
	s0 =	sld [smem:$0x3FAE]  }
0x30: {  	s3 =	sld [smem:$0x3FB1]  }
0x31: {  	[smem:$0x3FBA] =	sst s10  }
0x32: {  	s10 =	sld [smem:$0x3FB8];
	_ =	sdelay $0x3  }
0x33: {  	p0 =	seq.s32 s10, $0x1;
	s10 =	sld [smem:$0x3FBA];
	_ =	sdelay $0x3  }
0x34: {  	[smem:$0x3FBA] =	sst s10  }
0x35: {  	s10 =	sld [smem:$0x3FB9];
	_ =	sdelay $0x3  }
0x36: {  	p1 =	seq.s32 s10, $0x1;
	s10 =	sld [smem:$0x3FBA];
	_ =	sdelay $0x3  }
0x37: {  	[smem:$0x3FBA] =	sst s10  }
0x38: {  	s10 =	sld [smem:$0x3FBB]  }
0x39: {  	_ = 	snop;
	(pc) =	sbr.ind lr, $3  }
0x3a: {  	_ = 	snop  }
0x3b: {  	_ = 	snop  }
0x3c: {  	p2 =	seq.s32 s10, $0x1;
	s10 =	sld [smem:$0x3FBA]  }
0x3d: {  	_ =	shalt  }
0x3e: {  	_ =	shalt  }
0x3f: {  	_ =	shalt  }
0x40: {  	_ =	shalt  }
0x41: {  	_ =	shalt  }
0x42: {  	_ =	shalt  }
0x43: {  	_ =	shalt  }
0x44: {  	_ =	shalt  }
0x45: {  	_ =	shalt  }
0x46: {  	_ =	shalt  }
0x47: {  	_ =	shalt  }
0x48: {  	_ =	shalt  }
0x49: {  	_ =	shalt  }
0x4a: {  	_ =	shalt  }
0x4b: {  	_ =	shalt  }
0x4c: {  	_ =	shalt  }
0x4d: {  	_ =	shalt  }
0x4e: {  	_ =	shalt  }
0x4f: {  	_ =	shalt  }
0x50: {  	_ =	shalt  }
0x51: {  	_ =	shalt  }
0x52: {  	_ =	shalt  }
0x53: {  	_ =	shalt  }
0x54: {  	_ =	shalt  }
0x55: {  	_ =	shalt  }
0x56: {  	_ =	shalt  }
0x57: {  	_ =	shalt  }
0x58: {  	_ =	shalt  }
0x59: {  	_ =	shalt  }
0x5a: {  	_ =	shalt  }
0x5b: {  	_ =	shalt  }
0x5c: {  	_ =	shalt  }
0x5d: {  	_ =	shalt  }
0x5e: {  	_ =	shalt  }
0x5f: {  	_ =	shalt  }
0x60: {  	_ =	shalt  }
0x61: {  	_ =	shalt  }
0x62: {  	_ =	shalt  }
0x63: {  	_ =	shalt  }
0x64: {  	_ =	shalt  }
0x65: {  	_ =	shalt  }
0x66: {  	_ =	shalt  }
0x67: {  	_ =	shalt  }
0x68: {  	_ =	shalt  }
0x69: {  	_ =	shalt  }
0x6a: {  	_ =	shalt  }
0x6b: {  	_ =	shalt  }
0x6c: {  	_ =	shalt  }
0x6d: {  	_ =	shalt  }
0x6e: {  	_ =	shalt  }
0x6f: {  	_ =	shalt  }
0x70: {  	_ =	shalt  }
0x71: {  	_ =	shalt  }
0x72: {  	_ =	shalt  }
0x73: {  	_ =	shalt  }
0x74: {  	_ =	shalt  }
0x75: {  	_ =	shalt  }
0x76: {  	_ =	shalt  }
0x77: {  	_ =	shalt  }
0x78: {  	_ =	shalt  }
0x79: {  	_ =	shalt  }
0x7a: {  	_ =	shalt  }
0x7b: {  	_ =	shalt  }
0x7c: {  	_ =	shalt  }
0x7d: {  	_ =	shalt  }
0x7e: {  	_ =	shalt  }
0x7f: {  	_ =	shalt  }
0x80: {  	_ =	shalt  }
0x81: {  	_ =	shalt  }
0x82: {  	_ =	shalt  }
0x83: {  	_ =	shalt  }
0x84: {  	_ =	shalt  }
0x85: {  	_ =	shalt  }
0x86: {  	_ =	shalt  }
0x87: {  	_ =	shalt  }
.Lfunc_end0:
.L_simem_size_0:
called_computation_lowered:
.L_overlay_start_0:
0x88: {  	s2 =	sld [smem:$0x3FD9]  }
0x89: {  	s3 =	sld [smem:$0x3FFE];
	_ =	sdelay $0x1  }
0x8a: {  	s1 =	srdreg.scid  }
0x8b: {  	s0 =	sand.u32 $0x1, s1  }
0x8c: {  	s18 =	sshll.u32 s0, $0xA;
	s2 =	sadd.s32 s3, s2  }
0x8d: {  	s2 =	sadd.s32 s2, s18  }
0x8e: {  	[smem:$0x3FC6] =	sst s2  }
0x8f: {  	_ = 	snop  }
0x90: {  	s2 =	sld [smem:$0x3FC9]  }
0x91: {  	s19 =	sld [smem:$0x3FC8]  }
0x92: {  	s4 =	sld [smem:$0x3FD0];
	(tm) =	ssettm $0x1  }
0x93: {  	s5 =	sld [smem:$0x3FFB];
	_ =	sdelay $0x3  }
0x94: {  	_ =	strace s5  }
0x95: {  	s5 =	sld [smem:$0x3FFC];
	_ =	sdelay $0x3  }
0x96: {  	_ =	strace s5  }
0x97: {  	s5 =	sld [smem:$0x3FFD];
	_ =	sdelay $0x3  }
0x98: {  	_ =	strace s5  }
0x99: {  	_ =	strace $0x8FFFFFFF  }
0x9a: {  	s20 =	sld [smem:$0x3FDB];
	_ =	sdelay $0x1  }
0x9b: {  	s6 =	simm.s32 $_scs_section_size  }
0x9c: {  	s7 =	simm.s32 $_size__tile_overlayer_lowered;
	s8 =	simm.s32 $_tile_overlayer_lowered  }
0x9d: {  	s23 =	simm.s32 $0x1BFF;
	s22 =	sshll.u32 s8, $0x1;
	s5 =	sadd.s32 s6, s20  }
0x9e: {  	s9 =	simm.s32 $0x0;
	s21 =	sshll.u32 s7, $0x1;
	s7 =	sadd.s32 s22, s5  }
0x9f: {  	[timem:s9], [sflag:s23] =	dma.local [hbm:s7], s21  }
0xa0: {  	_ =	swait.ge [sflag:s23], s21  }
0xa1: {  	s6 =	ssub.s32 $0x0, s21;
	[sflag:s23] =	ssyncset.done $0x0  }
0xa2: {  	[sflag:s23] =	ssyncadd.s32 s6;
	_ =	sdelay $0x1  }
0xa3: {  	s24 =	simm.s32 $0x1B8B  }
0xa4: {  	_ =	swait.ge [sflag:s24], $0x1  }
0xa5: {  	[sflag:s24] =	ssyncset.done $0x0  }
0xa6: {  	s25 =	simm.s32 $0x1B8E;
	[sflag:s24] =	ssyncadd.s32 $0xFFFFFFFF  }
0xa7: {  	s26 =	simm.s32 $execute0_lowered;
	[smem:$0x3FD2] =	sst s25  }
0xa8: {  	s6 =	sshll.u32 s26, $0x1;
	_ =	strace $0x80000046;
	[dreg:$0x1] =	wrdreg $0xFFFFFFFF  }
0xa9: {  	s28 =	simm.s32 $_size_execute0_lowered;
	s5 =	sadd.s32 s5, s6;
	[dreg:$0x0] =	wrdreg $0x0  }
0xaa: {  	s6 =	sshll.u32 s28, $0x1;
	[dreg:$0x2] =	wrdreg s5  }
0xab: {  	[dreg:$0x3] =	wrdreg s6  }
0xac: {  	[dreg:$0x4] =	wrdreg $0xC0  }
0xad: {  	_ =	task [dreg:s9], $0x5FFFF  }
0xae: {  	[dreg:$0x1] =	wrdreg $0xFFFFFFFF  }
0xaf: {  	[dreg:$0x0] =	wrdreg $0x60  }
0xb0: {  	[dreg:$0x2] =	wrdreg s2  }
0xb1: {  	[dreg:$0x3] =	wrdreg s19  }
0xb2: {  	[dreg:$0x4] =	wrdreg s4  }
0xb3: {  	[dreg:$0x5] =	wrdreg $0x9  }
0xb4: {  	_ =	task.clear_ibuf [dreg:s9], $0x6FFFF;
	_ =	strace $0x90000046  }
0xb5: {  	s29 =	simm.s32 $0x9;
	_ =	strace $0x80000048  }
0xb6: {  	_ =	swait.ge [sflag:s29], $0x1  }
0xb7: {  	[sflag:s29] =	ssyncadd.s32 $0xFFFFFFFF  }
0xb8: {  	_ =	strace $0x90000048  }
0xb9: {  	_ =	sfence  }
0xba: {  	s30 =	sld [smem:$0x0];
	_ =	sdelay $0x2  }
0xbb: {  	s31 =	sshll.u32 s1, $0xD;
	s1 =	sshrl.u32 s1, $0x2  }
0xbc: {  	s3 =	sand.u32 $0x4000, s31;
	s1 =	sadd.s32 s1, s30  }
0xbd: {  	s0 =	sor.u32 s3, s0;
	s1 =	sshll.u32 s1, $0x11  }
0xbe: {  	s0 =	sor.u32 s1, s0  }
0xbf: {  	s0 =	sadd.s32 $0x8F2B, s0  }
0xc0: {  	[sflag:s0] =	ssyncadd.remote.s32 $0x1  }
0xc1: {  	_ =	sfence.sel $0xFFFF  }
0xc2: {  	[dreg:$0x0] =	wrdreg $0xFFFFFFFF;
	(pc) =	sbr.abs _section_cstart, $3  }
0xc3: {  	[dreg:$0x1] =	wrdreg $0xFFFFFFFF  }
0xc4: {  	_ =	task.clear_ibuf [dreg:s9], $0x2FFFF;
	_ =	strace $0x9FFFFFFF  }
0xc5: {  	(tm) =	ssettm $0x7FFFFFFF  }
tec
execute0_lowered:
.L_overlay_start_1:
0x0: {  	(tag) =	ssettag $0x1  }
0x1: {  	s4 =	rddreg [dreg:$0x0]  }
0x2: {  	s2 =	rddreg [dreg:$0x1]  }
0x3: {  	s0 =	rddreg [dreg:$0x2];
	s10 =	stileid.u32  }
0x4: {  	s3 =	simm.s32 $0x0;
	s1 =	srdreg.scid;
	s5 =	smul.u32 $0xF10, s10  }
0x5: {  	[smem:$0x7FF] =	sst s3;
	s6 =	sand.u32 $0x1, s1;
	s14 =	smul.u32 $0x78800, s10  }
0x6: {  	s21 =	smul.u32 $0x4AC00, s10;
	_ =	strace $0x80000047;
	s7 =	ssub.s32 $0x2, s6  }
0x7: {  	s8 =	sshrl.u32 s7, $0x1;
	s5 =	sshrl.u32 s5, $0x3;
	s9 =	sshrl.u32 s14, $0x3  }
0x8: {  	s1 =	ssub.s32 s7, s8;
	s5 =	sadd.s32 s4, s5;
	s15 =	sadd.s32 s0, s9  }
0x9: {  	s7 =	sshrl.u32 s21, $0x3;
	s21 =	sadd.s32 $0x183A80, s0;
	[dreg:$0x4] =	wrdreg s5  }
0xa: {  	s16 =	sadd.s32 $0xC000, s15;
	[dreg:$0x1a] =	wrdreg s21  }
0xb: {  	s17 =	sadd.s32 $0xC800, s15;
	[dreg:$0x5] =	wrdreg s16  }
0xc: {  	s18 =	sadd.s32 $0xD000, s15;
	[dreg:$0x6] =	wrdreg s17  }
0xd: {  	s19 =	sadd.s32 $0xD800, s15;
	[dreg:$0x7] =	wrdreg s18  }
0xe: {  	s20 =	sadd.s32 $0xE000, s15;
	[dreg:$0x8] =	wrdreg s19  }
0xf: {  	s22 =	sadd.s32 $0xE800, s15;
	[dreg:$0x9] =	wrdreg s20  }
0x10: {  	s5 =	sadd.s32 $0xF000, s15;
	[dreg:$0xa] =	wrdreg s22  }
0x11: {  	s15 =	sadd.s32 $0x17D280, s0;
	[dreg:$0xb] =	wrdreg s5  }
0x12: {  	s7 =	sadd.s32 s0, s7;
	s21 =	sadd.s32 $0x181280, s0;
	[dreg:$0x13] =	wrdreg s15  }
0x13: {  	s25 =	sadd.s32 $0xF7000, s7;
	[smem:$0x7F8] =	sst s21  }
0x14: {  	s26 =	sadd.s32 $0xF7800, s7;
	[dreg:$0xc] =	wrdreg s25  }
0x15: {  	s11 =	sadd.s32 $0xF8000, s7;
	[dreg:$0xd] =	wrdreg s26  }
0x16: {  	s12 =	sadd.s32 $0xF8800, s7;
	[dreg:$0xe] =	wrdreg s11  }
0x17: {  	s13 =	sadd.s32 $0xF9000, s7;
	[dreg:$0xf] =	wrdreg s12  }
0x18: {  	s14 =	sadd.s32 $0xF9800, s7;
	[dreg:$0x10] =	wrdreg s13  }
0x19: {  	s28 =	simm.s32 $0xF80;
	s7 =	sadd.s32 $0xFA000, s7;
	[dreg:$0x11] =	wrdreg s14  }
0x1a: {  	s29 =	simm.s32 $0x4F80;
	s16 =	sadd.s32 $0x17DA80, s0;
	[dreg:$0x12] =	wrdreg s7  }
0x1b: {  	s30 =	simm.s32 $0x100;
	s17 =	sadd.s32 $0x17E280, s0;
	[dreg:$0x14] =	wrdreg s16  }
0x1c: {  	s23 =	smul.u32 $0x958, s10;
	s19 =	sadd.s32 $0x17EA80, s0;
	[dreg:$0x15] =	wrdreg s17  }
0x1d: {  	s31 =	simm.s32 $0x8F80;
	s20 =	sadd.s32 $0x183280, s0;
	[dreg:$0x17] =	wrdreg s19  }
0x1e: {  	s5 =	sadd.s32 $0xF100, s23;
	s23 =	sadd.s32 $0x184280, s0;
	[dreg:$0x18] =	wrdreg s20  }
0x1f: {  	p0 =	sne.s32 s10, $0xF;
	[dreg:$0x1b] =	wrdreg s23;
	s25 =	sadd.s32 $0x185280, s0  }
0x20: {  	p2 =	seq.s32 s10, $0xF;
	s26 =	sadd.s32 $0x185A80, s0;
	[dreg:$0x1d] =	wrdreg s25  }
0x21: {  	p1 =	seq.s32 s6, $0x1;
	s7 =	sadd.s32 $0x186280, s0;
	[dreg:$0x1e] =	wrdreg s26  }
0x22: {  	p0 =	por !p0, !p1;
	s17 =	sadd.s32 $0x17F280, s0;
	[dreg:$0x1f] =	wrdreg s7  }
0x23: {  	p2 =	por !p2, !p1;
	s19 =	sadd.s32 $0x180280, s0;
	[smem:$0x7F3] =	sst s17  }
0x24: {  	p1 =	sne.s32 s6, $0x0;
	s20 =	sadd.s32 $0x180A80, s0;
	[smem:$0x7F5] =	sst s19  }
0x25: {  	s24 =	sshrl.u32 s5, $0x3;
	s23 =	sadd.s32 $0x181A80, s0;
	[smem:$0x7F6] =	sst s20  }
0x26: {  	s6 =	simm.s32 $0x900;
	s18 =	sadd.s32 s4, s24;
	[smem:$0x7F9] =	sst s23  }
0x27: {  	p0 =	por !p0, !p0;
	s4 =	sadd.s32 $0x2FA5, s4;
	[dreg:$0x16] =	wrdreg s18  }
0x28: {  	s22 =	smul.u32 $0x9580, s10;
	s24 =	sadd.s32 $0x184A80, s0;
	[dreg:$0x19] =	wrdreg s4  }
0x29: {  	p2 =	por !p2, !p2;
	[dreg:$0x1c] =	wrdreg s24;
	s18 =	sadd.s32 $0x17FA80, s0  }
0x2a: {  	s4 =	sadd.s32 s0, s22;
	s24 =	sadd.s32 $0x182280, s0;
	[smem:$0x7F4] =	sst s18  }
0x2b: {  	s5 =	sshll.u32 s5, $0x4;
	s8 =	sadd.s32 $0xF1800, s4;
	[smem:$0x7FA] =	sst s24  }
0x2c: {  	s17 =	simm.s32 $0x700;
	s9 =	sadd.s32 $0xF2000, s4;
	[smem:$0x7EB] =	sst s8  }
0x2d: {  	s19 =	simm.s32 $0x780;
	s11 =	sadd.s32 $0xF2800, s4;
	[smem:$0x7EC] =	sst s9  }
0x2e: {  	s20 =	simm.s32 $0x800;
	s12 =	sadd.s32 $0xF3800, s4;
	[smem:$0x7ED] =	sst s11  }
0x2f: {  	s23 =	simm.s32 $0x0;
	s13 =	sadd.s32 $0xF4000, s4;
	[smem:$0x7EE] =	sst s12  }
0x30: {  	s22 =	smul.u32 $0xF100, s10;
	s14 =	sadd.s32 $0xF4800, s4;
	[smem:$0x7EF] =	sst s13  }
0x31: {  	s10 =	simm.s32 $0x300;
	s15 =	sadd.s32 $0xF5800, s4;
	[smem:$0x7F0] =	sst s14  }
0x32: {  	s16 =	sadd.s32 $0xF6000, s4;
	s4 =	sadd.s32 $0xF6800, s4;
	[smem:$0x7F1] =	sst s15  }
0x33: {  	s18 =	smax.u32 s1, $0x1;
	s1 =	simm.s32 $0xCF80;
	[smem:$0x7F2] =	sst s16  }
0x34: {  	s24 =	simm.s32 $0x380;
	s11 =	sadd.s32 s0, s5;
	[smem:$0x7F7] =	sst s4  }
0x35: {  	s21 =	sadd.s32 s22, s0;
	s0 =	sadd.s32 $0x182A80, s0;
	s4 =	simm.s32 $0x1  }
0x36: {  	s5 =	simm.s32 $0x2;
	s8 =	simm.s32 $0x200;
	s9 =	simm.s32 $0x280  }
.Ltmp0:
0x37: {  	s12 =	simm.s32 $0x480;
	s13 =	simm.s32 $0x500;
	(pc) =	sbr.rel .LBB2_1-.Ltmp0, $4  }
0x38: {  	s14 =	simm.s32 $0x580;
	s15 =	simm.s32 $0x600;
	s16 =	simm.s32 $0x680  }
0x39: {  	s22 =	simm.s32 $0x880;
	[smem:$0x7FB] =	sst s0;
	s25 =	sadd.s32 $0x2000, s11  }
0x3a: {  	s26 =	sadd.s32 $0x4000, s11;
	s0 =	simm.s32 $0x180;
	[smem:$0x7FC] =	sst s25  }
0x3b: {  	[smem:$0x7FD] =	sst s26;
	s25 =	simm.s32 $0x3;
	s26 =	simm.s32 $0x80  }
.LBB2_9:
0x3c: {  	s23 =	sadd.s32 $0x1, s23  }
0x3d: {  	p3 =	sne.s32 s23, s18  }
.Ltmp1:
0x3e: {  	_ = 	snop;
	(pc) =	sbr.rel @!p3 .LBB2_10-.Ltmp1, $1  }
0x3f: {  	_ =	sdelay $0x3  }
.LBB2_1:
.Ltmp2:
0x40: {  	(pc) =	sbr.rel @p1 .LBB2_5-.Ltmp2, $1  }
0x41: {  	_ =	sdelay $0x3  }
0x42: {  	s7 =	simm.s32 $0x0;
	s8 =	rddreg [dreg:$0x4]  }
0x43: {  	[tilespmem:s7], [sflag:$0x3] =	stream.linear.gather [hbm4b:s8+s7], $0xF10, $0x38;
	[tilespmem:$0x10F80] =	vst v63  }
0x44: {  	_ =	swait.ge [sflag:s25], $0xF10  }
0x45: {  	[sflag:s25] =	ssyncset.done $0x0  }
0x46: {  	[sflag:s25] =	ssyncadd.s32 $0xFFFFF0F0  }
0x47: {  	[tilespmem:s28], [sflag:$0x1] =	stream.indirect.gather [hbm4b:s2+s26], $0x80, s7, s26, $0xb8;
	[tilespmem:$0x10F80] =	vst v63  }
0x48: {  	_ = 	snop  }
0x49: {  	[tilespmem:s29], [sflag:$0x1] =	stream.indirect.gather [hbm4b:s2+s26], $0x80, s26, s26, $0xb8;
	[tilespmem:$0x10F80] =	vst v63  }
0x4a: {  	_ = 	snop  }
0x4b: {  	[tilespmem:s31], [sflag:$0x1] =	stream.indirect.gather [hbm4b:s2+s26], $0x80, s30, s26, $0xb8;
	[tilespmem:$0x10F80] =	vst v63  }
0x4c: {  	_ = 	snop  }
0x4d: {  	[tilespmem:s1], [sflag:$0x1] =	stream.indirect.gather [hbm4b:s2+s26], $0x80, s0, s26, $0xb8;
	[tilespmem:$0x10F80] =	vst v63  }
0x4e: {  	_ =	swait.ge [sflag:s4], $0x4000  }
0x4f: {  	[sflag:s4] =	ssyncset.done $0x0  }
0x50: {  	s9 =	sadd.s32 $0x0, s21;
	[sflag:s4] =	ssyncadd.s32 $0xFFFFC000  }
0x51: {  	[hbm4b:s9+s3] =	stream.linear.scatter [tilespmem:s28], [sflag:$0x2], $0x4000, $0x38;
	[tilespmem:$0x10F80] =	vst v63  }
0x52: {  	_ =	swait.ge [sflag:s4], $0x4000  }
0x53: {  	[sflag:s4] =	ssyncset.done $0x0  }
0x54: {  	s10 =	sadd.s32 $0x800, s9;
	[sflag:s4] =	ssyncadd.s32 $0xFFFFC000  }
0x55: {  	[hbm4b:s10+s3] =	stream.linear.scatter [tilespmem:s29], [sflag:$0x2], $0x4000, $0x38;
	[tilespmem:$0x10F80] =	vst v63  }
0x56: {  	_ =	swait.ge [sflag:s4], $0x4000  }
0x57: {  	[sflag:s4] =	ssyncset.done $0x0  }
0x58: {  	s24 =	sadd.s32 $0x1000, s9;
	[sflag:s4] =	ssyncadd.s32 $0xFFFFC000  }
0x59: {  	[hbm4b:s24+s3] =	stream.linear.scatter [tilespmem:s31], [sflag:$0x2], $0x4000, $0x38;
	[tilespmem:$0x10F80] =	vst v63  }
0x5a: {  	_ =	swait.ge [sflag:s4], $0x4000  }
0x5b: {  	[sflag:s4] =	ssyncset.done $0x0  }
0x5c: {  	s7 =	sadd.s32 $0x1800, s9;
	[sflag:s4] =	ssyncadd.s32 $0xFFFFC000  }
0x5d: {  	[hbm4b:s7+s3] =	stream.linear.scatter [tilespmem:s1], [sflag:$0x2], $0x4000, $0x38;
	[tilespmem:$0x10F80] =	vst v63  }
0x5e: {  	_ =	swait.ge [sflag:s5], $0x4000  }
0x5f: {  	[sflag:s5] =	ssyncset.done $0x0  }
0x60: {  	s9 =	simm.s32 $0x200;
	[sflag:s5] =	ssyncadd.s32 $0xFFFFC000  }
0x61: {  	[tilespmem:s28], [sflag:$0x1] =	stream.indirect.gather [hbm4b:s2+s26], $0x80, s9, s26, $0xb8;
	[tilespmem:$0x10F80] =	vst v63  }
0x62: {  	_ =	swait.ge [sflag:s5], $0x4000  }
0x63: {  	[sflag:s5] =	ssyncset.done $0x0  }
0x64: {  	s10 =	simm.s32 $0x280;
	[sflag:s5] =	ssyncadd.s32 $0xFFFFC000  }
0x65: {  	[tilespmem:s29], [sflag:$0x1] =	stream.indirect.gather [hbm4b:s2+s26], $0x80, s10, s26, $0xb8;
	[tilespmem:$0x10F80] =	vst v63  }
0x66: {  	_ =	swait.ge [sflag:s5], $0x4000  }
0x67: {  	[sflag:s5] =	ssyncset.done $0x0  }
0x68: {  	s24 =	simm.s32 $0x300;
	[sflag:s5] =	ssyncadd.s32 $0xFFFFC000  }
0x69: {  	[tilespmem:s31], [sflag:$0x1] =	stream.indirect.gather [hbm4b:s2+s26], $0x80, s24, s26, $0xb8;
	[tilespmem:$0x10F80] =	vst v63  }
0x6a: {  	_ =	swait.ge [sflag:s5], $0x4000  }
0x6b: {  	s8 =	simm.s32 $0x580;
	[sflag:s5] =	ssyncset.done $0x0  }
0x6c: {  	s7 =	simm.s32 $0x380;
	s24 =	simm.s32 $0x2000;
	[sflag:s5] =	ssyncadd.s32 $0xFFFFC000  }
.LBB2_3:
0x6d: {  	[tilespmem:s1], [sflag:$0x1] =	stream.indirect.gather [hbm4b:s2+s26], $0x80, s7, s26, $0xb8;
	[tilespmem:$0x10F80] =	vst v63  }
0x6e: {  	s9 =	smov.u32 s24;
	s7 =	smov.u32 s8  }
0x6f: {  	p3 =	sne.s32 s24, $0xA000;
	s24 =	sadd.s32 $0x2000, s24;
	_ =	swait.ge [sflag:s4], $0x4000  }
0x70: {  	[sflag:s4] =	ssyncset.done $0x0  }
0x71: {  	s9 =	sadd.s32 s9, s21;
	[sflag:s4] =	ssyncadd.s32 $0xFFFFC000  }
0x72: {  	[hbm4b:s9+s3] =	stream.linear.scatter [tilespmem:s28], [sflag:$0x2], $0x4000, $0x38;
	[tilespmem:$0x10F80] =	vst v63  }
0x73: {  	_ =	swait.ge [sflag:s4], $0x4000  }
0x74: {  	[sflag:s4] =	ssyncset.done $0x0  }
0x75: {  	s10 =	sadd.s32 $0x800, s9;
	[sflag:s4] =	ssyncadd.s32 $0xFFFFC000  }
0x76: {  	[hbm4b:s10+s3] =	stream.linear.scatter [tilespmem:s29], [sflag:$0x2], $0x4000, $0x38;
	[tilespmem:$0x10F80] =	vst v63  }
0x77: {  	_ =	swait.ge [sflag:s4], $0x4000  }
0x78: {  	[sflag:s4] =	ssyncset.done $0x0  }
0x79: {  	s10 =	sadd.s32 $0x1000, s9;
	[sflag:s4] =	ssyncadd.s32 $0xFFFFC000  }
0x7a: {  	[hbm4b:s10+s3] =	stream.linear.scatter [tilespmem:s31], [sflag:$0x2], $0x4000, $0x38;
	[tilespmem:$0x10F80] =	vst v63  }
0x7b: {  	_ =	swait.ge [sflag:s4], $0x4000  }
0x7c: {  	[sflag:s4] =	ssyncset.done $0x0  }
0x7d: {  	s9 =	sadd.s32 $0x1800, s9;
	[sflag:s4] =	ssyncadd.s32 $0xFFFFC000  }
0x7e: {  	[hbm4b:s9+s3] =	stream.linear.scatter [tilespmem:s1], [sflag:$0x2], $0x4000, $0x38;
	[tilespmem:$0x10F80] =	vst v63  }
0x7f: {  	_ =	swait.ge [sflag:s5], $0x4000  }
0x80: {  	[sflag:s5] =	ssyncset.done $0x0  }
0x81: {  	s9 =	sadd.s32 $0xFFFFFE80, s8;
	[sflag:s5] =	ssyncadd.s32 $0xFFFFC000  }
0x82: {  	[tilespmem:s28], [sflag:$0x1] =	stream.indirect.gather [hbm4b:s2+s26], $0x80, s9, s26, $0xb8;
	[tilespmem:$0x10F80] =	vst v63  }
0x83: {  	_ =	swait.ge [sflag:s5], $0x4000  }
0x84: {  	[sflag:s5] =	ssyncset.done $0x0  }
0x85: {  	s9 =	sadd.s32 $0xFFFFFF00, s8;
	[sflag:s5] =	ssyncadd.s32 $0xFFFFC000  }
0x86: {  	[tilespmem:s29], [sflag:$0x1] =	stream.indirect.gather [hbm4b:s2+s26], $0x80, s9, s26, $0xb8;
	[tilespmem:$0x10F80] =	vst v63  }
0x87: {  	_ =	swait.ge [sflag:s5], $0x4000  }
0x88: {  	[sflag:s5] =	ssyncset.done $0x0  }
.Ltmp3:
0x89: {  	s9 =	sadd.s32 $0xFFFFFF80, s8;
	[sflag:s5] =	ssyncadd.s32 $0xFFFFC000;
	(pc) =	sbr.rel @p3 .LBB2_3-.Ltmp3, $4  }
0x8a: {  	[tilespmem:s31], [sflag:$0x1] =	stream.indirect.gather [hbm4b:s2+s26], $0x80, s9, s26, $0xb8;
	[tilespmem:$0x10F80] =	vst v63  }
0x8b: {  	_ =	swait.ge [sflag:s5], $0x4000  }
0x8c: {  	[sflag:s5] =	ssyncset.done $0x0  }
0x8d: {  	s8 =	sadd.s32 $0x200, s8;
	[sflag:s5] =	ssyncadd.s32 $0xFFFFC000  }
0x8e: {  	[tilespmem:s1], [sflag:$0x1] =	stream.indirect.gather [hbm4b:s2+s26], $0x80, s7, s26, $0xb8;
	[tilespmem:$0x10F80] =	vst v63  }
0x8f: {  	_ =	swait.ge [sflag:s4], $0x4000  }
0x90: {  	[sflag:s4] =	ssyncset.done $0x0  }
0x91: {  	s9 =	rddreg [dreg:$0x5];
	[sflag:s4] =	ssyncadd.s32 $0xFFFFC000  }
0x92: {  	[hbm4b:s9+s3] =	stream.linear.scatter [tilespmem:s28], [sflag:$0x2], $0x4000, $0x38;
	[tilespmem:$0x10F80] =	vst v63  }
0x93: {  	_ =	swait.ge [sflag:s4], $0x4000  }
0x94: {  	[sflag:s4] =	ssyncset.done $0x0  }
0x95: {  	s10 =	rddreg [dreg:$0x6];
	[sflag:s4] =	ssyncadd.s32 $0xFFFFC000  }
0x96: {  	[hbm4b:s10+s3] =	stream.linear.scatter [tilespmem:s29], [sflag:$0x2], $0x4000, $0x38;
	[tilespmem:$0x10F80] =	vst v63  }
0x97: {  	_ =	swait.ge [sflag:s4], $0x4000  }
0x98: {  	[sflag:s4] =	ssyncset.done $0x0  }
0x99: {  	s24 =	rddreg [dreg:$0x7];
	[sflag:s4] =	ssyncadd.s32 $0xFFFFC000  }
0x9a: {  	[hbm4b:s24+s3] =	stream.linear.scatter [tilespmem:s31], [sflag:$0x2], $0x4000, $0x38;
	[tilespmem:$0x10F80] =	vst v63  }
0x9b: {  	_ =	swait.ge [sflag:s4], $0x4000  }
0x9c: {  	[sflag:s4] =	ssyncset.done $0x0  }
0x9d: {  	s8 =	rddreg [dreg:$0x8];
	[sflag:s4] =	ssyncadd.s32 $0xFFFFC000  }
0x9e: {  	[hbm4b:s8+s3] =	stream.linear.scatter [tilespmem:s1], [sflag:$0x2], $0x4000, $0x38;
	[tilespmem:$0x10F80] =	vst v63  }
0x9f: {  	_ =	swait.ge [sflag:s5], $0x4000  }
0xa0: {  	[sflag:s5] =	ssyncset.done $0x0  }
0xa1: {  	s9 =	simm.s32 $0xE00;
	[sflag:s5] =	ssyncadd.s32 $0xFFFFC000  }
0xa2: {  	[tilespmem:s28], [sflag:$0x1] =	stream.indirect.gather [hbm4b:s2+s26], $0x80, s9, s26, $0xb8;
	[tilespmem:$0x10F80] =	vst v63  }
0xa3: {  	_ =	swait.ge [sflag:s5], $0x4000  }
0xa4: {  	[sflag:s5] =	ssyncset.done $0x0  }
0xa5: {  	s10 =	simm.s32 $0xE80;
	[sflag:s5] =	ssyncadd.s32 $0xFFFFC000  }
0xa6: {  	[tilespmem:s29], [sflag:$0x1] =	stream.indirect.gather [hbm4b:s2+s26], $0x80, s10, s26, $0xb8;
	[tilespmem:$0x10F80] =	vst v63  }
0xa7: {  	_ =	swait.ge [sflag:s5], $0x4000  }
0xa8: {  	[sflag:s5] =	ssyncset.done $0x0  }
0xa9: {  	s24 =	simm.s32 $0x10;
	s8 =	simm.s32 $0xF00;
	[sflag:s5] =	ssyncadd.s32 $0xFFFFC000  }
0xaa: {  	[tilespmem:s31], [sflag:$0x1] =	stream.indirect.gather [hbm4b:s2+s24], $0x80, s8, s24, $0xb8;
	[tilespmem:$0x10F80] =	vst v63  }
0xab: {  	_ =	swait.ge [sflag:s5], $0x4000  }
0xac: {  	[sflag:s5] =	ssyncset.done $0x0  }
0xad: {  	[sflag:s5] =	ssyncadd.s32 $0xFFFFC000  }
0xae: {  	_ =	swait.ge [sflag:s4], $0x4000  }
0xaf: {  	[sflag:s4] =	ssyncset.done $0x0  }
0xb0: {  	s9 =	rddreg [dreg:$0x9];
	[sflag:s4] =	ssyncadd.s32 $0xFFFFC000  }
0xb1: {  	[hbm4b:s9+s3] =	stream.linear.scatter [tilespmem:s28], [sflag:$0x2], $0x4000, $0x38;
	[tilespmem:$0x10F80] =	vst v63  }
0xb2: {  	_ =	swait.ge [sflag:s4], $0x4000  }
0xb3: {  	[sflag:s4] =	ssyncset.done $0x0  }
0xb4: {  	s10 =	rddreg [dreg:$0xa];
	[sflag:s4] =	ssyncadd.s32 $0xFFFFC000  }
0xb5: {  	[hbm4b:s10+s3] =	stream.linear.scatter [tilespmem:s29], [sflag:$0x2], $0x4000, $0x38;
	[tilespmem:$0x10F80] =	vst v63  }
0xb6: {  	_ =	swait.ge [sflag:s4], $0x800  }
0xb7: {  	[sflag:s4] =	ssyncset.done $0x0  }
0xb8: {  	s24 =	rddreg [dreg:$0xb];
	[sflag:s4] =	ssyncadd.s32 $0xFFFFF800  }
0xb9: {  	[hbm4b:s24+s3] =	stream.linear.scatter [tilespmem:s31], [sflag:$0x2], $0x800, $0x38;
	[tilespmem:$0x10F80] =	vst v63  }
0xba: {  	_ =	swait.ge [sflag:s5], $0x4000  }
0xbb: {  	[sflag:s5] =	ssyncset.done $0x0  }
0xbc: {  	[sflag:s5] =	ssyncadd.s32 $0xFFFFC000  }
0xbd: {  	_ =	swait.ge [sflag:s5], $0x4000  }
0xbe: {  	[sflag:s5] =	ssyncset.done $0x0  }
0xbf: {  	[sflag:s5] =	ssyncadd.s32 $0xFFFFC000  }
0xc0: {  	_ =	swait.ge [sflag:s5], $0x800  }
0xc1: {  	s8 =	simm.s32 $0x200;
	s9 =	simm.s32 $0x280;
	[sflag:s5] =	ssyncset.done $0x0  }
0xc2: {  	s10 =	simm.s32 $0x300;
	s24 =	simm.s32 $0x380;
	[sflag:s5] =	ssyncadd.s32 $0xFFFFF800  }
.LBB2_5:
.Ltmp4:
0xc3: {  	(pc) =	sbr.rel @!p0 .LBB2_7-.Ltmp4, $1  }
0xc4: {  	_ =	sdelay $0x3  }
0xc5: {  	s7 =	rddreg [dreg:$0x16]  }
0xc6: {  	[tilespmem:s3], [sflag:$0x3] =	stream.linear.gather [hbm4b:s7+s3], $0x958, $0x38;
	[tilespmem:$0x10F80] =	vst v63  }
0xc7: {  	_ =	swait.ge [sflag:s25], $0x958  }
0xc8: {  	[sflag:s25] =	ssyncset.done $0x0  }
0xc9: {  	[sflag:s25] =	ssyncadd.s32 $0xFFFFF6A8  }
0xca: {  	[tilespmem:s28], [sflag:$0x1] =	stream.indirect.gather [hbm4b:s2+s26], $0x80, s3, s26, $0xb8;
	[tilespmem:$0x10F80] =	vst v63  }
0xcb: {  	_ = 	snop  }
0xcc: {  	[tilespmem:s29], [sflag:$0x1] =	stream.indirect.gather [hbm4b:s2+s26], $0x80, s26, s26, $0xb8;
	[tilespmem:$0x10F80] =	vst v63  }
0xcd: {  	_ = 	snop  }
0xce: {  	[tilespmem:s31], [sflag:$0x1] =	stream.indirect.gather [hbm4b:s2+s26], $0x80, s30, s26, $0xb8;
	[tilespmem:$0x10F80] =	vst v63  }
0xcf: {  	_ = 	snop  }
0xd0: {  	[tilespmem:s1], [sflag:$0x1] =	stream.indirect.gather [hbm4b:s2+s26], $0x80, s0, s26, $0xb8;
	[tilespmem:$0x10F80] =	vst v63  }
0xd1: {  	_ =	swait.ge [sflag:s4], $0x4000  }
0xd2: {  	[sflag:s4] =	ssyncset.done $0x0  }
0xd3: {  	[sflag:s4] =	ssyncadd.s32 $0xFFFFC000  }
0xd4: {  	[hbm4b:s11+s3] =	stream.linear.scatter [tilespmem:s28], [sflag:$0x2], $0x4000, $0x38;
	[tilespmem:$0x10F80] =	vst v63  }
0xd5: {  	_ =	swait.ge [sflag:s4], $0x4000  }
0xd6: {  	s7 =	sld [smem:$0x7EB]  }
0xd7: {  	[sflag:s4] =	ssyncset.done $0x0  }
0xd8: {  	[sflag:s4] =	ssyncadd.s32 $0xFFFFC000  }
0xd9: {  	[hbm4b:s7+s3] =	stream.linear.scatter [tilespmem:s29], [sflag:$0x2], $0x4000, $0x38;
	[tilespmem:$0x10F80] =	vst v63  }
0xda: {  	_ =	swait.ge [sflag:s4], $0x4000  }
0xdb: {  	s7 =	sld [smem:$0x7EC]  }
0xdc: {  	[sflag:s4] =	ssyncset.done $0x0  }
0xdd: {  	[sflag:s4] =	ssyncadd.s32 $0xFFFFC000  }
0xde: {  	[hbm4b:s7+s3] =	stream.linear.scatter [tilespmem:s31], [sflag:$0x2], $0x4000, $0x38;
	[tilespmem:$0x10F80] =	vst v63  }
0xdf: {  	_ =	swait.ge [sflag:s4], $0x4000  }
0xe0: {  	s7 =	sld [smem:$0x7ED]  }
0xe1: {  	[sflag:s4] =	ssyncset.done $0x0  }
0xe2: {  	[sflag:s4] =	ssyncadd.s32 $0xFFFFC000  }
0xe3: {  	[hbm4b:s7+s3] =	stream.linear.scatter [tilespmem:s1], [sflag:$0x2], $0x4000, $0x38;
	[tilespmem:$0x10F80] =	vst v63  }
0xe4: {  	_ =	swait.ge [sflag:s5], $0x4000  }
0xe5: {  	[sflag:s5] =	ssyncset.done $0x0  }
0xe6: {  	[sflag:s5] =	ssyncadd.s32 $0xFFFFC000  }
0xe7: {  	[tilespmem:s28], [sflag:$0x1] =	stream.indirect.gather [hbm4b:s2+s26], $0x80, s8, s26, $0xb8;
	[tilespmem:$0x10F80] =	vst v63  }
0xe8: {  	_ =	swait.ge [sflag:s5], $0x4000  }
0xe9: {  	[sflag:s5] =	ssyncset.done $0x0  }
0xea: {  	[sflag:s5] =	ssyncadd.s32 $0xFFFFC000  }
0xeb: {  	[tilespmem:s29], [sflag:$0x1] =	stream.indirect.gather [hbm4b:s2+s26], $0x80, s9, s26, $0xb8;
	[tilespmem:$0x10F80] =	vst v63  }
0xec: {  	_ =	swait.ge [sflag:s5], $0x4000  }
0xed: {  	[sflag:s5] =	ssyncset.done $0x0  }
0xee: {  	[sflag:s5] =	ssyncadd.s32 $0xFFFFC000  }
0xef: {  	[tilespmem:s31], [sflag:$0x1] =	stream.indirect.gather [hbm4b:s2+s26], $0x80, s10, s26, $0xb8;
	[tilespmem:$0x10F80] =	vst v63  }
0xf0: {  	_ =	swait.ge [sflag:s5], $0x4000  }
0xf1: {  	[sflag:s5] =	ssyncset.done $0x0  }
0xf2: {  	[sflag:s5] =	ssyncadd.s32 $0xFFFFC000  }
0xf3: {  	[tilespmem:s1], [sflag:$0x1] =	stream.indirect.gather [hbm4b:s2+s26], $0x80, s24, s26, $0xb8;
	[tilespmem:$0x10F80] =	vst v63  }
0xf4: {  	_ =	swait.ge [sflag:s4], $0x4000  }
0xf5: {  	s7 =	sld [smem:$0x7FC]  }
0xf6: {  	[sflag:s4] =	ssyncset.done $0x0  }
0xf7: {  	[sflag:s4] =	ssyncadd.s32 $0xFFFFC000  }
0xf8: {  	[hbm4b:s7+s3] =	stream.linear.scatter [tilespmem:s28], [sflag:$0x2], $0x4000, $0x38;
	[tilespmem:$0x10F80] =	vst v63  }
0xf9: {  	_ =	swait.ge [sflag:s4], $0x4000  }
0xfa: {  	s7 =	sld [smem:$0x7EE]  }
0xfb: {  	[sflag:s4] =	ssyncset.done $0x0  }
0xfc: {  	[sflag:s4] =	ssyncadd.s32 $0xFFFFC000  }
0xfd: {  	[hbm4b:s7+s3] =	stream.linear.scatter [tilespmem:s29], [sflag:$0x2], $0x4000, $0x38;
	[tilespmem:$0x10F80] =	vst v63  }
0xfe: {  	_ =	swait.ge [sflag:s4], $0x4000  }
0xff: {  	s7 =	sld [smem:$0x7EF]  }
0x100: {  	[sflag:s4] =	ssyncset.done $0x0  }
0x101: {  	[sflag:s4] =	ssyncadd.s32 $0xFFFFC000  }
0x102: {  	[hbm4b:s7+s3] =	stream.linear.scatter [tilespmem:s31], [sflag:$0x2], $0x4000, $0x38;
	[tilespmem:$0x10F80] =	vst v63  }
0x103: {  	_ =	swait.ge [sflag:s4], $0x4000  }
0x104: {  	s7 =	sld [smem:$0x7F0]  }
0x105: {  	[sflag:s4] =	ssyncset.done $0x0  }
0x106: {  	[sflag:s4] =	ssyncadd.s32 $0xFFFFC000  }
0x107: {  	[hbm4b:s7+s3] =	stream.linear.scatter [tilespmem:s1], [sflag:$0x2], $0x4000, $0x38;
	[tilespmem:$0x10F80] =	vst v63  }
0x108: {  	_ =	swait.ge [sflag:s5], $0x4000  }
0x109: {  	[sflag:s5] =	ssyncset.done $0x0  }
0x10a: {  	s7 =	simm.s32 $0x400;
	[sflag:s5] =	ssyncadd.s32 $0xFFFFC000  }
0x10b: {  	[tilespmem:s28], [sflag:$0x1] =	stream.indirect.gather [hbm4b:s2+s26], $0x80, s7, s26, $0xb8;
	[tilespmem:$0x10F80] =	vst v63  }
0x10c: {  	_ =	swait.ge [sflag:s5], $0x4000  }
0x10d: {  	[sflag:s5] =	ssyncset.done $0x0  }
0x10e: {  	[sflag:s5] =	ssyncadd.s32 $0xFFFFC000  }
0x10f: {  	[tilespmem:s29], [sflag:$0x1] =	stream.indirect.gather [hbm4b:s2+s26], $0x80, s12, s26, $0xb8;
	[tilespmem:$0x10F80] =	vst v63  }
0x110: {  	_ =	swait.ge [sflag:s5], $0x4000  }
0x111: {  	[sflag:s5] =	ssyncset.done $0x0  }
0x112: {  	[sflag:s5] =	ssyncadd.s32 $0xFFFFC000  }
0x113: {  	[tilespmem:s31], [sflag:$0x1] =	stream.indirect.gather [hbm4b:s2+s26], $0x80, s13, s26, $0xb8;
	[tilespmem:$0x10F80] =	vst v63  }
0x114: {  	_ =	swait.ge [sflag:s5], $0x4000  }
0x115: {  	[sflag:s5] =	ssyncset.done $0x0  }
0x116: {  	[sflag:s5] =	ssyncadd.s32 $0xFFFFC000  }
0x117: {  	[tilespmem:s1], [sflag:$0x1] =	stream.indirect.gather [hbm4b:s2+s26], $0x80, s14, s26, $0xb8;
	[tilespmem:$0x10F80] =	vst v63  }
0x118: {  	_ =	swait.ge [sflag:s4], $0x4000  }
0x119: {  	s7 =	sld [smem:$0x7FD]  }
0x11a: {  	[sflag:s4] =	ssyncset.done $0x0  }
0x11b: {  	[sflag:s4] =	ssyncadd.s32 $0xFFFFC000  }
0x11c: {  	[hbm4b:s7+s3] =	stream.linear.scatter [tilespmem:s28], [sflag:$0x2], $0x4000, $0x38;
	[tilespmem:$0x10F80] =	vst v63  }
0x11d: {  	_ =	swait.ge [sflag:s4], $0x4000  }
0x11e: {  	s7 =	sld [smem:$0x7F1]  }
0x11f: {  	[sflag:s4] =	ssyncset.done $0x0  }
0x120: {  	[sflag:s4] =	ssyncadd.s32 $0xFFFFC000  }
0x121: {  	[hbm4b:s7+s3] =	stream.linear.scatter [tilespmem:s29], [sflag:$0x2], $0x4000, $0x38;
	[tilespmem:$0x10F80] =	vst v63  }
0x122: {  	_ =	swait.ge [sflag:s4], $0x4000  }
0x123: {  	s7 =	sld [smem:$0x7F2]  }
0x124: {  	[sflag:s4] =	ssyncset.done $0x0  }
0x125: {  	[sflag:s4] =	ssyncadd.s32 $0xFFFFC000  }
0x126: {  	[hbm4b:s7+s3] =	stream.linear.scatter [tilespmem:s31], [sflag:$0x2], $0x4000, $0x38;
	[tilespmem:$0x10F80] =	vst v63  }
0x127: {  	_ =	swait.ge [sflag:s4], $0x4000  }
0x128: {  	s7 =	sld [smem:$0x7F7]  }
0x129: {  	[sflag:s4] =	ssyncset.done $0x0  }
0x12a: {  	[sflag:s4] =	ssyncadd.s32 $0xFFFFC000  }
0x12b: {  	[hbm4b:s7+s3] =	stream.linear.scatter [tilespmem:s1], [sflag:$0x2], $0x4000, $0x38;
	[tilespmem:$0x10F80] =	vst v63  }
0x12c: {  	_ =	swait.ge [sflag:s5], $0x4000  }
0x12d: {  	[sflag:s5] =	ssyncset.done $0x0  }
0x12e: {  	[sflag:s5] =	ssyncadd.s32 $0xFFFFC000  }
0x12f: {  	[tilespmem:s28], [sflag:$0x1] =	stream.indirect.gather [hbm4b:s2+s26], $0x80, s15, s26, $0xb8;
	[tilespmem:$0x10F80] =	vst v63  }
0x130: {  	_ =	swait.ge [sflag:s5], $0x4000  }
0x131: {  	[sflag:s5] =	ssyncset.done $0x0  }
0x132: {  	[sflag:s5] =	ssyncadd.s32 $0xFFFFC000  }
0x133: {  	[tilespmem:s29], [sflag:$0x1] =	stream.indirect.gather [hbm4b:s2+s26], $0x80, s16, s26, $0xb8;
	[tilespmem:$0x10F80] =	vst v63  }
0x134: {  	_ =	swait.ge [sflag:s5], $0x4000  }
0x135: {  	[sflag:s5] =	ssyncset.done $0x0  }
0x136: {  	[sflag:s5] =	ssyncadd.s32 $0xFFFFC000  }
0x137: {  	[tilespmem:s31], [sflag:$0x1] =	stream.indirect.gather [hbm4b:s2+s26], $0x80, s17, s26, $0xb8;
	[tilespmem:$0x10F80] =	vst v63  }
0x138: {  	_ =	swait.ge [sflag:s5], $0x4000  }
0x139: {  	[sflag:s5] =	ssyncset.done $0x0  }
0x13a: {  	[sflag:s5] =	ssyncadd.s32 $0xFFFFC000  }
0x13b: {  	[tilespmem:s1], [sflag:$0x1] =	stream.indirect.gather [hbm4b:s2+s26], $0x80, s19, s26, $0xb8;
	[tilespmem:$0x10F80] =	vst v63  }
0x13c: {  	_ =	swait.ge [sflag:s4], $0x4000  }
0x13d: {  	[sflag:s4] =	ssyncset.done $0x0  }
0x13e: {  	s7 =	rddreg [dreg:$0xc];
	[sflag:s4] =	ssyncadd.s32 $0xFFFFC000  }
0x13f: {  	[hbm4b:s7+s3] =	stream.linear.scatter [tilespmem:s28], [sflag:$0x2], $0x4000, $0x38;
	[tilespmem:$0x10F80] =	vst v63  }
0x140: {  	_ =	swait.ge [sflag:s4], $0x4000  }
0x141: {  	[sflag:s4] =	ssyncset.done $0x0  }
0x142: {  	s7 =	rddreg [dreg:$0xd];
	[sflag:s4] =	ssyncadd.s32 $0xFFFFC000  }
0x143: {  	[hbm4b:s7+s3] =	stream.linear.scatter [tilespmem:s29], [sflag:$0x2], $0x4000, $0x38;
	[tilespmem:$0x10F80] =	vst v63  }
0x144: {  	_ =	swait.ge [sflag:s4], $0x4000  }
0x145: {  	[sflag:s4] =	ssyncset.done $0x0  }
0x146: {  	s7 =	rddreg [dreg:$0xe];
	[sflag:s4] =	ssyncadd.s32 $0xFFFFC000  }
0x147: {  	[hbm4b:s7+s3] =	stream.linear.scatter [tilespmem:s31], [sflag:$0x2], $0x4000, $0x38;
	[tilespmem:$0x10F80] =	vst v63  }
0x148: {  	_ =	swait.ge [sflag:s4], $0x4000  }
0x149: {  	[sflag:s4] =	ssyncset.done $0x0  }
0x14a: {  	s7 =	rddreg [dreg:$0xf];
	[sflag:s4] =	ssyncadd.s32 $0xFFFFC000  }
0x14b: {  	[hbm4b:s7+s3] =	stream.linear.scatter [tilespmem:s1], [sflag:$0x2], $0x4000, $0x38;
	[tilespmem:$0x10F80] =	vst v63  }
0x14c: {  	_ =	swait.ge [sflag:s5], $0x4000  }
0x14d: {  	[sflag:s5] =	ssyncset.done $0x0  }
0x14e: {  	[sflag:s5] =	ssyncadd.s32 $0xFFFFC000  }
0x14f: {  	[tilespmem:s28], [sflag:$0x1] =	stream.indirect.gather [hbm4b:s2+s26], $0x80, s20, s26, $0xb8;
	[tilespmem:$0x10F80] =	vst v63  }
0x150: {  	_ =	swait.ge [sflag:s5], $0x4000  }
0x151: {  	[sflag:s5] =	ssyncset.done $0x0  }
0x152: {  	[sflag:s5] =	ssyncadd.s32 $0xFFFFC000  }
0x153: {  	[tilespmem:s29], [sflag:$0x1] =	stream.indirect.gather [hbm4b:s2+s26], $0x80, s22, s26, $0xb8;
	[tilespmem:$0x10F80] =	vst v63  }
0x154: {  	_ =	swait.ge [sflag:s5], $0x4000  }
0x155: {  	[sflag:s5] =	ssyncset.done $0x0  }
0x156: {  	s7 =	simm.s32 $0x58;
	[sflag:s5] =	ssyncadd.s32 $0xFFFFC000  }
0x157: {  	[tilespmem:s31], [sflag:$0x1] =	stream.indirect.gather [hbm4b:s2+s7], $0x80, s6, s7, $0xb8;
	[tilespmem:$0x10F80] =	vst v63  }
0x158: {  	_ =	swait.ge [sflag:s5], $0x4000  }
0x159: {  	[sflag:s5] =	ssyncset.done $0x0  }
0x15a: {  	[sflag:s5] =	ssyncadd.s32 $0xFFFFC000  }
0x15b: {  	_ =	swait.ge [sflag:s4], $0x4000  }
0x15c: {  	[sflag:s4] =	ssyncset.done $0x0  }
0x15d: {  	s7 =	rddreg [dreg:$0x10];
	[sflag:s4] =	ssyncadd.s32 $0xFFFFC000  }
0x15e: {  	[hbm4b:s7+s3] =	stream.linear.scatter [tilespmem:s28], [sflag:$0x2], $0x4000, $0x38;
	[tilespmem:$0x10F80] =	vst v63  }
0x15f: {  	_ =	swait.ge [sflag:s4], $0x4000  }
0x160: {  	[sflag:s4] =	ssyncset.done $0x0  }
0x161: {  	s7 =	rddreg [dreg:$0x11];
	[sflag:s4] =	ssyncadd.s32 $0xFFFFC000  }
0x162: {  	[hbm4b:s7+s3] =	stream.linear.scatter [tilespmem:s29], [sflag:$0x2], $0x4000, $0x38;
	[tilespmem:$0x10F80] =	vst v63  }
0x163: {  	_ =	swait.ge [sflag:s4], $0x2C00  }
0x164: {  	[sflag:s4] =	ssyncset.done $0x0  }
0x165: {  	s7 =	rddreg [dreg:$0x12];
	[sflag:s4] =	ssyncadd.s32 $0xFFFFD400  }
0x166: {  	[hbm4b:s7+s3] =	stream.linear.scatter [tilespmem:s31], [sflag:$0x2], $0x2C00, $0x38;
	[tilespmem:$0x10F80] =	vst v63  }
0x167: {  	_ =	swait.ge [sflag:s5], $0x4000  }
0x168: {  	[sflag:s5] =	ssyncset.done $0x0  }
0x169: {  	[sflag:s5] =	ssyncadd.s32 $0xFFFFC000  }
0x16a: {  	_ =	swait.ge [sflag:s5], $0x4000  }
0x16b: {  	[sflag:s5] =	ssyncset.done $0x0  }
0x16c: {  	[sflag:s5] =	ssyncadd.s32 $0xFFFFC000  }
0x16d: {  	_ =	swait.ge [sflag:s5], $0x2C00  }
0x16e: {  	[sflag:s5] =	ssyncset.done $0x0  }
0x16f: {  	[sflag:s5] =	ssyncadd.s32 $0xFFFFD400  }
.LBB2_7:
.Ltmp5:
0x170: {  	(pc) =	sbr.rel @!p2 .LBB2_9-.Ltmp5, $1  }
0x171: {  	_ =	sdelay $0x3  }
0x172: {  	s7 =	rddreg [dreg:$0x19]  }
0x173: {  	[tilespmem:s3], [sflag:$0x3] =	stream.linear.gather [hbm4b:s7+s3], $0x978, $0x38;
	[tilespmem:$0x10F80] =	vst v63  }
0x174: {  	_ =	swait.ge [sflag:s25], $0x978  }
0x175: {  	[sflag:s25] =	ssyncset.done $0x0  }
0x176: {  	[sflag:s25] =	ssyncadd.s32 $0xFFFFF688  }
0x177: {  	[tilespmem:s28], [sflag:$0x1] =	stream.indirect.gather [hbm4b:s2+s26], $0x80, s3, s26, $0xb8;
	[tilespmem:$0x10F80] =	vst v63  }
0x178: {  	_ = 	snop  }
0x179: {  	[tilespmem:s29], [sflag:$0x1] =	stream.indirect.gather [hbm4b:s2+s26], $0x80, s26, s26, $0xb8;
	[tilespmem:$0x10F80] =	vst v63  }
0x17a: {  	_ = 	snop  }
0x17b: {  	[tilespmem:s31], [sflag:$0x1] =	stream.indirect.gather [hbm4b:s2+s26], $0x80, s30, s26, $0xb8;
	[tilespmem:$0x10F80] =	vst v63  }
0x17c: {  	_ = 	snop  }
0x17d: {  	[tilespmem:s1], [sflag:$0x1] =	stream.indirect.gather [hbm4b:s2+s26], $0x80, s0, s26, $0xb8;
	[tilespmem:$0x10F80] =	vst v63  }
0x17e: {  	_ =	swait.ge [sflag:s4], $0x4000  }
0x17f: {  	[sflag:s4] =	ssyncset.done $0x0  }
0x180: {  	s7 =	rddreg [dreg:$0x13];
	[sflag:s4] =	ssyncadd.s32 $0xFFFFC000  }
0x181: {  	[hbm4b:s7+s3] =	stream.linear.scatter [tilespmem:s28], [sflag:$0x2], $0x4000, $0x38;
	[tilespmem:$0x10F80] =	vst v63  }
0x182: {  	_ =	swait.ge [sflag:s4], $0x4000  }
0x183: {  	[sflag:s4] =	ssyncset.done $0x0  }
0x184: {  	s7 =	rddreg [dreg:$0x14];
	[sflag:s4] =	ssyncadd.s32 $0xFFFFC000  }
0x185: {  	[hbm4b:s7+s3] =	stream.linear.scatter [tilespmem:s29], [sflag:$0x2], $0x4000, $0x38;
	[tilespmem:$0x10F80] =	vst v63  }
0x186: {  	_ =	swait.ge [sflag:s4], $0x4000  }
0x187: {  	[sflag:s4] =	ssyncset.done $0x0  }
0x188: {  	s7 =	rddreg [dreg:$0x15];
	[sflag:s4] =	ssyncadd.s32 $0xFFFFC000  }
0x189: {  	[hbm4b:s7+s3] =	stream.linear.scatter [tilespmem:s31], [sflag:$0x2], $0x4000, $0x38;
	[tilespmem:$0x10F80] =	vst v63  }
0x18a: {  	_ =	swait.ge [sflag:s4], $0x4000  }
0x18b: {  	[sflag:s4] =	ssyncset.done $0x0  }
0x18c: {  	s7 =	rddreg [dreg:$0x17];
	[sflag:s4] =	ssyncadd.s32 $0xFFFFC000  }
0x18d: {  	[hbm4b:s7+s3] =	stream.linear.scatter [tilespmem:s1], [sflag:$0x2], $0x4000, $0x38;
	[tilespmem:$0x10F80] =	vst v63  }
0x18e: {  	_ =	swait.ge [sflag:s5], $0x4000  }
0x18f: {  	[sflag:s5] =	ssyncset.done $0x0  }
0x190: {  	[sflag:s5] =	ssyncadd.s32 $0xFFFFC000  }
0x191: {  	[tilespmem:s28], [sflag:$0x1] =	stream.indirect.gather [hbm4b:s2+s26], $0x80, s8, s26, $0xb8;
	[tilespmem:$0x10F80] =	vst v63  }
0x192: {  	_ =	swait.ge [sflag:s5], $0x4000  }
0x193: {  	[sflag:s5] =	ssyncset.done $0x0  }
0x194: {  	[sflag:s5] =	ssyncadd.s32 $0xFFFFC000  }
0x195: {  	[tilespmem:s29], [sflag:$0x1] =	stream.indirect.gather [hbm4b:s2+s26], $0x80, s9, s26, $0xb8;
	[tilespmem:$0x10F80] =	vst v63  }
0x196: {  	_ =	swait.ge [sflag:s5], $0x4000  }
0x197: {  	[sflag:s5] =	ssyncset.done $0x0  }
0x198: {  	[sflag:s5] =	ssyncadd.s32 $0xFFFFC000  }
0x199: {  	[tilespmem:s31], [sflag:$0x1] =	stream.indirect.gather [hbm4b:s2+s26], $0x80, s10, s26, $0xb8;
	[tilespmem:$0x10F80] =	vst v63  }
0x19a: {  	_ =	swait.ge [sflag:s5], $0x4000  }
0x19b: {  	[sflag:s5] =	ssyncset.done $0x0  }
0x19c: {  	[sflag:s5] =	ssyncadd.s32 $0xFFFFC000  }
0x19d: {  	[tilespmem:s1], [sflag:$0x1] =	stream.indirect.gather [hbm4b:s2+s26], $0x80, s24, s26, $0xb8;
	[tilespmem:$0x10F80] =	vst v63  }
0x19e: {  	_ =	swait.ge [sflag:s4], $0x4000  }
0x19f: {  	s7 =	sld [smem:$0x7F3]  }
0x1a0: {  	[sflag:s4] =	ssyncset.done $0x0  }
0x1a1: {  	[sflag:s4] =	ssyncadd.s32 $0xFFFFC000  }
0x1a2: {  	[hbm4b:s7+s3] =	stream.linear.scatter [tilespmem:s28], [sflag:$0x2], $0x4000, $0x38;
	[tilespmem:$0x10F80] =	vst v63  }
0x1a3: {  	_ =	swait.ge [sflag:s4], $0x4000  }
0x1a4: {  	s7 =	sld [smem:$0x7F4]  }
0x1a5: {  	[sflag:s4] =	ssyncset.done $0x0  }
0x1a6: {  	[sflag:s4] =	ssyncadd.s32 $0xFFFFC000  }
0x1a7: {  	[hbm4b:s7+s3] =	stream.linear.scatter [tilespmem:s29], [sflag:$0x2], $0x4000, $0x38;
	[tilespmem:$0x10F80] =	vst v63  }
0x1a8: {  	_ =	swait.ge [sflag:s4], $0x4000  }
0x1a9: {  	s7 =	sld [smem:$0x7F5]  }
0x1aa: {  	[sflag:s4] =	ssyncset.done $0x0  }
0x1ab: {  	[sflag:s4] =	ssyncadd.s32 $0xFFFFC000  }
0x1ac: {  	[hbm4b:s7+s3] =	stream.linear.scatter [tilespmem:s31], [sflag:$0x2], $0x4000, $0x38;
	[tilespmem:$0x10F80] =	vst v63  }
0x1ad: {  	_ =	swait.ge [sflag:s4], $0x4000  }
0x1ae: {  	s7 =	sld [smem:$0x7F6]  }
0x1af: {  	[sflag:s4] =	ssyncset.done $0x0  }
0x1b0: {  	[sflag:s4] =	ssyncadd.s32 $0xFFFFC000  }
0x1b1: {  	[hbm4b:s7+s3] =	stream.linear.scatter [tilespmem:s1], [sflag:$0x2], $0x4000, $0x38;
	[tilespmem:$0x10F80] =	vst v63  }
0x1b2: {  	_ =	swait.ge [sflag:s5], $0x4000  }
0x1b3: {  	[sflag:s5] =	ssyncset.done $0x0  }
0x1b4: {  	s7 =	simm.s32 $0x400;
	[sflag:s5] =	ssyncadd.s32 $0xFFFFC000  }
0x1b5: {  	[tilespmem:s28], [sflag:$0x1] =	stream.indirect.gather [hbm4b:s2+s26], $0x80, s7, s26, $0xb8;
	[tilespmem:$0x10F80] =	vst v63  }
0x1b6: {  	_ =	swait.ge [sflag:s5], $0x4000  }
0x1b7: {  	[sflag:s5] =	ssyncset.done $0x0  }
0x1b8: {  	[sflag:s5] =	ssyncadd.s32 $0xFFFFC000  }
0x1b9: {  	[tilespmem:s29], [sflag:$0x1] =	stream.indirect.gather [hbm4b:s2+s26], $0x80, s12, s26, $0xb8;
	[tilespmem:$0x10F80] =	vst v63  }
0x1ba: {  	_ =	swait.ge [sflag:s5], $0x4000  }
0x1bb: {  	[sflag:s5] =	ssyncset.done $0x0  }
0x1bc: {  	[sflag:s5] =	ssyncadd.s32 $0xFFFFC000  }
0x1bd: {  	[tilespmem:s31], [sflag:$0x1] =	stream.indirect.gather [hbm4b:s2+s26], $0x80, s13, s26, $0xb8;
	[tilespmem:$0x10F80] =	vst v63  }
0x1be: {  	_ =	swait.ge [sflag:s5], $0x4000  }
0x1bf: {  	[sflag:s5] =	ssyncset.done $0x0  }
0x1c0: {  	[sflag:s5] =	ssyncadd.s32 $0xFFFFC000  }
0x1c1: {  	[tilespmem:s1], [sflag:$0x1] =	stream.indirect.gather [hbm4b:s2+s26], $0x80, s14, s26, $0xb8;
	[tilespmem:$0x10F80] =	vst v63  }
0x1c2: {  	_ =	swait.ge [sflag:s4], $0x4000  }
0x1c3: {  	s7 =	sld [smem:$0x7F8]  }
0x1c4: {  	[sflag:s4] =	ssyncset.done $0x0  }
0x1c5: {  	[sflag:s4] =	ssyncadd.s32 $0xFFFFC000  }
0x1c6: {  	[hbm4b:s7+s3] =	stream.linear.scatter [tilespmem:s28], [sflag:$0x2], $0x4000, $0x38;
	[tilespmem:$0x10F80] =	vst v63  }
0x1c7: {  	_ =	swait.ge [sflag:s4], $0x4000  }
0x1c8: {  	s7 =	sld [smem:$0x7F9]  }
0x1c9: {  	[sflag:s4] =	ssyncset.done $0x0  }
0x1ca: {  	[sflag:s4] =	ssyncadd.s32 $0xFFFFC000  }
0x1cb: {  	[hbm4b:s7+s3] =	stream.linear.scatter [tilespmem:s29], [sflag:$0x2], $0x4000, $0x38;
	[tilespmem:$0x10F80] =	vst v63  }
0x1cc: {  	_ =	swait.ge [sflag:s4], $0x4000  }
0x1cd: {  	s7 =	sld [smem:$0x7FA]  }
0x1ce: {  	[sflag:s4] =	ssyncset.done $0x0  }
0x1cf: {  	[sflag:s4] =	ssyncadd.s32 $0xFFFFC000  }
0x1d0: {  	[hbm4b:s7+s3] =	stream.linear.scatter [tilespmem:s31], [sflag:$0x2], $0x4000, $0x38;
	[tilespmem:$0x10F80] =	vst v63  }
0x1d1: {  	_ =	swait.ge [sflag:s4], $0x4000  }
0x1d2: {  	s7 =	sld [smem:$0x7FB]  }
0x1d3: {  	[sflag:s4] =	ssyncset.done $0x0  }
0x1d4: {  	[sflag:s4] =	ssyncadd.s32 $0xFFFFC000  }
0x1d5: {  	[hbm4b:s7+s3] =	stream.linear.scatter [tilespmem:s1], [sflag:$0x2], $0x4000, $0x38;
	[tilespmem:$0x10F80] =	vst v63  }
0x1d6: {  	_ =	swait.ge [sflag:s5], $0x4000  }
0x1d7: {  	[sflag:s5] =	ssyncset.done $0x0  }
0x1d8: {  	[sflag:s5] =	ssyncadd.s32 $0xFFFFC000  }
0x1d9: {  	[tilespmem:s28], [sflag:$0x1] =	stream.indirect.gather [hbm4b:s2+s26], $0x80, s15, s26, $0xb8;
	[tilespmem:$0x10F80] =	vst v63  }
0x1da: {  	_ =	swait.ge [sflag:s5], $0x4000  }
0x1db: {  	[sflag:s5] =	ssyncset.done $0x0  }
0x1dc: {  	[sflag:s5] =	ssyncadd.s32 $0xFFFFC000  }
0x1dd: {  	[tilespmem:s29], [sflag:$0x1] =	stream.indirect.gather [hbm4b:s2+s26], $0x80, s16, s26, $0xb8;
	[tilespmem:$0x10F80] =	vst v63  }
0x1de: {  	_ =	swait.ge [sflag:s5], $0x4000  }
0x1df: {  	[sflag:s5] =	ssyncset.done $0x0  }
0x1e0: {  	[sflag:s5] =	ssyncadd.s32 $0xFFFFC000  }
0x1e1: {  	[tilespmem:s31], [sflag:$0x1] =	stream.indirect.gather [hbm4b:s2+s26], $0x80, s17, s26, $0xb8;
	[tilespmem:$0x10F80] =	vst v63  }
0x1e2: {  	_ =	swait.ge [sflag:s5], $0x4000  }
0x1e3: {  	[sflag:s5] =	ssyncset.done $0x0  }
0x1e4: {  	[sflag:s5] =	ssyncadd.s32 $0xFFFFC000  }
0x1e5: {  	[tilespmem:s1], [sflag:$0x1] =	stream.indirect.gather [hbm4b:s2+s26], $0x80, s19, s26, $0xb8;
	[tilespmem:$0x10F80] =	vst v63  }
0x1e6: {  	_ =	swait.ge [sflag:s4], $0x4000  }
0x1e7: {  	[sflag:s4] =	ssyncset.done $0x0  }
0x1e8: {  	s7 =	rddreg [dreg:$0x18];
	[sflag:s4] =	ssyncadd.s32 $0xFFFFC000  }
0x1e9: {  	[hbm4b:s7+s3] =	stream.linear.scatter [tilespmem:s28], [sflag:$0x2], $0x4000, $0x38;
	[tilespmem:$0x10F80] =	vst v63  }
0x1ea: {  	_ =	swait.ge [sflag:s4], $0x4000  }
0x1eb: {  	[sflag:s4] =	ssyncset.done $0x0  }
0x1ec: {  	s7 =	rddreg [dreg:$0x1a];
	[sflag:s4] =	ssyncadd.s32 $0xFFFFC000  }
0x1ed: {  	[hbm4b:s7+s3] =	stream.linear.scatter [tilespmem:s29], [sflag:$0x2], $0x4000, $0x38;
	[tilespmem:$0x10F80] =	vst v63  }
0x1ee: {  	_ =	swait.ge [sflag:s4], $0x4000  }
0x1ef: {  	[sflag:s4] =	ssyncset.done $0x0  }
0x1f0: {  	s7 =	rddreg [dreg:$0x1b];
	[sflag:s4] =	ssyncadd.s32 $0xFFFFC000  }
0x1f1: {  	[hbm4b:s7+s3] =	stream.linear.scatter [tilespmem:s31], [sflag:$0x2], $0x4000, $0x38;
	[tilespmem:$0x10F80] =	vst v63  }
0x1f2: {  	_ =	swait.ge [sflag:s4], $0x4000  }
0x1f3: {  	[sflag:s4] =	ssyncset.done $0x0  }
0x1f4: {  	s7 =	rddreg [dreg:$0x1c];
	[sflag:s4] =	ssyncadd.s32 $0xFFFFC000  }
0x1f5: {  	[hbm4b:s7+s3] =	stream.linear.scatter [tilespmem:s1], [sflag:$0x2], $0x4000, $0x38;
	[tilespmem:$0x10F80] =	vst v63  }
0x1f6: {  	_ =	swait.ge [sflag:s5], $0x4000  }
0x1f7: {  	[sflag:s5] =	ssyncset.done $0x0  }
0x1f8: {  	[sflag:s5] =	ssyncadd.s32 $0xFFFFC000  }
0x1f9: {  	[tilespmem:s28], [sflag:$0x1] =	stream.indirect.gather [hbm4b:s2+s26], $0x80, s20, s26, $0xb8;
	[tilespmem:$0x10F80] =	vst v63  }
0x1fa: {  	_ =	swait.ge [sflag:s5], $0x4000  }
0x1fb: {  	[sflag:s5] =	ssyncset.done $0x0  }
0x1fc: {  	[sflag:s5] =	ssyncadd.s32 $0xFFFFC000  }
0x1fd: {  	[tilespmem:s29], [sflag:$0x1] =	stream.indirect.gather [hbm4b:s2+s26], $0x80, s22, s26, $0xb8;
	[tilespmem:$0x10F80] =	vst v63  }
0x1fe: {  	_ =	swait.ge [sflag:s5], $0x4000  }
0x1ff: {  	[sflag:s5] =	ssyncset.done $0x0  }
0x200: {  	s7 =	simm.s32 $0x78;
	[sflag:s5] =	ssyncadd.s32 $0xFFFFC000  }
0x201: {  	[tilespmem:s31], [sflag:$0x1] =	stream.indirect.gather [hbm4b:s2+s7], $0x80, s6, s7, $0xb8;
	[tilespmem:$0x10F80] =	vst v63  }
0x202: {  	_ =	swait.ge [sflag:s5], $0x4000  }
0x203: {  	[sflag:s5] =	ssyncset.done $0x0  }
0x204: {  	[sflag:s5] =	ssyncadd.s32 $0xFFFFC000  }
0x205: {  	_ =	swait.ge [sflag:s4], $0x4000  }
0x206: {  	[sflag:s4] =	ssyncset.done $0x0  }
0x207: {  	s7 =	rddreg [dreg:$0x1d];
	[sflag:s4] =	ssyncadd.s32 $0xFFFFC000  }
0x208: {  	[hbm4b:s7+s3] =	stream.linear.scatter [tilespmem:s28], [sflag:$0x2], $0x4000, $0x38;
	[tilespmem:$0x10F80] =	vst v63  }
0x209: {  	_ =	swait.ge [sflag:s4], $0x4000  }
0x20a: {  	[sflag:s4] =	ssyncset.done $0x0  }
0x20b: {  	s7 =	rddreg [dreg:$0x1e];
	[sflag:s4] =	ssyncadd.s32 $0xFFFFC000  }
0x20c: {  	[hbm4b:s7+s3] =	stream.linear.scatter [tilespmem:s29], [sflag:$0x2], $0x4000, $0x38;
	[tilespmem:$0x10F80] =	vst v63  }
0x20d: {  	_ =	swait.ge [sflag:s4], $0x3C00  }
0x20e: {  	[sflag:s4] =	ssyncset.done $0x0  }
0x20f: {  	s7 =	rddreg [dreg:$0x1f];
	[sflag:s4] =	ssyncadd.s32 $0xFFFFC400  }
0x210: {  	[hbm4b:s7+s3] =	stream.linear.scatter [tilespmem:s31], [sflag:$0x2], $0x3C00, $0x38;
	[tilespmem:$0x10F80] =	vst v63  }
0x211: {  	_ =	swait.ge [sflag:s5], $0x4000  }
0x212: {  	[sflag:s5] =	ssyncset.done $0x0  }
0x213: {  	[sflag:s5] =	ssyncadd.s32 $0xFFFFC000  }
0x214: {  	_ =	swait.ge [sflag:s5], $0x4000  }
.Ltmp6:
0x215: {  	[sflag:s5] =	ssyncset.done $0x0;
	(pc) =	sbr.rel .LBB2_9-.Ltmp6, $4  }
0x216: {  	[sflag:s5] =	ssyncadd.s32 $0xFFFFC000  }
0x217: {  	_ =	swait.ge [sflag:s5], $0x3C00  }
0x218: {  	[sflag:s5] =	ssyncset.done $0x0  }
0x219: {  	[sflag:s5] =	ssyncadd.s32 $0xFFFFC400  }
.LBB2_10:
0x21a: {  	_ =	sfence.sel $0x180000  }
0x21b: {  	[bflag:$0x0] =	sbarrier.arrive $0xFFFF  }
0x21c: {  	_ =	strace $0x90000047  }
0x21d: {  	s0 =	stileid.u32;
	[bflag:$0x2] =	sbarrier.arrive $0xFFFF  }
0x21e: {  	p0 =	sne.s32 s0, $0x0;
	s0 =	rddreg [dreg:$0x3]  }
0x21f: {  	s0 =	sadd.s32 @!p0 $0x100000, s0  }
0x220: {  	[sflag:s0] =	ssyncadd.tile.s32 @!p0 $0x1;
	_ =	shalt  }
.Lfunc_end2:
_tile_overlayer_lowered:
.L_overlay_start_2:
0x221: {  	(tag) =	ssettag $0x2  }
0x222: {  	s0 =	rddreg [dreg:$0x0];
	s2 =	stileid.u32  }
0x223: {  	s1 =	rddreg [dreg:$0x1];
	p0 =	sne.s32 s2, $0x0  }
0x224: {  	s3 =	rddreg [dreg:$0x2];
	[bflag:$0x3] =	sbarrier.arrive $0xFFFF;
	s2 =	simm.s32 @!p0 $0x1C03  }
0x225: {  	[timem:s3], [sflag:s2] =	dma.local @!p0 [hbm:s0], s1  }
0x226: {  	s0 =	simm.s32 @!p0 $0x3  }
0x227: {  	_ =	swait.ge @!p0 [sflag:s0], s1  }
0x228: {  	s1 =	ssub.s32 @!p0 $0x0, s1;
	[sflag:s0] =	ssyncset.done @!p0 $0x0  }
0x229: {  	[sflag:s0] =	ssyncadd.s32 @!p0 s1  }
0x22a: {  	[bflag:$0x3] =	sbarrier.arrive $0xFFFF  }
0x22b: {  	_ =	shalt  }

</sc_bundles>
